<compile_context>
chip_gen: v7x
topology: tpu7x:2x2x1
jax: 0.10.2.dev20260603
libtpu: 0.0.44.dev20260713+nightly
codegen_flags: <defaults>
</compile_context>

<pallas_src>
import functools

import jax
import jax.numpy as jnp
from jax import lax
from jax.experimental import pallas as pl
from jax.experimental.pallas import tpu as pltpu
from jax.experimental.pallas import tpu_sc as plsc

N_TOT = 8388608
NC = 2
NS = 16
L = 16
NW = NC * NS
NE = N_TOT // NW
CH = 16384
NCH = NE // CH
NBUF = 3
U = 4
STEPS = CH // (U * L)

_mesh = plsc.VectorSubcoreMesh(core_axis_name="c", subcore_axis_name="s")


@functools.partial(
    pl.kernel,
    mesh=_mesh,
    out_type=jax.ShapeDtypeStruct((NW, 3, L), jnp.int32),
    scratch_types=(
        [pltpu.VMEM((CH,), jnp.int32) for _ in range(2 * NBUF)]
        + [pltpu.VMEM((3, L), jnp.int32)]
        + [pltpu.SemaphoreType.DMA for _ in range(NBUF)]
    ),
)
def _sc_partial_counts(p_hbm, g_hbm, out_hbm, *scr):
    pbufs = scr[0:NBUF]
    gbufs = scr[NBUF:2 * NBUF]
    accv = scr[2 * NBUF]
    sems = scr[2 * NBUF + 1:]

    wid = lax.axis_index("s") * NC + lax.axis_index("c")
    base = wid * NE

    def start(c):
        b = c % NBUF
        off = base + c * CH
        hp = pltpu.async_copy(p_hbm.at[pl.ds(off, CH)], pbufs[b], sems[b])
        hg = pltpu.async_copy(g_hbm.at[pl.ds(off, CH)], gbufs[b], sems[b])
        return hp, hg

    inflight = {c: start(c) for c in range(NBUF - 1)}
    zero = jnp.zeros((L,), jnp.int32)
    acc = (zero, zero, zero, zero, zero, zero)

    for c in range(NCH):
        if c + NBUF - 1 < NCH:
            inflight[c + NBUF - 1] = start(c + NBUF - 1)
        hp, hg = inflight.pop(c)
        hp.wait()
        hg.wait()
        b = c % NBUF
        pb = pbufs[b]
        gb = gbufs[b]

        @plsc.parallel_loop(0, STEPS, step=1, unroll=8, carry=acc)
        def acc(i, carry, pb=pb, gb=gb):
            a0, a1, a2, b0, b1, b2 = carry
            o0 = i * (U * L)
            for u in range(U):
                pv = pb[pl.ds(o0 + u * L, L)]
                gv = gb[pl.ds(o0 + u * L, L)]
                if u % 2 == 0:
                    a0 = a0 + pv
                    a1 = a1 + gv
                    a2 = a2 + (pv & gv)
                else:
                    b0 = b0 + pv
                    b1 = b1 + gv
                    b2 = b2 + (pv & gv)
            return a0, a1, a2, b0, b1, b2

    a0, a1, a2, b0, b1, b2 = acc
    accv[0] = a0 + b0
    accv[1] = a1 + b1
    accv[2] = a2 + b2
    pltpu.sync_copy(accv, out_hbm.at[wid])


def _combine_body(part_ref, conf_ref, out_ref):
    x = part_ref[...]
    s2 = jnp.sum(x, axis=0)
    s = jnp.sum(s2, axis=1)
    spf = s[0].astype(jnp.float32)
    sgf = s[1].astype(jnp.float32)
    spgf = s[2].astype(jnp.float32)
    c00 = jnp.float32(N_TOT) - spf - sgf + spgf
    c01 = sgf - spgf
    c10 = spf - spgf
    c11 = spgf
    ii = lax.broadcasted_iota(jnp.int32, (2, 2), 0)
    jj = lax.broadcasted_iota(jnp.int32, (2, 2), 1)
    cm = jnp.where(
        (ii == 0) & (jj == 0),
        c00,
        jnp.where((ii == 0) & (jj == 1), c01, jnp.where(jj == 0, c10, c11)),
    )
    out_ref[...] = conf_ref[...] + cm


_combine = pl.pallas_call(
    _combine_body,
    out_shape=jax.ShapeDtypeStruct((2, 2), jnp.float32),
)


def kernel(pred_labels, gt_labels, conf_matrix):
    partials = _sc_partial_counts(pred_labels, gt_labels)
    return _combine(partials, conf_matrix)

# --- scband reference (transcript-rebuilt; emitter-appended) ---
"""Pipeline reference for scband-classification-metrics-24481313587537 (READ-ONLY COPY).

The authoritative reference and input builder live on the scoring server;
editing this copy changes nothing except your own understanding.
"""

import jax, jax.numpy as jnp
import numpy as np

N = 8388608
C = 2

def setup_inputs(seed: int = 0) -> dict:
    key = jax.random.key(seed)
    k1, k2 = jax.random.split(key)
    pred_labels = jax.random.randint(k1, (N,), 0, C, dtype=jnp.int32)
    gt_labels = jax.random.randint(k2, (N,), 0, C, dtype=jnp.int32)
    conf_matrix = jnp.zeros((C, C), dtype=jnp.float32)
    return {"pred_labels": pred_labels, "gt_labels": gt_labels, "conf_matrix": conf_matrix}

def reference(pred_labels, gt_labels, conf_matrix):
    # torch: idxs = stack([pred, gt]); conf_matrix.index_put_(tuple(idxs), ones, accumulate=True)
    ones = jnp.ones((pred_labels.shape[0],), dtype=conf_matrix.dtype)
    cm = conf_matrix.at[pred_labels, gt_labels].add(ones)
    return cm

if __name__ == "__main__":
    import jax
    _d = setup_inputs()
    print(jax.jit(kernel)(*tuple(_d.values())))

</pallas_src>

<mosaic_0001>
#map = affine_map<(d0, d1) -> (0)>
#map1 = affine_map<(d0, d1) -> (0, 0, 0)>
module attributes {stable_mosaic.version = 14 : i64} {
  func.func @_sc_partial_counts(%arg0: i32, %arg1: i32, %arg2: memref<8388608xi32, #tpu.memory_space<hbm>>, %arg3: memref<8388608xi32, #tpu.memory_space<hbm>>, %arg4: memref<32x3x16xi32, #tpu.memory_space<hbm>>, %arg5: memref<16384xi32, #tpu.memory_space<vmem>>, %arg6: memref<16384xi32, #tpu.memory_space<vmem>>, %arg7: memref<16384xi32, #tpu.memory_space<vmem>>, %arg8: memref<16384xi32, #tpu.memory_space<vmem>>, %arg9: memref<16384xi32, #tpu.memory_space<vmem>>, %arg10: memref<16384xi32, #tpu.memory_space<vmem>>, %arg11: memref<3x16xi32, #tpu.memory_space<vmem>>, %arg12: memref<!tpu.dma_semaphore, #tpu.memory_space<semaphore_mem>>, %arg13: memref<!tpu.dma_semaphore, #tpu.memory_space<semaphore_mem>>, %arg14: memref<!tpu.dma_semaphore, #tpu.memory_space<semaphore_mem>>) attributes {dimension_semantics = [#tpu.dimension_semantics<core_parallel>, #tpu.dimension_semantics<subcore_parallel>], iteration_bounds = array<i64: 2, 16>, scalar_prefetch = 0 : i64, scratch_operands = 10 : i64, tpu.core_type = #tpu.core_type<sc_vector_subcore>, window_params = [{transform_indices = #map}, {transform_indices = #map}, {transform_indices = #map1}]} {
    %mul3A = arith.constant 2 : i32
    %mul3A_0 = arith.muli %arg1, %mul3A : i32
    %add3A = arith.addi %mul3A_0, %arg0 : i32
    %mul3A_1 = arith.constant 262144 : i32
    %mul3A_2 = arith.muli %add3A, %mul3A_1 : i32
    %add3A_3 = arith.constant 0 : i32
    %add3A_4 = arith.addi %mul3A_2, %add3A_3 : i32
    %dma_start3A = tpu.memref_slice %arg2[%add3A_4] : memref<8388608xi32, #tpu.memory_space<hbm>> -> memref<16384xi32, #tpu.memory_space<hbm>>
    %dma_start3A_5 = tpu.memref_slice %arg2[%add3A_4] : memref<8388608xi32, #tpu.memory_space<hbm>> -> memref<16384xi32, #tpu.memory_space<hbm>>
    tpu.enqueue_dma source(%dma_start3A_5 : memref<16384xi32, #tpu.memory_space<hbm>>) target(%arg5 : memref<16384xi32, #tpu.memory_space<vmem>>) target_semaphore(%arg12 : memref<!tpu.dma_semaphore, #tpu.memory_space<semaphore_mem>>)
    %dma_start3A_6 = tpu.memref_slice %arg3[%add3A_4] : memref<8388608xi32, #tpu.memory_space<hbm>> -> memref<16384xi32, #tpu.memory_space<hbm>>
    %dma_start3A_7 = tpu.memref_slice %arg3[%add3A_4] : memref<8388608xi32, #tpu.memory_space<hbm>> -> memref<16384xi32, #tpu.memory_space<hbm>>
    tpu.enqueue_dma source(%dma_start3A_7 : memref<16384xi32, #tpu.memory_space<hbm>>) target(%arg8 : memref<16384xi32, #tpu.memory_space<vmem>>) target_semaphore(%arg12 : memref<!tpu.dma_semaphore, #tpu.memory_space<semaphore_mem>>)
    %add3A_8 = arith.constant 16384 : i32
    %add3A_9 = arith.addi %mul3A_2, %add3A_8 : i32
    %dma_start3A_10 = tpu.memref_slice %arg2[%add3A_9] : memref<8388608xi32, #tpu.memory_space<hbm>> -> memref<16384xi32, #tpu.memory_space<hbm>>
    %dma_start3A_11 = tpu.memref_slice %arg2[%add3A_9] : memref<8388608xi32, #tpu.memory_space<hbm>> -> memref<16384xi32, #tpu.memory_space<hbm>>
    tpu.enqueue_dma source(%dma_start3A_11 : memref<16384xi32, #tpu.memory_space<hbm>>) target(%arg6 : memref<16384xi32, #tpu.memory_space<vmem>>) target_semaphore(%arg13 : memref<!tpu.dma_semaphore, #tpu.memory_space<semaphore_mem>>)
    %dma_start3A_12 = tpu.memref_slice %arg3[%add3A_9] : memref<8388608xi32, #tpu.memory_space<hbm>> -> memref<16384xi32, #tpu.memory_space<hbm>>
    %dma_start3A_13 = tpu.memref_slice %arg3[%add3A_9] : memref<8388608xi32, #tpu.memory_space<hbm>> -> memref<16384xi32, #tpu.memory_space<hbm>>
    tpu.enqueue_dma source(%dma_start3A_13 : memref<16384xi32, #tpu.memory_space<hbm>>) target(%arg9 : memref<16384xi32, #tpu.memory_space<vmem>>) target_semaphore(%arg13 : memref<!tpu.dma_semaphore, #tpu.memory_space<semaphore_mem>>)
    %broadcast_in_dim3A = arith.constant 0 : i32
    %broadcast_in_dim3A_14 = vector.broadcast %broadcast_in_dim3A : i32 to vector<16xi32>
    %add3A_15 = arith.constant 32768 : i32
    %add3A_16 = arith.addi %mul3A_2, %add3A_15 : i32
    %dma_start3A_17 = tpu.memref_slice %arg2[%add3A_16] : memref<8388608xi32, #tpu.memory_space<hbm>> -> memref<16384xi32, #tpu.memory_space<hbm>>
    %dma_start3A_18 = tpu.memref_slice %arg2[%add3A_16] : memref<8388608xi32, #tpu.memory_space<hbm>> -> memref<16384xi32, #tpu.memory_space<hbm>>
    tpu.enqueue_dma source(%dma_start3A_18 : memref<16384xi32, #tpu.memory_space<hbm>>) target(%arg7 : memref<16384xi32, #tpu.memory_space<vmem>>) target_semaphore(%arg14 : memref<!tpu.dma_semaphore, #tpu.memory_space<semaphore_mem>>)
    %dma_start3A_19 = tpu.memref_slice %arg3[%add3A_16] : memref<8388608xi32, #tpu.memory_space<hbm>> -> memref<16384xi32, #tpu.memory_space<hbm>>
    %dma_start3A_20 = tpu.memref_slice %arg3[%add3A_16] : memref<8388608xi32, #tpu.memory_space<hbm>> -> memref<16384xi32, #tpu.memory_space<hbm>>
    tpu.enqueue_dma source(%dma_start3A_20 : memref<16384xi32, #tpu.memory_space<hbm>>) target(%arg10 : memref<16384xi32, #tpu.memory_space<vmem>>) target_semaphore(%arg14 : memref<!tpu.dma_semaphore, #tpu.memory_space<semaphore_mem>>)
    %dma_wait3A = tpu.memref_slice %arg2[%add3A_4] : memref<8388608xi32, #tpu.memory_space<hbm>> -> memref<16384xi32, #tpu.memory_space<hbm>>
    %dma_wait3A_21 = tpu.memref_slice %arg2[%add3A_4] : memref<8388608xi32, #tpu.memory_space<hbm>> -> memref<16384xi32, #tpu.memory_space<hbm>>
    tpu.wait_dma2 semaphore(%arg12 : memref<!tpu.dma_semaphore, #tpu.memory_space<semaphore_mem>>) src(%dma_wait3A_21 : memref<16384xi32, #tpu.memory_space<hbm>>) dst(%arg5 : memref<16384xi32, #tpu.memory_space<vmem>>)
    %dma_wait3A_22 = tpu.memref_slice %arg3[%add3A_4] : memref<8388608xi32, #tpu.memory_space<hbm>> -> memref<16384xi32, #tpu.memory_space<hbm>>
    %dma_wait3A_23 = tpu.memref_slice %arg3[%add3A_4] : memref<8388608xi32, #tpu.memory_space<hbm>> -> memref<16384xi32, #tpu.memory_space<hbm>>
    tpu.wait_dma2 semaphore(%arg12 : memref<!tpu.dma_semaphore, #tpu.memory_space<semaphore_mem>>) src(%dma_wait3A_23 : memref<16384xi32, #tpu.memory_space<hbm>>) dst(%arg8 : memref<16384xi32, #tpu.memory_space<vmem>>)
    %parallel_loop3A = arith.constant 0 : i32
    %parallel_loop3A_24 = arith.constant 256 : i32
    %parallel_loop3A_25 = arith.constant 1 : i32
    %parallel_loop3A_26:6 = scf.for %parallel_loop3A_245 = %parallel_loop3A to %parallel_loop3A_24 step %parallel_loop3A_25 iter_args(%parallel_loop3A_246 = %broadcast_in_dim3A_14, %parallel_loop3A_247 = %broadcast_in_dim3A_14, %parallel_loop3A_248 = %broadcast_in_dim3A_14, %parallel_loop3A_249 = %broadcast_in_dim3A_14, %parallel_loop3A_250 = %broadcast_in_dim3A_14, %parallel_loop3A_251 = %broadcast_in_dim3A_14) -> (vector<16xi32>, vector<16xi32>, vector<16xi32>, vector<16xi32>, vector<16xi32>, vector<16xi32>)  : i32 {
      %parallel_loop3A_252 = arith.constant 64 : i32
      %parallel_loop3A_253 = arith.muli %parallel_loop3A_245, %parallel_loop3A_252 : i32
      %parallel_loop3A_254 = arith.constant 0 : i32
      %parallel_loop3A_255 = arith.addi %parallel_loop3A_253, %parallel_loop3A_254 : i32
      %parallel_loop3A_256 = arith.index_cast %parallel_loop3A_255 : i32 to index
      %parallel_loop3A_257 = tpu.vector_load %arg5[%parallel_loop3A_256] {strides = array<i32>} : memref<16384xi32, #tpu.memory_space<vmem>>, vector<16xi32>,
      %parallel_loop3A_258 = vector.shape_cast %parallel_loop3A_257 : vector<16xi32> to vector<16xi32>
      %parallel_loop3A_259 = arith.constant 0 : i32
      %parallel_loop3A_260 = arith.addi %parallel_loop3A_253, %parallel_loop3A_259 : i32
      %parallel_loop3A_261 = arith.index_cast %parallel_loop3A_260 : i32 to index
      %parallel_loop3A_262 = tpu.vector_load %arg8[%parallel_loop3A_261] {strides = array<i32>} : memref<16384xi32, #tpu.memory_space<vmem>>, vector<16xi32>,
      %parallel_loop3A_263 = vector.shape_cast %parallel_loop3A_262 : vector<16xi32> to vector<16xi32>
      %parallel_loop3A_264 = arith.addi %parallel_loop3A_246, %parallel_loop3A_258 : vector<16xi32>
      %parallel_loop3A_265 = arith.addi %parallel_loop3A_247, %parallel_loop3A_263 : vector<16xi32>
      %parallel_loop3A_266 = arith.andi %parallel_loop3A_258, %parallel_loop3A_263 : vector<16xi32>
      %parallel_loop3A_267 = arith.addi %parallel_loop3A_248, %parallel_loop3A_266 : vector<16xi32>
      %parallel_loop3A_268 = arith.constant 16 : i32
      %parallel_loop3A_269 = arith.addi %parallel_loop3A_253, %parallel_loop3A_268 : i32
      %parallel_loop3A_270 = arith.index_cast %parallel_loop3A_269 : i32 to index
      %parallel_loop3A_271 = tpu.vector_load %arg5[%parallel_loop3A_270] {strides = array<i32>} : memref<16384xi32, #tpu.memory_space<vmem>>, vector<16xi32>,
      %parallel_loop3A_272 = vector.shape_cast %parallel_loop3A_271 : vector<16xi32> to vector<16xi32>
      %parallel_loop3A_273 = arith.constant 16 : i32
      %parallel_loop3A_274 = arith.addi %parallel_loop3A_253, %parallel_loop3A_273 : i32
      %parallel_loop3A_275 = arith.index_cast %parallel_loop3A_274 : i32 to index
      %parallel_loop3A_276 = tpu.vector_load %arg8[%parallel_loop3A_275] {strides = array<i32>} : memref<16384xi32, #tpu.memory_space<vmem>>, vector<16xi32>,
      %parallel_loop3A_277 = vector.shape_cast %parallel_loop3A_276 : vector<16xi32> to vector<16xi32>
      %parallel_loop3A_278 = arith.addi %parallel_loop3A_249, %parallel_loop3A_272 : vector<16xi32>
      %parallel_loop3A_279 = arith.addi %parallel_loop3A_250, %parallel_loop3A_277 : vector<16xi32>
      %parallel_loop3A_280 = arith.andi %parallel_loop3A_272, %parallel_loop3A_277 : vector<16xi32>
      %parallel_loop3A_281 = arith.addi %parallel_loop3A_251, %parallel_loop3A_280 : vector<16xi32>
      %parallel_loop3A_282 = arith.constant 32 : i32
      %parallel_loop3A_283 = arith.addi %parallel_loop3A_253, %parallel_loop3A_282 : i32
      %parallel_loop3A_284 = arith.index_cast %parallel_loop3A_283 : i32 to index
      %parallel_loop3A_285 = tpu.vector_load %arg5[%parallel_loop3A_284] {strides = array<i32>} : memref<16384xi32, #tpu.memory_space<vmem>>, vector<16xi32>,
      %parallel_loop3A_286 = vector.shape_cast %parallel_loop3A_285 : vector<16xi32> to vector<16xi32>
      %parallel_loop3A_287 = arith.constant 32 : i32
      %parallel_loop3A_288 = arith.addi %parallel_loop3A_253, %parallel_loop3A_287 : i32
      %parallel_loop3A_289 = arith.index_cast %parallel_loop3A_288 : i32 to index
      %parallel_loop3A_290 = tpu.vector_load %arg8[%parallel_loop3A_289] {strides = array<i32>} : memref<16384xi32, #tpu.memory_space<vmem>>, vector<16xi32>,
      %parallel_loop3A_291 = vector.shape_cast %parallel_loop3A_290 : vector<16xi32> to vector<16xi32>
      %parallel_loop3A_292 = arith.addi %parallel_loop3A_264, %parallel_loop3A_286 : vector<16xi32>
      %parallel_loop3A_293 = arith.addi %parallel_loop3A_265, %parallel_loop3A_291 : vector<16xi32>
      %parallel_loop3A_294 = arith.andi %parallel_loop3A_286, %parallel_loop3A_291 : vector<16xi32>
      %parallel_loop3A_295 = arith.addi %parallel_loop3A_267, %parallel_loop3A_294 : vector<16xi32>
      %parallel_loop3A_296 = arith.constant 48 : i32
      %parallel_loop3A_297 = arith.addi %parallel_loop3A_253, %parallel_loop3A_296 : i32
      %parallel_loop3A_298 = arith.index_cast %parallel_loop3A_297 : i32 to index
      %parallel_loop3A_299 = tpu.vector_load %arg5[%parallel_loop3A_298] {strides = array<i32>} : memref<16384xi32, #tpu.memory_space<vmem>>, vector<16xi32>,
      %parallel_loop3A_300 = vector.shape_cast %parallel_loop3A_299 : vector<16xi32> to vector<16xi32>
      %parallel_loop3A_301 = arith.constant 48 : i32
      %parallel_loop3A_302 = arith.addi %parallel_loop3A_253, %parallel_loop3A_301 : i32
      %parallel_loop3A_303 = arith.index_cast %parallel_loop3A_302 : i32 to index
      %parallel_loop3A_304 = tpu.vector_load %arg8[%parallel_loop3A_303] {strides = array<i32>} : memref<16384xi32, #tpu.memory_space<vmem>>, vector<16xi32>,
      %parallel_loop3A_305 = vector.shape_cast %parallel_loop3A_304 : vector<16xi32> to vector<16xi32>
      %parallel_loop3A_306 = arith.addi %parallel_loop3A_278, %parallel_loop3A_300 : vector<16xi32>
      %parallel_loop3A_307 = arith.addi %parallel_loop3A_279, %parallel_loop3A_305 : vector<16xi32>
      %parallel_loop3A_308 = arith.andi %parallel_loop3A_300, %parallel_loop3A_305 : vector<16xi32>
      %parallel_loop3A_309 = arith.addi %parallel_loop3A_281, %parallel_loop3A_308 : vector<16xi32>
      scf.yield %parallel_loop3A_292, %parallel_loop3A_293, %parallel_loop3A_295, %parallel_loop3A_306, %parallel_loop3A_307, %parallel_loop3A_309 : vector<16xi32>, vector<16xi32>, vector<16xi32>, vector<16xi32>, vector<16xi32>, vector<16xi32>
    } {sc.loop_unroll_factor = 8 : i64, sc.parallel_access}
    %add3A_27 = arith.constant 49152 : i32
    %add3A_28 = arith.addi %mul3A_2, %add3A_27 : i32
    %dma_start3A_29 = tpu.memref_slice %arg2[%add3A_28] : memref<8388608xi32, #tpu.memory_space<hbm>> -> memref<16384xi32, #tpu.memory_space<hbm>>
    %dma_start3A_30 = tpu.memref_slice %arg2[%add3A_28] : memref<8388608xi32, #tpu.memory_space<hbm>> -> memref<16384xi32, #tpu.memory_space<hbm>>
    tpu.enqueue_dma source(%dma_start3A_30 : memref<16384xi32, #tpu.memory_space<hbm>>) target(%arg5 : memref<16384xi32, #tpu.memory_space<vmem>>) target_semaphore(%arg12 : memref<!tpu.dma_semaphore, #tpu.memory_space<semaphore_mem>>)
    %dma_start3A_31 = tpu.memref_slice %arg3[%add3A_28] : memref<8388608xi32, #tpu.memory_space<hbm>> -> memref<16384xi32, #tpu.memory_space<hbm>>
    %dma_start3A_32 = tpu.memref_slice %arg3[%add3A_28] : memref<8388608xi32, #tpu.memory_space<hbm>> -> memref<16384xi32, #tpu.memory_space<hbm>>
    tpu.enqueue_dma source(%dma_start3A_32 : memref<16384xi32, #tpu.memory_space<hbm>>) target(%arg8 : memref<16384xi32, #tpu.memory_space<vmem>>) target_semaphore(%arg12 : memref<!tpu.dma_semaphore, #tpu.memory_space<semaphore_mem>>)
    %dma_wait3A_33 = tpu.memref_slice %arg2[%add3A_9] : memref<8388608xi32, #tpu.memory_space<hbm>> -> memref<16384xi32, #tpu.memory_space<hbm>>
    %dma_wait3A_34 = tpu.memref_slice %arg2[%add3A_9] : memref<8388608xi32, #tpu.memory_space<hbm>> -> memref<16384xi32, #tpu.memory_space<hbm>>
    tpu.wait_dma2 semaphore(%arg13 : memref<!tpu.dma_semaphore, #tpu.memory_space<semaphore_mem>>) src(%dma_wait3A_34 : memref<16384xi32, #tpu.memory_space<hbm>>) dst(%arg6 : memref<16384xi32, #tpu.memory_space<vmem>>)
    %dma_wait3A_35 = tpu.memref_slice %arg3[%add3A_9] : memref<8388608xi32, #tpu.memory_space<hbm>> -> memref<16384xi32, #tpu.memory_space<hbm>>
    %dma_wait3A_36 = tpu.memref_slice %arg3[%add3A_9] : memref<8388608xi32, #tpu.memory_space<hbm>> -> memref<16384xi32, #tpu.memory_space<hbm>>
    tpu.wait_dma2 semaphore(%arg13 : memref<!tpu.dma_semaphore, #tpu.memory_space<semaphore_mem>>) src(%dma_wait3A_36 : memref<16384xi32, #tpu.memory_space<hbm>>) dst(%arg9 : memref<16384xi32, #tpu.memory_space<vmem>>)
    %parallel_loop3A_37 = arith.constant 0 : i32
    %parallel_loop3A_38 = arith.constant 256 : i32
    %parallel_loop3A_39 = arith.constant 1 : i32
    %parallel_loop3A_40:6 = scf.for %parallel_loop3A_245 = %parallel_loop3A_37 to %parallel_loop3A_38 step %parallel_loop3A_39 iter_args(%parallel_loop3A_246 = %parallel_loop3A_26#0, %parallel_loop3A_247 = %parallel_loop3A_26#1, %parallel_loop3A_248 = %parallel_loop3A_26#2, %parallel_loop3A_249 = %parallel_loop3A_26#3, %parallel_loop3A_250 = %parallel_loop3A_26#4, %parallel_loop3A_251 = %parallel_loop3A_26#5) -> (vector<16xi32>, vector<16xi32>, vector<16xi32>, vector<16xi32>, vector<16xi32>, vector<16xi32>)  : i32 {
      %parallel_loop3A_252 = arith.constant 64 : i32
      %parallel_loop3A_253 = arith.muli %parallel_loop3A_245, %parallel_loop3A_252 : i32
      %parallel_loop3A_254 = arith.constant 0 : i32
      %parallel_loop3A_255 = arith.addi %parallel_loop3A_253, %parallel_loop3A_254 : i32
      %parallel_loop3A_256 = arith.index_cast %parallel_loop3A_255 : i32 to index
      %parallel_loop3A_257 = tpu.vector_load %arg6[%parallel_loop3A_256] {strides = array<i32>} : memref<16384xi32, #tpu.memory_space<vmem>>, vector<16xi32>,
      %parallel_loop3A_258 = vector.shape_cast %parallel_loop3A_257 : vector<16xi32> to vector<16xi32>
      %parallel_loop3A_259 = arith.constant 0 : i32
      %parallel_loop3A_260 = arith.addi %parallel_loop3A_253, %parallel_loop3A_259 : i32
      %parallel_loop3A_261 = arith.index_cast %parallel_loop3A_260 : i32 to index
      %parallel_loop3A_262 = tpu.vector_load %arg9[%parallel_loop3A_261] {strides = array<i32>} : memref<16384xi32, #tpu.memory_space<vmem>>, vector<16xi32>,
      %parallel_loop3A_263 = vector.shape_cast %parallel_loop3A_262 : vector<16xi32> to vector<16xi32>
      %parallel_loop3A_264 = arith.addi %parallel_loop3A_246, %parallel_loop3A_258 : vector<16xi32>
      %parallel_loop3A_265 = arith.addi %parallel_loop3A_247, %parallel_loop3A_263 : vector<16xi32>
      %parallel_loop3A_266 = arith.andi %parallel_loop3A_258, %parallel_loop3A_263 : vector<16xi32>
      %parallel_loop3A_267 = arith.addi %parallel_loop3A_248, %parallel_loop3A_266 : vector<16xi32>
      %parallel_loop3A_268 = arith.constant 16 : i32
      %parallel_loop3A_269 = arith.addi %parallel_loop3A_253, %parallel_loop3A_268 : i32
      %parallel_loop3A_270 = arith.index_cast %parallel_loop3A_269 : i32 to index
      %parallel_loop3A_271 = tpu.vector_load %arg6[%parallel_loop3A_270] {strides = array<i32>} : memref<16384xi32, #tpu.memory_space<vmem>>, vector<16xi32>,
      %parallel_loop3A_272 = vector.shape_cast %parallel_loop3A_271 : vector<16xi32> to vector<16xi32>
      %parallel_loop3A_273 = arith.constant 16 : i32
      %parallel_loop3A_274 = arith.addi %parallel_loop3A_253, %parallel_loop3A_273 : i32
      %parallel_loop3A_275 = arith.index_cast %parallel_loop3A_274 : i32 to index
      %parallel_loop3A_276 = tpu.vector_load %arg9[%parallel_loop3A_275] {strides = array<i32>} : memref<16384xi32, #tpu.memory_space<vmem>>, vector<16xi32>,
      %parallel_loop3A_277 = vector.shape_cast %parallel_loop3A_276 : vector<16xi32> to vector<16xi32>
      %parallel_loop3A_278 = arith.addi %parallel_loop3A_249, %parallel_loop3A_272 : vector<16xi32>
      %parallel_loop3A_279 = arith.addi %parallel_loop3A_250, %parallel_loop3A_277 : vector<16xi32>
      %parallel_loop3A_280 = arith.andi %parallel_loop3A_272, %parallel_loop3A_277 : vector<16xi32>
      %parallel_loop3A_281 = arith.addi %parallel_loop3A_251, %parallel_loop3A_280 : vector<16xi32>
      %parallel_loop3A_282 = arith.constant 32 : i32
      %parallel_loop3A_283 = arith.addi %parallel_loop3A_253, %parallel_loop3A_282 : i32
      %parallel_loop3A_284 = arith.index_cast %parallel_loop3A_283 : i32 to index
      %parallel_loop3A_285 = tpu.vector_load %arg6[%parallel_loop3A_284] {strides = array<i32>} : memref<16384xi32, #tpu.memory_space<vmem>>, vector<16xi32>,
      %parallel_loop3A_286 = vector.shape_cast %parallel_loop3A_285 : vector<16xi32> to vector<16xi32>
      %parallel_loop3A_287 = arith.constant 32 : i32
      %parallel_loop3A_288 = arith.addi %parallel_loop3A_253, %parallel_loop3A_287 : i32
      %parallel_loop3A_289 = arith.index_cast %parallel_loop3A_288 : i32 to index
      %parallel_loop3A_290 = tpu.vector_load %arg9[%parallel_loop3A_289] {strides = array<i32>} : memref<16384xi32, #tpu.memory_space<vmem>>, vector<16xi32>,
      %parallel_loop3A_291 = vector.shape_cast %parallel_loop3A_290 : vector<16xi32> to vector<16xi32>
      %parallel_loop3A_292 = arith.addi %parallel_loop3A_264, %parallel_loop3A_286 : vector<16xi32>
      %parallel_loop3A_293 = arith.addi %parallel_loop3A_265, %parallel_loop3A_291 : vector<16xi32>
      %parallel_loop3A_294 = arith.andi %parallel_loop3A_286, %parallel_loop3A_291 : vector<16xi32>
      %parallel_loop3A_295 = arith.addi %parallel_loop3A_267, %parallel_loop3A_294 : vector<16xi32>
      %parallel_loop3A_296 = arith.constant 48 : i32
      %parallel_loop3A_297 = arith.addi %parallel_loop3A_253, %parallel_loop3A_296 : i32
      %parallel_loop3A_298 = arith.index_cast %parallel_loop3A_297 : i32 to index
      %parallel_loop3A_299 = tpu.vector_load %arg6[%parallel_loop3A_298] {strides = array<i32>} : memref<16384xi32, #tpu.memory_space<vmem>>, vector<16xi32>,
      %parallel_loop3A_300 = vector.shape_cast %parallel_loop3A_299 : vector<16xi32> to vector<16xi32>
      %parallel_loop3A_301 = arith.constant 48 : i32
      %parallel_loop3A_302 = arith.addi %parallel_loop3A_253, %parallel_loop3A_301 : i32
      %parallel_loop3A_303 = arith.index_cast %parallel_loop3A_302 : i32 to index
      %parallel_loop3A_304 = tpu.vector_load %arg9[%parallel_loop3A_303] {strides = array<i32>} : memref<16384xi32, #tpu.memory_space<vmem>>, vector<16xi32>,
      %parallel_loop3A_305 = vector.shape_cast %parallel_loop3A_304 : vector<16xi32> to vector<16xi32>
      %parallel_loop3A_306 = arith.addi %parallel_loop3A_278, %parallel_loop3A_300 : vector<16xi32>
      %parallel_loop3A_307 = arith.addi %parallel_loop3A_279, %parallel_loop3A_305 : vector<16xi32>
      %parallel_loop3A_308 = arith.andi %parallel_loop3A_300, %parallel_loop3A_305 : vector<16xi32>
      %parallel_loop3A_309 = arith.addi %parallel_loop3A_281, %parallel_loop3A_308 : vector<16xi32>
      scf.yield %parallel_loop3A_292, %parallel_loop3A_293, %parallel_loop3A_295, %parallel_loop3A_306, %parallel_loop3A_307, %parallel_loop3A_309 : vector<16xi32>, vector<16xi32>, vector<16xi32>, vector<16xi32>, vector<16xi32>, vector<16xi32>
    } {sc.loop_unroll_factor = 8 : i64, sc.parallel_access}
    %add3A_41 = arith.constant 65536 : i32
    %add3A_42 = arith.addi %mul3A_2, %add3A_41 : i32
    %dma_start3A_43 = tpu.memref_slice %arg2[%add3A_42] : memref<8388608xi32, #tpu.memory_space<hbm>> -> memref<16384xi32, #tpu.memory_space<hbm>>
    %dma_start3A_44 = tpu.memref_slice %arg2[%add3A_42] : memref<8388608xi32, #tpu.memory_space<hbm>> -> memref<16384xi32, #tpu.memory_space<hbm>>
    tpu.enqueue_dma source(%dma_start3A_44 : memref<16384xi32, #tpu.memory_space<hbm>>) target(%arg6 : memref<16384xi32, #tpu.memory_space<vmem>>) target_semaphore(%arg13 : memref<!tpu.dma_semaphore, #tpu.memory_space<semaphore_mem>>)
    %dma_start3A_45 = tpu.memref_slice %arg3[%add3A_42] : memref<8388608xi32, #tpu.memory_space<hbm>> -> memref<16384xi32, #tpu.memory_space<hbm>>
    %dma_start3A_46 = tpu.memref_slice %arg3[%add3A_42] : memref<8388608xi32, #tpu.memory_space<hbm>> -> memref<16384xi32, #tpu.memory_space<hbm>>
    tpu.enqueue_dma source(%dma_start3A_46 : memref<16384xi32, #tpu.memory_space<hbm>>) target(%arg9 : memref<16384xi32, #tpu.memory_space<vmem>>) target_semaphore(%arg13 : memref<!tpu.dma_semaphore, #tpu.memory_space<semaphore_mem>>)
    %dma_wait3A_47 = tpu.memref_slice %arg2[%add3A_16] : memref<8388608xi32, #tpu.memory_space<hbm>> -> memref<16384xi32, #tpu.memory_space<hbm>>
    %dma_wait3A_48 = tpu.memref_slice %arg2[%add3A_16] : memref<8388608xi32, #tpu.memory_space<hbm>> -> memref<16384xi32, #tpu.memory_space<hbm>>
    tpu.wait_dma2 semaphore(%arg14 : memref<!tpu.dma_semaphore, #tpu.memory_space<semaphore_mem>>) src(%dma_wait3A_48 : memref<16384xi32, #tpu.memory_space<hbm>>) dst(%arg7 : memref<16384xi32, #tpu.memory_space<vmem>>)
    %dma_wait3A_49 = tpu.memref_slice %arg3[%add3A_16] : memref<8388608xi32, #tpu.memory_space<hbm>> -> memref<16384xi32, #tpu.memory_space<hbm>>
    %dma_wait3A_50 = tpu.memref_slice %arg3[%add3A_16] : memref<8388608xi32, #tpu.memory_space<hbm>> -> memref<16384xi32, #tpu.memory_space<hbm>>
    tpu.wait_dma2 semaphore(%arg14 : memref<!tpu.dma_semaphore, #tpu.memory_space<semaphore_mem>>) src(%dma_wait3A_50 : memref<16384xi32, #tpu.memory_space<hbm>>) dst(%arg10 : memref<16384xi32, #tpu.memory_space<vmem>>)
    %parallel_loop3A_51 = arith.constant 0 : i32
    %parallel_loop3A_52 = arith.constant 256 : i32
    %parallel_loop3A_53 = arith.constant 1 : i32
    %parallel_loop3A_54:6 = scf.for %parallel_loop3A_245 = %parallel_loop3A_51 to %parallel_loop3A_52 step %parallel_loop3A_53 iter_args(%parallel_loop3A_246 = %parallel_loop3A_40#0, %parallel_loop3A_247 = %parallel_loop3A_40#1, %parallel_loop3A_248 = %parallel_loop3A_40#2, %parallel_loop3A_249 = %parallel_loop3A_40#3, %parallel_loop3A_250 = %parallel_loop3A_40#4, %parallel_loop3A_251 = %parallel_loop3A_40#5) -> (vector<16xi32>, vector<16xi32>, vector<16xi32>, vector<16xi32>, vector<16xi32>, vector<16xi32>)  : i32 {
      %parallel_loop3A_252 = arith.constant 64 : i32
      %parallel_loop3A_253 = arith.muli %parallel_loop3A_245, %parallel_loop3A_252 : i32
      %parallel_loop3A_254 = arith.constant 0 : i32
      %parallel_loop3A_255 = arith.addi %parallel_loop3A_253, %parallel_loop3A_254 : i32
      %parallel_loop3A_256 = arith.index_cast %parallel_loop3A_255 : i32 to index
      %parallel_loop3A_257 = tpu.vector_load %arg7[%parallel_loop3A_256] {strides = array<i32>} : memref<16384xi32, #tpu.memory_space<vmem>>, vector<16xi32>,
      %parallel_loop3A_258 = vector.shape_cast %parallel_loop3A_257 : vector<16xi32> to vector<16xi32>
      %parallel_loop3A_259 = arith.constant 0 : i32
      %parallel_loop3A_260 = arith.addi %parallel_loop3A_253, %parallel_loop3A_259 : i32
      %parallel_loop3A_261 = arith.index_cast %parallel_loop3A_260 : i32 to index
      %parallel_loop3A_262 = tpu.vector_load %arg10[%parallel_loop3A_261] {strides = array<i32>} : memref<16384xi32, #tpu.memory_space<vmem>>, vector<16xi32>,
      %parallel_loop3A_263 = vector.shape_cast %parallel_loop3A_262 : vector<16xi32> to vector<16xi32>
      %parallel_loop3A_264 = arith.addi %parallel_loop3A_246, %parallel_loop3A_258 : vector<16xi32>
      %parallel_loop3A_265 = arith.addi %parallel_loop3A_247, %parallel_loop3A_263 : vector<16xi32>
      %parallel_loop3A_266 = arith.andi %parallel_loop3A_258, %parallel_loop3A_263 : vector<16xi32>
      %parallel_loop3A_267 = arith.addi %parallel_loop3A_248, %parallel_loop3A_266 : vector<16xi32>
      %parallel_loop3A_268 = arith.constant 16 : i32
      %parallel_loop3A_269 = arith.addi %parallel_loop3A_253, %parallel_loop3A_268 : i32
      %parallel_loop3A_270 = arith.index_cast %parallel_loop3A_269 : i32 to index
      %parallel_loop3A_271 = tpu.vector_load %arg7[%parallel_loop3A_270] {strides = array<i32>} : memref<16384xi32, #tpu.memory_space<vmem>>, vector<16xi32>,
      %parallel_loop3A_272 = vector.shape_cast %parallel_loop3A_271 : vector<16xi32> to vector<16xi32>
      %parallel_loop3A_273 = arith.constant 16 : i32
      %parallel_loop3A_274 = arith.addi %parallel_loop3A_253, %parallel_loop3A_273 : i32
      %parallel_loop3A_275 = arith.index_cast %parallel_loop3A_274 : i32 to index
      %parallel_loop3A_276 = tpu.vector_load %arg10[%parallel_loop3A_275] {strides = array<i32>} : memref<16384xi32, #tpu.memory_space<vmem>>, vector<16xi32>,
      %parallel_loop3A_277 = vector.shape_cast %parallel_loop3A_276 : vector<16xi32> to vector<16xi32>
      %parallel_loop3A_278 = arith.addi %parallel_loop3A_249, %parallel_loop3A_272 : vector<16xi32>
      %parallel_loop3A_279 = arith.addi %parallel_loop3A_250, %parallel_loop3A_277 : vector<16xi32>
      %parallel_loop3A_280 = arith.andi %parallel_loop3A_272, %parallel_loop3A_277 : vector<16xi32>
      %parallel_loop3A_281 = arith.addi %parallel_loop3A_251, %parallel_loop3A_280 : vector<16xi32>
      %parallel_loop3A_282 = arith.constant 32 : i32
      %parallel_loop3A_283 = arith.addi %parallel_loop3A_253, %parallel_loop3A_282 : i32
      %parallel_loop3A_284 = arith.index_cast %parallel_loop3A_283 : i32 to index
      %parallel_loop3A_285 = tpu.vector_load %arg7[%parallel_loop3A_284] {strides = array<i32>} : memref<16384xi32, #tpu.memory_space<vmem>>, vector<16xi32>,
      %parallel_loop3A_286 = vector.shape_cast %parallel_loop3A_285 : vector<16xi32> to vector<16xi32>
      %parallel_loop3A_287 = arith.constant 32 : i32
      %parallel_loop3A_288 = arith.addi %parallel_loop3A_253, %parallel_loop3A_287 : i32
      %parallel_loop3A_289 = arith.index_cast %parallel_loop3A_288 : i32 to index
      %parallel_loop3A_290 = tpu.vector_load %arg10[%parallel_loop3A_289] {strides = array<i32>} : memref<16384xi32, #tpu.memory_space<vmem>>, vector<16xi32>,
      %parallel_loop3A_291 = vector.shape_cast %parallel_loop3A_290 : vector<16xi32> to vector<16xi32>
      %parallel_loop3A_292 = arith.addi %parallel_loop3A_264, %parallel_loop3A_286 : vector<16xi32>
      %parallel_loop3A_293 = arith.addi %parallel_loop3A_265, %parallel_loop3A_291 : vector<16xi32>
      %parallel_loop3A_294 = arith.andi %parallel_loop3A_286, %parallel_loop3A_291 : vector<16xi32>
      %parallel_loop3A_295 = arith.addi %parallel_loop3A_267, %parallel_loop3A_294 : vector<16xi32>
      %parallel_loop3A_296 = arith.constant 48 : i32
      %parallel_loop3A_297 = arith.addi %parallel_loop3A_253, %parallel_loop3A_296 : i32
      %parallel_loop3A_298 = arith.index_cast %parallel_loop3A_297 : i32 to index
      %parallel_loop3A_299 = tpu.vector_load %arg7[%parallel_loop3A_298] {strides = array<i32>} : memref<16384xi32, #tpu.memory_space<vmem>>, vector<16xi32>,
      %parallel_loop3A_300 = vector.shape_cast %parallel_loop3A_299 : vector<16xi32> to vector<16xi32>
      %parallel_loop3A_301 = arith.constant 48 : i32
      %parallel_loop3A_302 = arith.addi %parallel_loop3A_253, %parallel_loop3A_301 : i32
      %parallel_loop3A_303 = arith.index_cast %parallel_loop3A_302 : i32 to index
      %parallel_loop3A_304 = tpu.vector_load %arg10[%parallel_loop3A_303] {strides = array<i32>} : memref<16384xi32, #tpu.memory_space<vmem>>, vector<16xi32>,
      %parallel_loop3A_305 = vector.shape_cast %parallel_loop3A_304 : vector<16xi32> to vector<16xi32>
      %parallel_loop3A_306 = arith.addi %parallel_loop3A_278, %parallel_loop3A_300 : vector<16xi32>
      %parallel_loop3A_307 = arith.addi %parallel_loop3A_279, %parallel_loop3A_305 : vector<16xi32>
      %parallel_loop3A_308 = arith.andi %parallel_loop3A_300, %parallel_loop3A_305 : vector<16xi32>
      %parallel_loop3A_309 = arith.addi %parallel_loop3A_281, %parallel_loop3A_308 : vector<16xi32>
      scf.yield %parallel_loop3A_292, %parallel_loop3A_293, %parallel_loop3A_295, %parallel_loop3A_306, %parallel_loop3A_307, %parallel_loop3A_309 : vector<16xi32>, vector<16xi32>, vector<16xi32>, vector<16xi32>, vector<16xi32>, vector<16xi32>
    } {sc.loop_unroll_factor = 8 : i64, sc.parallel_access}
    %add3A_55 = arith.constant 81920 : i32
    %add3A_56 = arith.addi %mul3A_2, %add3A_55 : i32
    %dma_start3A_57 = tpu.memref_slice %arg2[%add3A_56] : memref<8388608xi32, #tpu.memory_space<hbm>> -> memref<16384xi32, #tpu.memory_space<hbm>>
    %dma_start3A_58 = tpu.memref_slice %arg2[%add3A_56] : memref<8388608xi32, #tpu.memory_space<hbm>> -> memref<16384xi32, #tpu.memory_space<hbm>>
    tpu.enqueue_dma source(%dma_start3A_58 : memref<16384xi32, #tpu.memory_space<hbm>>) target(%arg7 : memref<16384xi32, #tpu.memory_space<vmem>>) target_semaphore(%arg14 : memref<!tpu.dma_semaphore, #tpu.memory_space<semaphore_mem>>)
    %dma_start3A_59 = tpu.memref_slice %arg3[%add3A_56] : memref<8388608xi32, #tpu.memory_space<hbm>> -> memref<16384xi32, #tpu.memory_space<hbm>>
    %dma_start3A_60 = tpu.memref_slice %arg3[%add3A_56] : memref<8388608xi32, #tpu.memory_space<hbm>> -> memref<16384xi32, #tpu.memory_space<hbm>>
    tpu.enqueue_dma source(%dma_start3A_60 : memref<16384xi32, #tpu.memory_space<hbm>>) target(%arg10 : memref<16384xi32, #tpu.memory_space<vmem>>) target_semaphore(%arg14 : memref<!tpu.dma_semaphore, #tpu.memory_space<semaphore_mem>>)
    %dma_wait3A_61 = tpu.memref_slice %arg2[%add3A_28] : memref<8388608xi32, #tpu.memory_space<hbm>> -> memref<16384xi32, #tpu.memory_space<hbm>>
    %dma_wait3A_62 = tpu.memref_slice %arg2[%add3A_28] : memref<8388608xi32, #tpu.memory_space<hbm>> -> memref<16384xi32, #tpu.memory_space<hbm>>
    tpu.wait_dma2 semaphore(%arg12 : memref<!tpu.dma_semaphore, #tpu.memory_space<semaphore_mem>>) src(%dma_wait3A_62 : memref<16384xi32, #tpu.memory_space<hbm>>) dst(%arg5 : memref<16384xi32, #tpu.memory_space<vmem>>)
    %dma_wait3A_63 = tpu.memref_slice %arg3[%add3A_28] : memref<8388608xi32, #tpu.memory_space<hbm>> -> memref<16384xi32, #tpu.memory_space<hbm>>
    %dma_wait3A_64 = tpu.memref_slice %arg3[%add3A_28] : memref<8388608xi32, #tpu.memory_space<hbm>> -> memref<16384xi32, #tpu.memory_space<hbm>>
    tpu.wait_dma2 semaphore(%arg12 : memref<!tpu.dma_semaphore, #tpu.memory_space<semaphore_mem>>) src(%dma_wait3A_64 : memref<16384xi32, #tpu.memory_space<hbm>>) dst(%arg8 : memref<16384xi32, #tpu.memory_space<vmem>>)
    %parallel_loop3A_65 = arith.constant 0 : i32
    %parallel_loop3A_66 = arith.constant 256 : i32
    %parallel_loop3A_67 = arith.constant 1 : i32
    %parallel_loop3A_68:6 = scf.for %parallel_loop3A_245 = %parallel_loop3A_65 to %parallel_loop3A_66 step %parallel_loop3A_67 iter_args(%parallel_loop3A_246 = %parallel_loop3A_54#0, %parallel_loop3A_247 = %parallel_loop3A_54#1, %parallel_loop3A_248 = %parallel_loop3A_54#2, %parallel_loop3A_249 = %parallel_loop3A_54#3, %parallel_loop3A_250 = %parallel_loop3A_54#4, %parallel_loop3A_251 = %parallel_loop3A_54#5) -> (vector<16xi32>, vector<16xi32>, vector<16xi32>, vector<16xi32>, vector<16xi32>, vector<16xi32>)  : i32 {
      %parallel_loop3A_252 = arith.constant 64 : i32
      %parallel_loop3A_253 = arith.muli %parallel_loop3A_245, %parallel_loop3A_252 : i32
      %parallel_loop3A_254 = arith.constant 0 : i32
      %parallel_loop3A_255 = arith.addi %parallel_loop3A_253, %parallel_loop3A_254 : i32
      %parallel_loop3A_256 = arith.index_cast %parallel_loop3A_255 : i32 to index
      %parallel_loop3A_257 = tpu.vector_load %arg5[%parallel_loop3A_256] {strides = array<i32>} : memref<16384xi32, #tpu.memory_space<vmem>>, vector<16xi32>,
      %parallel_loop3A_258 = vector.shape_cast %parallel_loop3A_257 : vector<16xi32> to vector<16xi32>
      %parallel_loop3A_259 = arith.constant 0 : i32
      %parallel_loop3A_260 = arith.addi %parallel_loop3A_253, %parallel_loop3A_259 : i32
      %parallel_loop3A_261 = arith.index_cast %parallel_loop3A_260 : i32 to index
      %parallel_loop3A_262 = tpu.vector_load %arg8[%parallel_loop3A_261] {strides = array<i32>} : memref<16384xi32, #tpu.memory_space<vmem>>, vector<16xi32>,
      %parallel_loop3A_263 = vector.shape_cast %parallel_loop3A_262 : vector<16xi32> to vector<16xi32>
      %parallel_loop3A_264 = arith.addi %parallel_loop3A_246, %parallel_loop3A_258 : vector<16xi32>
      %parallel_loop3A_265 = arith.addi %parallel_loop3A_247, %parallel_loop3A_263 : vector<16xi32>
      %parallel_loop3A_266 = arith.andi %parallel_loop3A_258, %parallel_loop3A_263 : vector<16xi32>
      %parallel_loop3A_267 = arith.addi %parallel_loop3A_248, %parallel_loop3A_266 : vector<16xi32>
      %parallel_loop3A_268 = arith.constant 16 : i32
      %parallel_loop3A_269 = arith.addi %parallel_loop3A_253, %parallel_loop3A_268 : i32
      %parallel_loop3A_270 = arith.index_cast %parallel_loop3A_269 : i32 to index
      %parallel_loop3A_271 = tpu.vector_load %arg5[%parallel_loop3A_270] {strides = array<i32>} : memref<16384xi32, #tpu.memory_space<vmem>>, vector<16xi32>,
      %parallel_loop3A_272 = vector.shape_cast %parallel_loop3A_271 : vector<16xi32> to vector<16xi32>
      %parallel_loop3A_273 = arith.constant 16 : i32
      %parallel_loop3A_274 = arith.addi %parallel_loop3A_253, %parallel_loop3A_273 : i32
      %parallel_loop3A_275 = arith.index_cast %parallel_loop3A_274 : i32 to index
      %parallel_loop3A_276 = tpu.vector_load %arg8[%parallel_loop3A_275] {strides = array<i32>} : memref<16384xi32, #tpu.memory_space<vmem>>, vector<16xi32>,
      %parallel_loop3A_277 = vector.shape_cast %parallel_loop3A_276 : vector<16xi32> to vector<16xi32>
      %parallel_loop3A_278 = arith.addi %parallel_loop3A_249, %parallel_loop3A_272 : vector<16xi32>
      %parallel_loop3A_279 = arith.addi %parallel_loop3A_250, %parallel_loop3A_277 : vector<16xi32>
      %parallel_loop3A_280 = arith.andi %parallel_loop3A_272, %parallel_loop3A_277 : vector<16xi32>
      %parallel_loop3A_281 = arith.addi %parallel_loop3A_251, %parallel_loop3A_280 : vector<16xi32>
      %parallel_loop3A_282 = arith.constant 32 : i32
      %parallel_loop3A_283 = arith.addi %parallel_loop3A_253, %parallel_loop3A_282 : i32
      %parallel_loop3A_284 = arith.index_cast %parallel_loop3A_283 : i32 to index
      %parallel_loop3A_285 = tpu.vector_load %arg5[%parallel_loop3A_284] {strides = array<i32>} : memref<16384xi32, #tpu.memory_space<vmem>>, vector<16xi32>,
      %parallel_loop3A_286 = vector.shape_cast %parallel_loop3A_285 : vector<16xi32> to vector<16xi32>
      %parallel_loop3A_287 = arith.constant 32 : i32
      %parallel_loop3A_288 = arith.addi %parallel_loop3A_253, %parallel_loop3A_287 : i32
      %parallel_loop3A_289 = arith.index_cast %parallel_loop3A_288 : i32 to index
      %parallel_loop3A_290 = tpu.vector_load %arg8[%parallel_loop3A_289] {strides = array<i32>} : memref<16384xi32, #tpu.memory_space<vmem>>, vector<16xi32>,
      %parallel_loop3A_291 = vector.shape_cast %parallel_loop3A_290 : vector<16xi32> to vector<16xi32>
      %parallel_loop3A_292 = arith.addi %parallel_loop3A_264, %parallel_loop3A_286 : vector<16xi32>
      %parallel_loop3A_293 = arith.addi %parallel_loop3A_265, %parallel_loop3A_291 : vector<16xi32>
      %parallel_loop3A_294 = arith.andi %parallel_loop3A_286, %parallel_loop3A_291 : vector<16xi32>
      %parallel_loop3A_295 = arith.addi %parallel_loop3A_267, %parallel_loop3A_294 : vector<16xi32>
      %parallel_loop3A_296 = arith.constant 48 : i32
      %parallel_loop3A_297 = arith.addi %parallel_loop3A_253, %parallel_loop3A_296 : i32
      %parallel_loop3A_298 = arith.index_cast %parallel_loop3A_297 : i32 to index
      %parallel_loop3A_299 = tpu.vector_load %arg5[%parallel_loop3A_298] {strides = array<i32>} : memref<16384xi32, #tpu.memory_space<vmem>>, vector<16xi32>,
      %parallel_loop3A_300 = vector.shape_cast %parallel_loop3A_299 : vector<16xi32> to vector<16xi32>
      %parallel_loop3A_301 = arith.constant 48 : i32
      %parallel_loop3A_302 = arith.addi %parallel_loop3A_253, %parallel_loop3A_301 : i32
      %parallel_loop3A_303 = arith.index_cast %parallel_loop3A_302 : i32 to index
      %parallel_loop3A_304 = tpu.vector_load %arg8[%parallel_loop3A_303] {strides = array<i32>} : memref<16384xi32, #tpu.memory_space<vmem>>, vector<16xi32>,
      %parallel_loop3A_305 = vector.shape_cast %parallel_loop3A_304 : vector<16xi32> to vector<16xi32>
      %parallel_loop3A_306 = arith.addi %parallel_loop3A_278, %parallel_loop3A_300 : vector<16xi32>
      %parallel_loop3A_307 = arith.addi %parallel_loop3A_279, %parallel_loop3A_305 : vector<16xi32>
      %parallel_loop3A_308 = arith.andi %parallel_loop3A_300, %parallel_loop3A_305 : vector<16xi32>
      %parallel_loop3A_309 = arith.addi %parallel_loop3A_281, %parallel_loop3A_308 : vector<16xi32>
      scf.yield %parallel_loop3A_292, %parallel_loop3A_293, %parallel_loop3A_295, %parallel_loop3A_306, %parallel_loop3A_307, %parallel_loop3A_309 : vector<16xi32>, vector<16xi32>, vector<16xi32>, vector<16xi32>, vector<16xi32>, vector<16xi32>
    } {sc.loop_unroll_factor = 8 : i64, sc.parallel_access}
    %add3A_69 = arith.constant 98304 : i32
    %add3A_70 = arith.addi %mul3A_2, %add3A_69 : i32
    %dma_start3A_71 = tpu.memref_slice %arg2[%add3A_70] : memref<8388608xi32, #tpu.memory_space<hbm>> -> memref<16384xi32, #tpu.memory_space<hbm>>
    %dma_start3A_72 = tpu.memref_slice %arg2[%add3A_70] : memref<8388608xi32, #tpu.memory_space<hbm>> -> memref<16384xi32, #tpu.memory_space<hbm>>
    tpu.enqueue_dma source(%dma_start3A_72 : memref<16384xi32, #tpu.memory_space<hbm>>) target(%arg5 : memref<16384xi32, #tpu.memory_space<vmem>>) target_semaphore(%arg12 : memref<!tpu.dma_semaphore, #tpu.memory_space<semaphore_mem>>)
    %dma_start3A_73 = tpu.memref_slice %arg3[%add3A_70] : memref<8388608xi32, #tpu.memory_space<hbm>> -> memref<16384xi32, #tpu.memory_space<hbm>>
    %dma_start3A_74 = tpu.memref_slice %arg3[%add3A_70] : memref<8388608xi32, #tpu.memory_space<hbm>> -> memref<16384xi32, #tpu.memory_space<hbm>>
    tpu.enqueue_dma source(%dma_start3A_74 : memref<16384xi32, #tpu.memory_space<hbm>>) target(%arg8 : memref<16384xi32, #tpu.memory_space<vmem>>) target_semaphore(%arg12 : memref<!tpu.dma_semaphore, #tpu.memory_space<semaphore_mem>>)
    %dma_wait3A_75 = tpu.memref_slice %arg2[%add3A_42] : memref<8388608xi32, #tpu.memory_space<hbm>> -> memref<16384xi32, #tpu.memory_space<hbm>>
    %dma_wait3A_76 = tpu.memref_slice %arg2[%add3A_42] : memref<8388608xi32, #tpu.memory_space<hbm>> -> memref<16384xi32, #tpu.memory_space<hbm>>
    tpu.wait_dma2 semaphore(%arg13 : memref<!tpu.dma_semaphore, #tpu.memory_space<semaphore_mem>>) src(%dma_wait3A_76 : memref<16384xi32, #tpu.memory_space<hbm>>) dst(%arg6 : memref<16384xi32, #tpu.memory_space<vmem>>)
    %dma_wait3A_77 = tpu.memref_slice %arg3[%add3A_42] : memref<8388608xi32, #tpu.memory_space<hbm>> -> memref<16384xi32, #tpu.memory_space<hbm>>
    %dma_wait3A_78 = tpu.memref_slice %arg3[%add3A_42] : memref<8388608xi32, #tpu.memory_space<hbm>> -> memref<16384xi32, #tpu.memory_space<hbm>>
    tpu.wait_dma2 semaphore(%arg13 : memref<!tpu.dma_semaphore, #tpu.memory_space<semaphore_mem>>) src(%dma_wait3A_78 : memref<16384xi32, #tpu.memory_space<hbm>>) dst(%arg9 : memref<16384xi32, #tpu.memory_space<vmem>>)
    %parallel_loop3A_79 = arith.constant 0 : i32
    %parallel_loop3A_80 = arith.constant 256 : i32
    %parallel_loop3A_81 = arith.constant 1 : i32
    %parallel_loop3A_82:6 = scf.for %parallel_loop3A_245 = %parallel_loop3A_79 to %parallel_loop3A_80 step %parallel_loop3A_81 iter_args(%parallel_loop3A_246 = %parallel_loop3A_68#0, %parallel_loop3A_247 = %parallel_loop3A_68#1, %parallel_loop3A_248 = %parallel_loop3A_68#2, %parallel_loop3A_249 = %parallel_loop3A_68#3, %parallel_loop3A_250 = %parallel_loop3A_68#4, %parallel_loop3A_251 = %parallel_loop3A_68#5) -> (vector<16xi32>, vector<16xi32>, vector<16xi32>, vector<16xi32>, vector<16xi32>, vector<16xi32>)  : i32 {
      %parallel_loop3A_252 = arith.constant 64 : i32
      %parallel_loop3A_253 = arith.muli %parallel_loop3A_245, %parallel_loop3A_252 : i32
      %parallel_loop3A_254 = arith.constant 0 : i32
      %parallel_loop3A_255 = arith.addi %parallel_loop3A_253, %parallel_loop3A_254 : i32
      %parallel_loop3A_256 = arith.index_cast %parallel_loop3A_255 : i32 to index
      %parallel_loop3A_257 = tpu.vector_load %arg6[%parallel_loop3A_256] {strides = array<i32>} : memref<16384xi32, #tpu.memory_space<vmem>>, vector<16xi32>,
      %parallel_loop3A_258 = vector.shape_cast %parallel_loop3A_257 : vector<16xi32> to vector<16xi32>
      %parallel_loop3A_259 = arith.constant 0 : i32
      %parallel_loop3A_260 = arith.addi %parallel_loop3A_253, %parallel_loop3A_259 : i32
      %parallel_loop3A_261 = arith.index_cast %parallel_loop3A_260 : i32 to index
      %parallel_loop3A_262 = tpu.vector_load %arg9[%parallel_loop3A_261] {strides = array<i32>} : memref<16384xi32, #tpu.memory_space<vmem>>, vector<16xi32>,
      %parallel_loop3A_263 = vector.shape_cast %parallel_loop3A_262 : vector<16xi32> to vector<16xi32>
      %parallel_loop3A_264 = arith.addi %parallel_loop3A_246, %parallel_loop3A_258 : vector<16xi32>
      %parallel_loop3A_265 = arith.addi %parallel_loop3A_247, %parallel_loop3A_263 : vector<16xi32>
      %parallel_loop3A_266 = arith.andi %parallel_loop3A_258, %parallel_loop3A_263 : vector<16xi32>
      %parallel_loop3A_267 = arith.addi %parallel_loop3A_248, %parallel_loop3A_266 : vector<16xi32>
      %parallel_loop3A_268 = arith.constant 16 : i32
      %parallel_loop3A_269 = arith.addi %parallel_loop3A_253, %parallel_loop3A_268 : i32
      %parallel_loop3A_270 = arith.index_cast %parallel_loop3A_269 : i32 to index
      %parallel_loop3A_271 = tpu.vector_load %arg6[%parallel_loop3A_270] {strides = array<i32>} : memref<16384xi32, #tpu.memory_space<vmem>>, vector<16xi32>,
      %parallel_loop3A_272 = vector.shape_cast %parallel_loop3A_271 : vector<16xi32> to vector<16xi32>
      %parallel_loop3A_273 = arith.constant 16 : i32
      %parallel_loop3A_274 = arith.addi %parallel_loop3A_253, %parallel_loop3A_273 : i32
      %parallel_loop3A_275 = arith.index_cast %parallel_loop3A_274 : i32 to index
      %parallel_loop3A_276 = tpu.vector_load %arg9[%parallel_loop3A_275] {strides = array<i32>} : memref<16384xi32, #tpu.memory_space<vmem>>, vector<16xi32>,
      %parallel_loop3A_277 = vector.shape_cast %parallel_loop3A_276 : vector<16xi32> to vector<16xi32>
      %parallel_loop3A_278 = arith.addi %parallel_loop3A_249, %parallel_loop3A_272 : vector<16xi32>
      %parallel_loop3A_279 = arith.addi %parallel_loop3A_250, %parallel_loop3A_277 : vector<16xi32>
      %parallel_loop3A_280 = arith.andi %parallel_loop3A_272, %parallel_loop3A_277 : vector<16xi32>
      %parallel_loop3A_281 = arith.addi %parallel_loop3A_251, %parallel_loop3A_280 : vector<16xi32>
      %parallel_loop3A_282 = arith.constant 32 : i32
      %parallel_loop3A_283 = arith.addi %parallel_loop3A_253, %parallel_loop3A_282 : i32
      %parallel_loop3A_284 = arith.index_cast %parallel_loop3A_283 : i32 to index
      %parallel_loop3A_285 = tpu.vector_load %arg6[%parallel_loop3A_284] {strides = array<i32>} : memref<16384xi32, #tpu.memory_space<vmem>>, vector<16xi32>,
      %parallel_loop3A_286 = vector.shape_cast %parallel_loop3A_285 : vector<16xi32> to vector<16xi32>
      %parallel_loop3A_287 = arith.constant 32 : i32
      %parallel_loop3A_288 = arith.addi %parallel_loop3A_253, %parallel_loop3A_287 : i32
      %parallel_loop3A_289 = arith.index_cast %parallel_loop3A_288 : i32 to index
      %parallel_loop3A_290 = tpu.vector_load %arg9[%parallel_loop3A_289] {strides = array<i32>} : memref<16384xi32, #tpu.memory_space<vmem>>, vector<16xi32>,
      %parallel_loop3A_291 = vector.shape_cast %parallel_loop3A_290 : vector<16xi32> to vector<16xi32>
      %parallel_loop3A_292 = arith.addi %parallel_loop3A_264, %parallel_loop3A_286 : vector<16xi32>
      %parallel_loop3A_293 = arith.addi %parallel_loop3A_265, %parallel_loop3A_291 : vector<16xi32>
      %parallel_loop3A_294 = arith.andi %parallel_loop3A_286, %parallel_loop3A_291 : vector<16xi32>
      %parallel_loop3A_295 = arith.addi %parallel_loop3A_267, %parallel_loop3A_294 : vector<16xi32>
      %parallel_loop3A_296 = arith.constant 48 : i32
      %parallel_loop3A_297 = arith.addi %parallel_loop3A_253, %parallel_loop3A_296 : i32
      %parallel_loop3A_298 = arith.index_cast %parallel_loop3A_297 : i32 to index
      %parallel_loop3A_299 = tpu.vector_load %arg6[%parallel_loop3A_298] {strides = array<i32>} : memref<16384xi32, #tpu.memory_space<vmem>>, vector<16xi32>,
      %parallel_loop3A_300 = vector.shape_cast %parallel_loop3A_299 : vector<16xi32> to vector<16xi32>
      %parallel_loop3A_301 = arith.constant 48 : i32
      %parallel_loop3A_302 = arith.addi %parallel_loop3A_253, %parallel_loop3A_301 : i32
      %parallel_loop3A_303 = arith.index_cast %parallel_loop3A_302 : i32 to index
      %parallel_loop3A_304 = tpu.vector_load %arg9[%parallel_loop3A_303] {strides = array<i32>} : memref<16384xi32, #tpu.memory_space<vmem>>, vector<16xi32>,
      %parallel_loop3A_305 = vector.shape_cast %parallel_loop3A_304 : vector<16xi32> to vector<16xi32>
      %parallel_loop3A_306 = arith.addi %parallel_loop3A_278, %parallel_loop3A_300 : vector<16xi32>
      %parallel_loop3A_307 = arith.addi %parallel_loop3A_279, %parallel_loop3A_305 : vector<16xi32>
      %parallel_loop3A_308 = arith.andi %parallel_loop3A_300, %parallel_loop3A_305 : vector<16xi32>
      %parallel_loop3A_309 = arith.addi %parallel_loop3A_281, %parallel_loop3A_308 : vector<16xi32>
      scf.yield %parallel_loop3A_292, %parallel_loop3A_293, %parallel_loop3A_295, %parallel_loop3A_306, %parallel_loop3A_307, %parallel_loop3A_309 : vector<16xi32>, vector<16xi32>, vector<16xi32>, vector<16xi32>, vector<16xi32>, vector<16xi32>
    } {sc.loop_unroll_factor = 8 : i64, sc.parallel_access}
    %add3A_83 = arith.constant 114688 : i32
    %add3A_84 = arith.addi %mul3A_2, %add3A_83 : i32
    %dma_start3A_85 = tpu.memref_slice %arg2[%add3A_84] : memref<8388608xi32, #tpu.memory_space<hbm>> -> memref<16384xi32, #tpu.memory_space<hbm>>
    %dma_start3A_86 = tpu.memref_slice %arg2[%add3A_84] : memref<8388608xi32, #tpu.memory_space<hbm>> -> memref<16384xi32, #tpu.memory_space<hbm>>
    tpu.enqueue_dma source(%dma_start3A_86 : memref<16384xi32, #tpu.memory_space<hbm>>) target(%arg6 : memref<16384xi32, #tpu.memory_space<vmem>>) target_semaphore(%arg13 : memref<!tpu.dma_semaphore, #tpu.memory_space<semaphore_mem>>)
    %dma_start3A_87 = tpu.memref_slice %arg3[%add3A_84] : memref<8388608xi32, #tpu.memory_space<hbm>> -> memref<16384xi32, #tpu.memory_space<hbm>>
    %dma_start3A_88 = tpu.memref_slice %arg3[%add3A_84] : memref<8388608xi32, #tpu.memory_space<hbm>> -> memref<16384xi32, #tpu.memory_space<hbm>>
    tpu.enqueue_dma source(%dma_start3A_88 : memref<16384xi32, #tpu.memory_space<hbm>>) target(%arg9 : memref<16384xi32, #tpu.memory_space<vmem>>) target_semaphore(%arg13 : memref<!tpu.dma_semaphore, #tpu.memory_space<semaphore_mem>>)
    %dma_wait3A_89 = tpu.memref_slice %arg2[%add3A_56] : memref<8388608xi32, #tpu.memory_space<hbm>> -> memref<16384xi32, #tpu.memory_space<hbm>>
    %dma_wait3A_90 = tpu.memref_slice %arg2[%add3A_56] : memref<8388608xi32, #tpu.memory_space<hbm>> -> memref<16384xi32, #tpu.memory_space<hbm>>
    tpu.wait_dma2 semaphore(%arg14 : memref<!tpu.dma_semaphore, #tpu.memory_space<semaphore_mem>>) src(%dma_wait3A_90 : memref<16384xi32, #tpu.memory_space<hbm>>) dst(%arg7 : memref<16384xi32, #tpu.memory_space<vmem>>)
    %dma_wait3A_91 = tpu.memref_slice %arg3[%add3A_56] : memref<8388608xi32, #tpu.memory_space<hbm>> -> memref<16384xi32, #tpu.memory_space<hbm>>
    %dma_wait3A_92 = tpu.memref_slice %arg3[%add3A_56] : memref<8388608xi32, #tpu.memory_space<hbm>> -> memref<16384xi32, #tpu.memory_space<hbm>>
    tpu.wait_dma2 semaphore(%arg14 : memref<!tpu.dma_semaphore, #tpu.memory_space<semaphore_mem>>) src(%dma_wait3A_92 : memref<16384xi32, #tpu.memory_space<hbm>>) dst(%arg10 : memref<16384xi32, #tpu.memory_space<vmem>>)
    %parallel_loop3A_93 = arith.constant 0 : i32
    %parallel_loop3A_94 = arith.constant 256 : i32
    %parallel_loop3A_95 = arith.constant 1 : i32
    %parallel_loop3A_96:6 = scf.for %parallel_loop3A_245 = %parallel_loop3A_93 to %parallel_loop3A_94 step %parallel_loop3A_95 iter_args(%parallel_loop3A_246 = %parallel_loop3A_82#0, %parallel_loop3A_247 = %parallel_loop3A_82#1, %parallel_loop3A_248 = %parallel_loop3A_82#2, %parallel_loop3A_249 = %parallel_loop3A_82#3, %parallel_loop3A_250 = %parallel_loop3A_82#4, %parallel_loop3A_251 = %parallel_loop3A_82#5) -> (vector<16xi32>, vector<16xi32>, vector<16xi32>, vector<16xi32>, vector<16xi32>, vector<16xi32>)  : i32 {
      %parallel_loop3A_252 = arith.constant 64 : i32
      %parallel_loop3A_253 = arith.muli %parallel_loop3A_245, %parallel_loop3A_252 : i32
      %parallel_loop3A_254 = arith.constant 0 : i32
      %parallel_loop3A_255 = arith.addi %parallel_loop3A_253, %parallel_loop3A_254 : i32
      %parallel_loop3A_256 = arith.index_cast %parallel_loop3A_255 : i32 to index
      %parallel_loop3A_257 = tpu.vector_load %arg7[%parallel_loop3A_256] {strides = array<i32>} : memref<16384xi32, #tpu.memory_space<vmem>>, vector<16xi32>,
      %parallel_loop3A_258 = vector.shape_cast %parallel_loop3A_257 : vector<16xi32> to vector<16xi32>
      %parallel_loop3A_259 = arith.constant 0 : i32
      %parallel_loop3A_260 = arith.addi %parallel_loop3A_253, %parallel_loop3A_259 : i32
      %parallel_loop3A_261 = arith.index_cast %parallel_loop3A_260 : i32 to index
      %parallel_loop3A_262 = tpu.vector_load %arg10[%parallel_loop3A_261] {strides = array<i32>} : memref<16384xi32, #tpu.memory_space<vmem>>, vector<16xi32>,
      %parallel_loop3A_263 = vector.shape_cast %parallel_loop3A_262 : vector<16xi32> to vector<16xi32>
      %parallel_loop3A_264 = arith.addi %parallel_loop3A_246, %parallel_loop3A_258 : vector<16xi32>
      %parallel_loop3A_265 = arith.addi %parallel_loop3A_247, %parallel_loop3A_263 : vector<16xi32>
      %parallel_loop3A_266 = arith.andi %parallel_loop3A_258, %parallel_loop3A_263 : vector<16xi32>
      %parallel_loop3A_267 = arith.addi %parallel_loop3A_248, %parallel_loop3A_266 : vector<16xi32>
      %parallel_loop3A_268 = arith.constant 16 : i32
      %parallel_loop3A_269 = arith.addi %parallel_loop3A_253, %parallel_loop3A_268 : i32
      %parallel_loop3A_270 = arith.index_cast %parallel_loop3A_269 : i32 to index
      %parallel_loop3A_271 = tpu.vector_load %arg7[%parallel_loop3A_270] {strides = array<i32>} : memref<16384xi32, #tpu.memory_space<vmem>>, vector<16xi32>,
      %parallel_loop3A_272 = vector.shape_cast %parallel_loop3A_271 : vector<16xi32> to vector<16xi32>
      %parallel_loop3A_273 = arith.constant 16 : i32
      %parallel_loop3A_274 = arith.addi %parallel_loop3A_253, %parallel_loop3A_273 : i32
      %parallel_loop3A_275 = arith.index_cast %parallel_loop3A_274 : i32 to index
      %parallel_loop3A_276 = tpu.vector_load %arg10[%parallel_loop3A_275] {strides = array<i32>} : memref<16384xi32, #tpu.memory_space<vmem>>, vector<16xi32>,
      %parallel_loop3A_277 = vector.shape_cast %parallel_loop3A_276 : vector<16xi32> to vector<16xi32>
      %parallel_loop3A_278 = arith.addi %parallel_loop3A_249, %parallel_loop3A_272 : vector<16xi32>
      %parallel_loop3A_279 = arith.addi %parallel_loop3A_250, %parallel_loop3A_277 : vector<16xi32>
      %parallel_loop3A_280 = arith.andi %parallel_loop3A_272, %parallel_loop3A_277 : vector<16xi32>
      %parallel_loop3A_281 = arith.addi %parallel_loop3A_251, %parallel_loop3A_280 : vector<16xi32>
      %parallel_loop3A_282 = arith.constant 32 : i32
      %parallel_loop3A_283 = arith.addi %parallel_loop3A_253, %parallel_loop3A_282 : i32
      %parallel_loop3A_284 = arith.index_cast %parallel_loop3A_283 : i32 to index
      %parallel_loop3A_285 = tpu.vector_load %arg7[%parallel_loop3A_284] {strides = array<i32>} : memref<16384xi32, #tpu.memory_space<vmem>>, vector<16xi32>,
      %parallel_loop3A_286 = vector.shape_cast %parallel_loop3A_285 : vector<16xi32> to vector<16xi32>
      %parallel_loop3A_287 = arith.constant 32 : i32
      %parallel_loop3A_288 = arith.addi %parallel_loop3A_253, %parallel_loop3A_287 : i32
      %parallel_loop3A_289 = arith.index_cast %parallel_loop3A_288 : i32 to index
      %parallel_loop3A_290 = tpu.vector_load %arg10[%parallel_loop3A_289] {strides = array<i32>} : memref<16384xi32, #tpu.memory_space<vmem>>, vector<16xi32>,
      %parallel_loop3A_291 = vector.shape_cast %parallel_loop3A_290 : vector<16xi32> to vector<16xi32>
      %parallel_loop3A_292 = arith.addi %parallel_loop3A_264, %parallel_loop3A_286 : vector<16xi32>
      %parallel_loop3A_293 = arith.addi %parallel_loop3A_265, %parallel_loop3A_291 : vector<16xi32>
      %parallel_loop3A_294 = arith.andi %parallel_loop3A_286, %parallel_loop3A_291 : vector<16xi32>
      %parallel_loop3A_295 = arith.addi %parallel_loop3A_267, %parallel_loop3A_294 : vector<16xi32>
      %parallel_loop3A_296 = arith.constant 48 : i32
      %parallel_loop3A_297 = arith.addi %parallel_loop3A_253, %parallel_loop3A_296 : i32
      %parallel_loop3A_298 = arith.index_cast %parallel_loop3A_297 : i32 to index
      %parallel_loop3A_299 = tpu.vector_load %arg7[%parallel_loop3A_298] {strides = array<i32>} : memref<16384xi32, #tpu.memory_space<vmem>>, vector<16xi32>,
      %parallel_loop3A_300 = vector.shape_cast %parallel_loop3A_299 : vector<16xi32> to vector<16xi32>
      %parallel_loop3A_301 = arith.constant 48 : i32
      %parallel_loop3A_302 = arith.addi %parallel_loop3A_253, %parallel_loop3A_301 : i32
      %parallel_loop3A_303 = arith.index_cast %parallel_loop3A_302 : i32 to index
      %parallel_loop3A_304 = tpu.vector_load %arg10[%parallel_loop3A_303] {strides = array<i32>} : memref<16384xi32, #tpu.memory_space<vmem>>, vector<16xi32>,
      %parallel_loop3A_305 = vector.shape_cast %parallel_loop3A_304 : vector<16xi32> to vector<16xi32>
      %parallel_loop3A_306 = arith.addi %parallel_loop3A_278, %parallel_loop3A_300 : vector<16xi32>
      %parallel_loop3A_307 = arith.addi %parallel_loop3A_279, %parallel_loop3A_305 : vector<16xi32>
      %parallel_loop3A_308 = arith.andi %parallel_loop3A_300, %parallel_loop3A_305 : vector<16xi32>
      %parallel_loop3A_309 = arith.addi %parallel_loop3A_281, %parallel_loop3A_308 : vector<16xi32>
      scf.yield %parallel_loop3A_292, %parallel_loop3A_293, %parallel_loop3A_295, %parallel_loop3A_306, %parallel_loop3A_307, %parallel_loop3A_309 : vector<16xi32>, vector<16xi32>, vector<16xi32>, vector<16xi32>, vector<16xi32>, vector<16xi32>
    } {sc.loop_unroll_factor = 8 : i64, sc.parallel_access}
    %add3A_97 = arith.constant 131072 : i32
    %add3A_98 = arith.addi %mul3A_2, %add3A_97 : i32
    %dma_start3A_99 = tpu.memref_slice %arg2[%add3A_98] : memref<8388608xi32, #tpu.memory_space<hbm>> -> memref<16384xi32, #tpu.memory_space<hbm>>
    %dma_start3A_100 = tpu.memref_slice %arg2[%add3A_98] : memref<8388608xi32, #tpu.memory_space<hbm>> -> memref<16384xi32, #tpu.memory_space<hbm>>
    tpu.enqueue_dma source(%dma_start3A_100 : memref<16384xi32, #tpu.memory_space<hbm>>) target(%arg7 : memref<16384xi32, #tpu.memory_space<vmem>>) target_semaphore(%arg14 : memref<!tpu.dma_semaphore, #tpu.memory_space<semaphore_mem>>)
    %dma_start3A_101 = tpu.memref_slice %arg3[%add3A_98] : memref<8388608xi32, #tpu.memory_space<hbm>> -> memref<16384xi32, #tpu.memory_space<hbm>>
    %dma_start3A_102 = tpu.memref_slice %arg3[%add3A_98] : memref<8388608xi32, #tpu.memory_space<hbm>> -> memref<16384xi32, #tpu.memory_space<hbm>>
    tpu.enqueue_dma source(%dma_start3A_102 : memref<16384xi32, #tpu.memory_space<hbm>>) target(%arg10 : memref<16384xi32, #tpu.memory_space<vmem>>) target_semaphore(%arg14 : memref<!tpu.dma_semaphore, #tpu.memory_space<semaphore_mem>>)
    %dma_wait3A_103 = tpu.memref_slice %arg2[%add3A_70] : memref<8388608xi32, #tpu.memory_space<hbm>> -> memref<16384xi32, #tpu.memory_space<hbm>>
    %dma_wait3A_104 = tpu.memref_slice %arg2[%add3A_70] : memref<8388608xi32, #tpu.memory_space<hbm>> -> memref<16384xi32, #tpu.memory_space<hbm>>
    tpu.wait_dma2 semaphore(%arg12 : memref<!tpu.dma_semaphore, #tpu.memory_space<semaphore_mem>>) src(%dma_wait3A_104 : memref<16384xi32, #tpu.memory_space<hbm>>) dst(%arg5 : memref<16384xi32, #tpu.memory_space<vmem>>)
    %dma_wait3A_105 = tpu.memref_slice %arg3[%add3A_70] : memref<8388608xi32, #tpu.memory_space<hbm>> -> memref<16384xi32, #tpu.memory_space<hbm>>
    %dma_wait3A_106 = tpu.memref_slice %arg3[%add3A_70] : memref<8388608xi32, #tpu.memory_space<hbm>> -> memref<16384xi32, #tpu.memory_space<hbm>>
    tpu.wait_dma2 semaphore(%arg12 : memref<!tpu.dma_semaphore, #tpu.memory_space<semaphore_mem>>) src(%dma_wait3A_106 : memref<16384xi32, #tpu.memory_space<hbm>>) dst(%arg8 : memref<16384xi32, #tpu.memory_space<vmem>>)
    %parallel_loop3A_107 = arith.constant 0 : i32
    %parallel_loop3A_108 = arith.constant 256 : i32
    %parallel_loop3A_109 = arith.constant 1 : i32
    %parallel_loop3A_110:6 = scf.for %parallel_loop3A_245 = %parallel_loop3A_107 to %parallel_loop3A_108 step %parallel_loop3A_109 iter_args(%parallel_loop3A_246 = %parallel_loop3A_96#0, %parallel_loop3A_247 = %parallel_loop3A_96#1, %parallel_loop3A_248 = %parallel_loop3A_96#2, %parallel_loop3A_249 = %parallel_loop3A_96#3, %parallel_loop3A_250 = %parallel_loop3A_96#4, %parallel_loop3A_251 = %parallel_loop3A_96#5) -> (vector<16xi32>, vector<16xi32>, vector<16xi32>, vector<16xi32>, vector<16xi32>, vector<16xi32>)  : i32 {
      %parallel_loop3A_252 = arith.constant 64 : i32
      %parallel_loop3A_253 = arith.muli %parallel_loop3A_245, %parallel_loop3A_252 : i32
      %parallel_loop3A_254 = arith.constant 0 : i32
      %parallel_loop3A_255 = arith.addi %parallel_loop3A_253, %parallel_loop3A_254 : i32
      %parallel_loop3A_256 = arith.index_cast %parallel_loop3A_255 : i32 to index
      %parallel_loop3A_257 = tpu.vector_load %arg5[%parallel_loop3A_256] {strides = array<i32>} : memref<16384xi32, #tpu.memory_space<vmem>>, vector<16xi32>,
      %parallel_loop3A_258 = vector.shape_cast %parallel_loop3A_257 : vector<16xi32> to vector<16xi32>
      %parallel_loop3A_259 = arith.constant 0 : i32
      %parallel_loop3A_260 = arith.addi %parallel_loop3A_253, %parallel_loop3A_259 : i32
      %parallel_loop3A_261 = arith.index_cast %parallel_loop3A_260 : i32 to index
      %parallel_loop3A_262 = tpu.vector_load %arg8[%parallel_loop3A_261] {strides = array<i32>} : memref<16384xi32, #tpu.memory_space<vmem>>, vector<16xi32>,
      %parallel_loop3A_263 = vector.shape_cast %parallel_loop3A_262 : vector<16xi32> to vector<16xi32>
      %parallel_loop3A_264 = arith.addi %parallel_loop3A_246, %parallel_loop3A_258 : vector<16xi32>
      %parallel_loop3A_265 = arith.addi %parallel_loop3A_247, %parallel_loop3A_263 : vector<16xi32>
      %parallel_loop3A_266 = arith.andi %parallel_loop3A_258, %parallel_loop3A_263 : vector<16xi32>
      %parallel_loop3A_267 = arith.addi %parallel_loop3A_248, %parallel_loop3A_266 : vector<16xi32>
      %parallel_loop3A_268 = arith.constant 16 : i32
      %parallel_loop3A_269 = arith.addi %parallel_loop3A_253, %parallel_loop3A_268 : i32
      %parallel_loop3A_270 = arith.index_cast %parallel_loop3A_269 : i32 to index
      %parallel_loop3A_271 = tpu.vector_load %arg5[%parallel_loop3A_270] {strides = array<i32>} : memref<16384xi32, #tpu.memory_space<vmem>>, vector<16xi32>,
      %parallel_loop3A_272 = vector.shape_cast %parallel_loop3A_271 : vector<16xi32> to vector<16xi32>
      %parallel_loop3A_273 = arith.constant 16 : i32
      %parallel_loop3A_274 = arith.addi %parallel_loop3A_253, %parallel_loop3A_273 : i32
      %parallel_loop3A_275 = arith.index_cast %parallel_loop3A_274 : i32 to index
      %parallel_loop3A_276 = tpu.vector_load %arg8[%parallel_loop3A_275] {strides = array<i32>} : memref<16384xi32, #tpu.memory_space<vmem>>, vector<16xi32>,
      %parallel_loop3A_277 = vector.shape_cast %parallel_loop3A_276 : vector<16xi32> to vector<16xi32>
      %parallel_loop3A_278 = arith.addi %parallel_loop3A_249, %parallel_loop3A_272 : vector<16xi32>
      %parallel_loop3A_279 = arith.addi %parallel_loop3A_250, %parallel_loop3A_277 : vector<16xi32>
      %parallel_loop3A_280 = arith.andi %parallel_loop3A_272, %parallel_loop3A_277 : vector<16xi32>
      %parallel_loop3A_281 = arith.addi %parallel_loop3A_251, %parallel_loop3A_280 : vector<16xi32>
      %parallel_loop3A_282 = arith.constant 32 : i32
      %parallel_loop3A_283 = arith.addi %parallel_loop3A_253, %parallel_loop3A_282 : i32
      %parallel_loop3A_284 = arith.index_cast %parallel_loop3A_283 : i32 to index
      %parallel_loop3A_285 = tpu.vector_load %arg5[%parallel_loop3A_284] {strides = array<i32>} : memref<16384xi32, #tpu.memory_space<vmem>>, vector<16xi32>,
      %parallel_loop3A_286 = vector.shape_cast %parallel_loop3A_285 : vector<16xi32> to vector<16xi32>
      %parallel_loop3A_287 = arith.constant 32 : i32
      %parallel_loop3A_288 = arith.addi %parallel_loop3A_253, %parallel_loop3A_287 : i32
      %parallel_loop3A_289 = arith.index_cast %parallel_loop3A_288 : i32 to index
      %parallel_loop3A_290 = tpu.vector_load %arg8[%parallel_loop3A_289] {strides = array<i32>} : memref<16384xi32, #tpu.memory_space<vmem>>, vector<16xi32>,
      %parallel_loop3A_291 = vector.shape_cast %parallel_loop3A_290 : vector<16xi32> to vector<16xi32>
      %parallel_loop3A_292 = arith.addi %parallel_loop3A_264, %parallel_loop3A_286 : vector<16xi32>
      %parallel_loop3A_293 = arith.addi %parallel_loop3A_265, %parallel_loop3A_291 : vector<16xi32>
      %parallel_loop3A_294 = arith.andi %parallel_loop3A_286, %parallel_loop3A_291 : vector<16xi32>
      %parallel_loop3A_295 = arith.addi %parallel_loop3A_267, %parallel_loop3A_294 : vector<16xi32>
      %parallel_loop3A_296 = arith.constant 48 : i32
      %parallel_loop3A_297 = arith.addi %parallel_loop3A_253, %parallel_loop3A_296 : i32
      %parallel_loop3A_298 = arith.index_cast %parallel_loop3A_297 : i32 to index
      %parallel_loop3A_299 = tpu.vector_load %arg5[%parallel_loop3A_298] {strides = array<i32>} : memref<16384xi32, #tpu.memory_space<vmem>>, vector<16xi32>,
      %parallel_loop3A_300 = vector.shape_cast %parallel_loop3A_299 : vector<16xi32> to vector<16xi32>
      %parallel_loop3A_301 = arith.constant 48 : i32
      %parallel_loop3A_302 = arith.addi %parallel_loop3A_253, %parallel_loop3A_301 : i32
      %parallel_loop3A_303 = arith.index_cast %parallel_loop3A_302 : i32 to index
      %parallel_loop3A_304 = tpu.vector_load %arg8[%parallel_loop3A_303] {strides = array<i32>} : memref<16384xi32, #tpu.memory_space<vmem>>, vector<16xi32>,
      %parallel_loop3A_305 = vector.shape_cast %parallel_loop3A_304 : vector<16xi32> to vector<16xi32>
      %parallel_loop3A_306 = arith.addi %parallel_loop3A_278, %parallel_loop3A_300 : vector<16xi32>
      %parallel_loop3A_307 = arith.addi %parallel_loop3A_279, %parallel_loop3A_305 : vector<16xi32>
      %parallel_loop3A_308 = arith.andi %parallel_loop3A_300, %parallel_loop3A_305 : vector<16xi32>
      %parallel_loop3A_309 = arith.addi %parallel_loop3A_281, %parallel_loop3A_308 : vector<16xi32>
      scf.yield %parallel_loop3A_292, %parallel_loop3A_293, %parallel_loop3A_295, %parallel_loop3A_306, %parallel_loop3A_307, %parallel_loop3A_309 : vector<16xi32>, vector<16xi32>, vector<16xi32>, vector<16xi32>, vector<16xi32>, vector<16xi32>
    } {sc.loop_unroll_factor = 8 : i64, sc.parallel_access}
    %add3A_111 = arith.constant 147456 : i32
    %add3A_112 = arith.addi %mul3A_2, %add3A_111 : i32
    %dma_start3A_113 = tpu.memref_slice %arg2[%add3A_112] : memref<8388608xi32, #tpu.memory_space<hbm>> -> memref<16384xi32, #tpu.memory_space<hbm>>
    %dma_start3A_114 = tpu.memref_slice %arg2[%add3A_112] : memref<8388608xi32, #tpu.memory_space<hbm>> -> memref<16384xi32, #tpu.memory_space<hbm>>
    tpu.enqueue_dma source(%dma_start3A_114 : memref<16384xi32, #tpu.memory_space<hbm>>) target(%arg5 : memref<16384xi32, #tpu.memory_space<vmem>>) target_semaphore(%arg12 : memref<!tpu.dma_semaphore, #tpu.memory_space<semaphore_mem>>)
    %dma_start3A_115 = tpu.memref_slice %arg3[%add3A_112] : memref<8388608xi32, #tpu.memory_space<hbm>> -> memref<16384xi32, #tpu.memory_space<hbm>>
    %dma_start3A_116 = tpu.memref_slice %arg3[%add3A_112] : memref<8388608xi32, #tpu.memory_space<hbm>> -> memref<16384xi32, #tpu.memory_space<hbm>>
    tpu.enqueue_dma source(%dma_start3A_116 : memref<16384xi32, #tpu.memory_space<hbm>>) target(%arg8 : memref<16384xi32, #tpu.memory_space<vmem>>) target_semaphore(%arg12 : memref<!tpu.dma_semaphore, #tpu.memory_space<semaphore_mem>>)
    %dma_wait3A_117 = tpu.memref_slice %arg2[%add3A_84] : memref<8388608xi32, #tpu.memory_space<hbm>> -> memref<16384xi32, #tpu.memory_space<hbm>>
    %dma_wait3A_118 = tpu.memref_slice %arg2[%add3A_84] : memref<8388608xi32, #tpu.memory_space<hbm>> -> memref<16384xi32, #tpu.memory_space<hbm>>
    tpu.wait_dma2 semaphore(%arg13 : memref<!tpu.dma_semaphore, #tpu.memory_space<semaphore_mem>>) src(%dma_wait3A_118 : memref<16384xi32, #tpu.memory_space<hbm>>) dst(%arg6 : memref<16384xi32, #tpu.memory_space<vmem>>)
    %dma_wait3A_119 = tpu.memref_slice %arg3[%add3A_84] : memref<8388608xi32, #tpu.memory_space<hbm>> -> memref<16384xi32, #tpu.memory_space<hbm>>
    %dma_wait3A_120 = tpu.memref_slice %arg3[%add3A_84] : memref<8388608xi32, #tpu.memory_space<hbm>> -> memref<16384xi32, #tpu.memory_space<hbm>>
    tpu.wait_dma2 semaphore(%arg13 : memref<!tpu.dma_semaphore, #tpu.memory_space<semaphore_mem>>) src(%dma_wait3A_120 : memref<16384xi32, #tpu.memory_space<hbm>>) dst(%arg9 : memref<16384xi32, #tpu.memory_space<vmem>>)
    %parallel_loop3A_121 = arith.constant 0 : i32
    %parallel_loop3A_122 = arith.constant 256 : i32
    %parallel_loop3A_123 = arith.constant 1 : i32
    %parallel_loop3A_124:6 = scf.for %parallel_loop3A_245 = %parallel_loop3A_121 to %parallel_loop3A_122 step %parallel_loop3A_123 iter_args(%parallel_loop3A_246 = %parallel_loop3A_110#0, %parallel_loop3A_247 = %parallel_loop3A_110#1, %parallel_loop3A_248 = %parallel_loop3A_110#2, %parallel_loop3A_249 = %parallel_loop3A_110#3, %parallel_loop3A_250 = %parallel_loop3A_110#4, %parallel_loop3A_251 = %parallel_loop3A_110#5) -> (vector<16xi32>, vector<16xi32>, vector<16xi32>, vector<16xi32>, vector<16xi32>, vector<16xi32>)  : i32 {
      %parallel_loop3A_252 = arith.constant 64 : i32
      %parallel_loop3A_253 = arith.muli %parallel_loop3A_245, %parallel_loop3A_252 : i32
      %parallel_loop3A_254 = arith.constant 0 : i32
      %parallel_loop3A_255 = arith.addi %parallel_loop3A_253, %parallel_loop3A_254 : i32
      %parallel_loop3A_256 = arith.index_cast %parallel_loop3A_255 : i32 to index
      %parallel_loop3A_257 = tpu.vector_load %arg6[%parallel_loop3A_256] {strides = array<i32>} : memref<16384xi32, #tpu.memory_space<vmem>>, vector<16xi32>,
      %parallel_loop3A_258 = vector.shape_cast %parallel_loop3A_257 : vector<16xi32> to vector<16xi32>
      %parallel_loop3A_259 = arith.constant 0 : i32
      %parallel_loop3A_260 = arith.addi %parallel_loop3A_253, %parallel_loop3A_259 : i32
      %parallel_loop3A_261 = arith.index_cast %parallel_loop3A_260 : i32 to index
      %parallel_loop3A_262 = tpu.vector_load %arg9[%parallel_loop3A_261] {strides = array<i32>} : memref<16384xi32, #tpu.memory_space<vmem>>, vector<16xi32>,
      %parallel_loop3A_263 = vector.shape_cast %parallel_loop3A_262 : vector<16xi32> to vector<16xi32>
      %parallel_loop3A_264 = arith.addi %parallel_loop3A_246, %parallel_loop3A_258 : vector<16xi32>
      %parallel_loop3A_265 = arith.addi %parallel_loop3A_247, %parallel_loop3A_263 : vector<16xi32>
      %parallel_loop3A_266 = arith.andi %parallel_loop3A_258, %parallel_loop3A_263 : vector<16xi32>
      %parallel_loop3A_267 = arith.addi %parallel_loop3A_248, %parallel_loop3A_266 : vector<16xi32>
      %parallel_loop3A_268 = arith.constant 16 : i32
      %parallel_loop3A_269 = arith.addi %parallel_loop3A_253, %parallel_loop3A_268 : i32
      %parallel_loop3A_270 = arith.index_cast %parallel_loop3A_269 : i32 to index
      %parallel_loop3A_271 = tpu.vector_load %arg6[%parallel_loop3A_270] {strides = array<i32>} : memref<16384xi32, #tpu.memory_space<vmem>>, vector<16xi32>,
      %parallel_loop3A_272 = vector.shape_cast %parallel_loop3A_271 : vector<16xi32> to vector<16xi32>
      %parallel_loop3A_273 = arith.constant 16 : i32
      %parallel_loop3A_274 = arith.addi %parallel_loop3A_253, %parallel_loop3A_273 : i32
      %parallel_loop3A_275 = arith.index_cast %parallel_loop3A_274 : i32 to index
      %parallel_loop3A_276 = tpu.vector_load %arg9[%parallel_loop3A_275] {strides = array<i32>} : memref<16384xi32, #tpu.memory_space<vmem>>, vector<16xi32>,
      %parallel_loop3A_277 = vector.shape_cast %parallel_loop3A_276 : vector<16xi32> to vector<16xi32>
      %parallel_loop3A_278 = arith.addi %parallel_loop3A_249, %parallel_loop3A_272 : vector<16xi32>
      %parallel_loop3A_279 = arith.addi %parallel_loop3A_250, %parallel_loop3A_277 : vector<16xi32>
      %parallel_loop3A_280 = arith.andi %parallel_loop3A_272, %parallel_loop3A_277 : vector<16xi32>
      %parallel_loop3A_281 = arith.addi %parallel_loop3A_251, %parallel_loop3A_280 : vector<16xi32>
      %parallel_loop3A_282 = arith.constant 32 : i32
      %parallel_loop3A_283 = arith.addi %parallel_loop3A_253, %parallel_loop3A_282 : i32
      %parallel_loop3A_284 = arith.index_cast %parallel_loop3A_283 : i32 to index
      %parallel_loop3A_285 = tpu.vector_load %arg6[%parallel_loop3A_284] {strides = array<i32>} : memref<16384xi32, #tpu.memory_space<vmem>>, vector<16xi32>,
      %parallel_loop3A_286 = vector.shape_cast %parallel_loop3A_285 : vector<16xi32> to vector<16xi32>
      %parallel_loop3A_287 = arith.constant 32 : i32
      %parallel_loop3A_288 = arith.addi %parallel_loop3A_253, %parallel_loop3A_287 : i32
      %parallel_loop3A_289 = arith.index_cast %parallel_loop3A_288 : i32 to index
      %parallel_loop3A_290 = tpu.vector_load %arg9[%parallel_loop3A_289] {strides = array<i32>} : memref<16384xi32, #tpu.memory_space<vmem>>, vector<16xi32>,
      %parallel_loop3A_291 = vector.shape_cast %parallel_loop3A_290 : vector<16xi32> to vector<16xi32>
      %parallel_loop3A_292 = arith.addi %parallel_loop3A_264, %parallel_loop3A_286 : vector<16xi32>
      %parallel_loop3A_293 = arith.addi %parallel_loop3A_265, %parallel_loop3A_291 : vector<16xi32>
      %parallel_loop3A_294 = arith.andi %parallel_loop3A_286, %parallel_loop3A_291 : vector<16xi32>
      %parallel_loop3A_295 = arith.addi %parallel_loop3A_267, %parallel_loop3A_294 : vector<16xi32>
      %parallel_loop3A_296 = arith.constant 48 : i32
      %parallel_loop3A_297 = arith.addi %parallel_loop3A_253, %parallel_loop3A_296 : i32
      %parallel_loop3A_298 = arith.index_cast %parallel_loop3A_297 : i32 to index
      %parallel_loop3A_299 = tpu.vector_load %arg6[%parallel_loop3A_298] {strides = array<i32>} : memref<16384xi32, #tpu.memory_space<vmem>>, vector<16xi32>,
      %parallel_loop3A_300 = vector.shape_cast %parallel_loop3A_299 : vector<16xi32> to vector<16xi32>
      %parallel_loop3A_301 = arith.constant 48 : i32
      %parallel_loop3A_302 = arith.addi %parallel_loop3A_253, %parallel_loop3A_301 : i32
      %parallel_loop3A_303 = arith.index_cast %parallel_loop3A_302 : i32 to index
      %parallel_loop3A_304 = tpu.vector_load %arg9[%parallel_loop3A_303] {strides = array<i32>} : memref<16384xi32, #tpu.memory_space<vmem>>, vector<16xi32>,
      %parallel_loop3A_305 = vector.shape_cast %parallel_loop3A_304 : vector<16xi32> to vector<16xi32>
      %parallel_loop3A_306 = arith.addi %parallel_loop3A_278, %parallel_loop3A_300 : vector<16xi32>
      %parallel_loop3A_307 = arith.addi %parallel_loop3A_279, %parallel_loop3A_305 : vector<16xi32>
      %parallel_loop3A_308 = arith.andi %parallel_loop3A_300, %parallel_loop3A_305 : vector<16xi32>
      %parallel_loop3A_309 = arith.addi %parallel_loop3A_281, %parallel_loop3A_308 : vector<16xi32>
      scf.yield %parallel_loop3A_292, %parallel_loop3A_293, %parallel_loop3A_295, %parallel_loop3A_306, %parallel_loop3A_307, %parallel_loop3A_309 : vector<16xi32>, vector<16xi32>, vector<16xi32>, vector<16xi32>, vector<16xi32>, vector<16xi32>
    } {sc.loop_unroll_factor = 8 : i64, sc.parallel_access}
    %add3A_125 = arith.constant 163840 : i32
    %add3A_126 = arith.addi %mul3A_2, %add3A_125 : i32
    %dma_start3A_127 = tpu.memref_slice %arg2[%add3A_126] : memref<8388608xi32, #tpu.memory_space<hbm>> -> memref<16384xi32, #tpu.memory_space<hbm>>
    %dma_start3A_128 = tpu.memref_slice %arg2[%add3A_126] : memref<8388608xi32, #tpu.memory_space<hbm>> -> memref<16384xi32, #tpu.memory_space<hbm>>
    tpu.enqueue_dma source(%dma_start3A_128 : memref<16384xi32, #tpu.memory_space<hbm>>) target(%arg6 : memref<16384xi32, #tpu.memory_space<vmem>>) target_semaphore(%arg13 : memref<!tpu.dma_semaphore, #tpu.memory_space<semaphore_mem>>)
    %dma_start3A_129 = tpu.memref_slice %arg3[%add3A_126] : memref<8388608xi32, #tpu.memory_space<hbm>> -> memref<16384xi32, #tpu.memory_space<hbm>>
    %dma_start3A_130 = tpu.memref_slice %arg3[%add3A_126] : memref<8388608xi32, #tpu.memory_space<hbm>> -> memref<16384xi32, #tpu.memory_space<hbm>>
    tpu.enqueue_dma source(%dma_start3A_130 : memref<16384xi32, #tpu.memory_space<hbm>>) target(%arg9 : memref<16384xi32, #tpu.memory_space<vmem>>) target_semaphore(%arg13 : memref<!tpu.dma_semaphore, #tpu.memory_space<semaphore_mem>>)
    %dma_wait3A_131 = tpu.memref_slice %arg2[%add3A_98] : memref<8388608xi32, #tpu.memory_space<hbm>> -> memref<16384xi32, #tpu.memory_space<hbm>>
    %dma_wait3A_132 = tpu.memref_slice %arg2[%add3A_98] : memref<8388608xi32, #tpu.memory_space<hbm>> -> memref<16384xi32, #tpu.memory_space<hbm>>
    tpu.wait_dma2 semaphore(%arg14 : memref<!tpu.dma_semaphore, #tpu.memory_space<semaphore_mem>>) src(%dma_wait3A_132 : memref<16384xi32, #tpu.memory_space<hbm>>) dst(%arg7 : memref<16384xi32, #tpu.memory_space<vmem>>)
    %dma_wait3A_133 = tpu.memref_slice %arg3[%add3A_98] : memref<8388608xi32, #tpu.memory_space<hbm>> -> memref<16384xi32, #tpu.memory_space<hbm>>
    %dma_wait3A_134 = tpu.memref_slice %arg3[%add3A_98] : memref<8388608xi32, #tpu.memory_space<hbm>> -> memref<16384xi32, #tpu.memory_space<hbm>>
    tpu.wait_dma2 semaphore(%arg14 : memref<!tpu.dma_semaphore, #tpu.memory_space<semaphore_mem>>) src(%dma_wait3A_134 : memref<16384xi32, #tpu.memory_space<hbm>>) dst(%arg10 : memref<16384xi32, #tpu.memory_space<vmem>>)
    %parallel_loop3A_135 = arith.constant 0 : i32
    %parallel_loop3A_136 = arith.constant 256 : i32
    %parallel_loop3A_137 = arith.constant 1 : i32
    %parallel_loop3A_138:6 = scf.for %parallel_loop3A_245 = %parallel_loop3A_135 to %parallel_loop3A_136 step %parallel_loop3A_137 iter_args(%parallel_loop3A_246 = %parallel_loop3A_124#0, %parallel_loop3A_247 = %parallel_loop3A_124#1, %parallel_loop3A_248 = %parallel_loop3A_124#2, %parallel_loop3A_249 = %parallel_loop3A_124#3, %parallel_loop3A_250 = %parallel_loop3A_124#4, %parallel_loop3A_251 = %parallel_loop3A_124#5) -> (vector<16xi32>, vector<16xi32>, vector<16xi32>, vector<16xi32>, vector<16xi32>, vector<16xi32>)  : i32 {
      %parallel_loop3A_252 = arith.constant 64 : i32
      %parallel_loop3A_253 = arith.muli %parallel_loop3A_245, %parallel_loop3A_252 : i32
      %parallel_loop3A_254 = arith.constant 0 : i32
      %parallel_loop3A_255 = arith.addi %parallel_loop3A_253, %parallel_loop3A_254 : i32
      %parallel_loop3A_256 = arith.index_cast %parallel_loop3A_255 : i32 to index
      %parallel_loop3A_257 = tpu.vector_load %arg7[%parallel_loop3A_256] {strides = array<i32>} : memref<16384xi32, #tpu.memory_space<vmem>>, vector<16xi32>,
      %parallel_loop3A_258 = vector.shape_cast %parallel_loop3A_257 : vector<16xi32> to vector<16xi32>
      %parallel_loop3A_259 = arith.constant 0 : i32
      %parallel_loop3A_260 = arith.addi %parallel_loop3A_253, %parallel_loop3A_259 : i32
      %parallel_loop3A_261 = arith.index_cast %parallel_loop3A_260 : i32 to index
      %parallel_loop3A_262 = tpu.vector_load %arg10[%parallel_loop3A_261] {strides = array<i32>} : memref<16384xi32, #tpu.memory_space<vmem>>, vector<16xi32>,
      %parallel_loop3A_263 = vector.shape_cast %parallel_loop3A_262 : vector<16xi32> to vector<16xi32>
      %parallel_loop3A_264 = arith.addi %parallel_loop3A_246, %parallel_loop3A_258 : vector<16xi32>
      %parallel_loop3A_265 = arith.addi %parallel_loop3A_247, %parallel_loop3A_263 : vector<16xi32>
      %parallel_loop3A_266 = arith.andi %parallel_loop3A_258, %parallel_loop3A_263 : vector<16xi32>
      %parallel_loop3A_267 = arith.addi %parallel_loop3A_248, %parallel_loop3A_266 : vector<16xi32>
      %parallel_loop3A_268 = arith.constant 16 : i32
      %parallel_loop3A_269 = arith.addi %parallel_loop3A_253, %parallel_loop3A_268 : i32
      %parallel_loop3A_270 = arith.index_cast %parallel_loop3A_269 : i32 to index
      %parallel_loop3A_271 = tpu.vector_load %arg7[%parallel_loop3A_270] {strides = array<i32>} : memref<16384xi32, #tpu.memory_space<vmem>>, vector<16xi32>,
      %parallel_loop3A_272 = vector.shape_cast %parallel_loop3A_271 : vector<16xi32> to vector<16xi32>
      %parallel_loop3A_273 = arith.constant 16 : i32
      %parallel_loop3A_274 = arith.addi %parallel_loop3A_253, %parallel_loop3A_273 : i32
      %parallel_loop3A_275 = arith.index_cast %parallel_loop3A_274 : i32 to index
      %parallel_loop3A_276 = tpu.vector_load %arg10[%parallel_loop3A_275] {strides = array<i32>} : memref<16384xi32, #tpu.memory_space<vmem>>, vector<16xi32>,
      %parallel_loop3A_277 = vector.shape_cast %parallel_loop3A_276 : vector<16xi32> to vector<16xi32>
      %parallel_loop3A_278 = arith.addi %parallel_loop3A_249, %parallel_loop3A_272 : vector<16xi32>
      %parallel_loop3A_279 = arith.addi %parallel_loop3A_250, %parallel_loop3A_277 : vector<16xi32>
      %parallel_loop3A_280 = arith.andi %parallel_loop3A_272, %parallel_loop3A_277 : vector<16xi32>
      %parallel_loop3A_281 = arith.addi %parallel_loop3A_251, %parallel_loop3A_280 : vector<16xi32>
      %parallel_loop3A_282 = arith.constant 32 : i32
      %parallel_loop3A_283 = arith.addi %parallel_loop3A_253, %parallel_loop3A_282 : i32
      %parallel_loop3A_284 = arith.index_cast %parallel_loop3A_283 : i32 to index
      %parallel_loop3A_285 = tpu.vector_load %arg7[%parallel_loop3A_284] {strides = array<i32>} : memref<16384xi32, #tpu.memory_space<vmem>>, vector<16xi32>,
      %parallel_loop3A_286 = vector.shape_cast %parallel_loop3A_285 : vector<16xi32> to vector<16xi32>
      %parallel_loop3A_287 = arith.constant 32 : i32
      %parallel_loop3A_288 = arith.addi %parallel_loop3A_253, %parallel_loop3A_287 : i32
      %parallel_loop3A_289 = arith.index_cast %parallel_loop3A_288 : i32 to index
      %parallel_loop3A_290 = tpu.vector_load %arg10[%parallel_loop3A_289] {strides = array<i32>} : memref<16384xi32, #tpu.memory_space<vmem>>, vector<16xi32>,
      %parallel_loop3A_291 = vector.shape_cast %parallel_loop3A_290 : vector<16xi32> to vector<16xi32>
      %parallel_loop3A_292 = arith.addi %parallel_loop3A_264, %parallel_loop3A_286 : vector<16xi32>
      %parallel_loop3A_293 = arith.addi %parallel_loop3A_265, %parallel_loop3A_291 : vector<16xi32>
      %parallel_loop3A_294 = arith.andi %parallel_loop3A_286, %parallel_loop3A_291 : vector<16xi32>
      %parallel_loop3A_295 = arith.addi %parallel_loop3A_267, %parallel_loop3A_294 : vector<16xi32>
      %parallel_loop3A_296 = arith.constant 48 : i32
      %parallel_loop3A_297 = arith.addi %parallel_loop3A_253, %parallel_loop3A_296 : i32
      %parallel_loop3A_298 = arith.index_cast %parallel_loop3A_297 : i32 to index
      %parallel_loop3A_299 = tpu.vector_load %arg7[%parallel_loop3A_298] {strides = array<i32>} : memref<16384xi32, #tpu.memory_space<vmem>>, vector<16xi32>,
      %parallel_loop3A_300 = vector.shape_cast %parallel_loop3A_299 : vector<16xi32> to vector<16xi32>
      %parallel_loop3A_301 = arith.constant 48 : i32
      %parallel_loop3A_302 = arith.addi %parallel_loop3A_253, %parallel_loop3A_301 : i32
      %parallel_loop3A_303 = arith.index_cast %parallel_loop3A_302 : i32 to index
      %parallel_loop3A_304 = tpu.vector_load %arg10[%parallel_loop3A_303] {strides = array<i32>} : memref<16384xi32, #tpu.memory_space<vmem>>, vector<16xi32>,
      %parallel_loop3A_305 = vector.shape_cast %parallel_loop3A_304 : vector<16xi32> to vector<16xi32>
      %parallel_loop3A_306 = arith.addi %parallel_loop3A_278, %parallel_loop3A_300 : vector<16xi32>
      %parallel_loop3A_307 = arith.addi %parallel_loop3A_279, %parallel_loop3A_305 : vector<16xi32>
      %parallel_loop3A_308 = arith.andi %parallel_loop3A_300, %parallel_loop3A_305 : vector<16xi32>
      %parallel_loop3A_309 = arith.addi %parallel_loop3A_281, %parallel_loop3A_308 : vector<16xi32>
      scf.yield %parallel_loop3A_292, %parallel_loop3A_293, %parallel_loop3A_295, %parallel_loop3A_306, %parallel_loop3A_307, %parallel_loop3A_309 : vector<16xi32>, vector<16xi32>, vector<16xi32>, vector<16xi32>, vector<16xi32>, vector<16xi32>
    } {sc.loop_unroll_factor = 8 : i64, sc.parallel_access}
    %add3A_139 = arith.constant 180224 : i32
    %add3A_140 = arith.addi %mul3A_2, %add3A_139 : i32
    %dma_start3A_141 = tpu.memref_slice %arg2[%add3A_140] : memref<8388608xi32, #tpu.memory_space<hbm>> -> memref<16384xi32, #tpu.memory_space<hbm>>
    %dma_start3A_142 = tpu.memref_slice %arg2[%add3A_140] : memref<8388608xi32, #tpu.memory_space<hbm>> -> memref<16384xi32, #tpu.memory_space<hbm>>
    tpu.enqueue_dma source(%dma_start3A_142 : memref<16384xi32, #tpu.memory_space<hbm>>) target(%arg7 : memref<16384xi32, #tpu.memory_space<vmem>>) target_semaphore(%arg14 : memref<!tpu.dma_semaphore, #tpu.memory_space<semaphore_mem>>)
    %dma_start3A_143 = tpu.memref_slice %arg3[%add3A_140] : memref<8388608xi32, #tpu.memory_space<hbm>> -> memref<16384xi32, #tpu.memory_space<hbm>>
    %dma_start3A_144 = tpu.memref_slice %arg3[%add3A_140] : memref<8388608xi32, #tpu.memory_space<hbm>> -> memref<16384xi32, #tpu.memory_space<hbm>>
    tpu.enqueue_dma source(%dma_start3A_144 : memref<16384xi32, #tpu.memory_space<hbm>>) target(%arg10 : memref<16384xi32, #tpu.memory_space<vmem>>) target_semaphore(%arg14 : memref<!tpu.dma_semaphore, #tpu.memory_space<semaphore_mem>>)
    %dma_wait3A_145 = tpu.memref_slice %arg2[%add3A_112] : memref<8388608xi32, #tpu.memory_space<hbm>> -> memref<16384xi32, #tpu.memory_space<hbm>>
    %dma_wait3A_146 = tpu.memref_slice %arg2[%add3A_112] : memref<8388608xi32, #tpu.memory_space<hbm>> -> memref<16384xi32, #tpu.memory_space<hbm>>
    tpu.wait_dma2 semaphore(%arg12 : memref<!tpu.dma_semaphore, #tpu.memory_space<semaphore_mem>>) src(%dma_wait3A_146 : memref<16384xi32, #tpu.memory_space<hbm>>) dst(%arg5 : memref<16384xi32, #tpu.memory_space<vmem>>)
    %dma_wait3A_147 = tpu.memref_slice %arg3[%add3A_112] : memref<8388608xi32, #tpu.memory_space<hbm>> -> memref<16384xi32, #tpu.memory_space<hbm>>
    %dma_wait3A_148 = tpu.memref_slice %arg3[%add3A_112] : memref<8388608xi32, #tpu.memory_space<hbm>> -> memref<16384xi32, #tpu.memory_space<hbm>>
    tpu.wait_dma2 semaphore(%arg12 : memref<!tpu.dma_semaphore, #tpu.memory_space<semaphore_mem>>) src(%dma_wait3A_148 : memref<16384xi32, #tpu.memory_space<hbm>>) dst(%arg8 : memref<16384xi32, #tpu.memory_space<vmem>>)
    %parallel_loop3A_149 = arith.constant 0 : i32
    %parallel_loop3A_150 = arith.constant 256 : i32
    %parallel_loop3A_151 = arith.constant 1 : i32
    %parallel_loop3A_152:6 = scf.for %parallel_loop3A_245 = %parallel_loop3A_149 to %parallel_loop3A_150 step %parallel_loop3A_151 iter_args(%parallel_loop3A_246 = %parallel_loop3A_138#0, %parallel_loop3A_247 = %parallel_loop3A_138#1, %parallel_loop3A_248 = %parallel_loop3A_138#2, %parallel_loop3A_249 = %parallel_loop3A_138#3, %parallel_loop3A_250 = %parallel_loop3A_138#4, %parallel_loop3A_251 = %parallel_loop3A_138#5) -> (vector<16xi32>, vector<16xi32>, vector<16xi32>, vector<16xi32>, vector<16xi32>, vector<16xi32>)  : i32 {
      %parallel_loop3A_252 = arith.constant 64 : i32
      %parallel_loop3A_253 = arith.muli %parallel_loop3A_245, %parallel_loop3A_252 : i32
      %parallel_loop3A_254 = arith.constant 0 : i32
      %parallel_loop3A_255 = arith.addi %parallel_loop3A_253, %parallel_loop3A_254 : i32
      %parallel_loop3A_256 = arith.index_cast %parallel_loop3A_255 : i32 to index
      %parallel_loop3A_257 = tpu.vector_load %arg5[%parallel_loop3A_256] {strides = array<i32>} : memref<16384xi32, #tpu.memory_space<vmem>>, vector<16xi32>,
      %parallel_loop3A_258 = vector.shape_cast %parallel_loop3A_257 : vector<16xi32> to vector<16xi32>
      %parallel_loop3A_259 = arith.constant 0 : i32
      %parallel_loop3A_260 = arith.addi %parallel_loop3A_253, %parallel_loop3A_259 : i32
      %parallel_loop3A_261 = arith.index_cast %parallel_loop3A_260 : i32 to index
      %parallel_loop3A_262 = tpu.vector_load %arg8[%parallel_loop3A_261] {strides = array<i32>} : memref<16384xi32, #tpu.memory_space<vmem>>, vector<16xi32>,
      %parallel_loop3A_263 = vector.shape_cast %parallel_loop3A_262 : vector<16xi32> to vector<16xi32>
      %parallel_loop3A_264 = arith.addi %parallel_loop3A_246, %parallel_loop3A_258 : vector<16xi32>
      %parallel_loop3A_265 = arith.addi %parallel_loop3A_247, %parallel_loop3A_263 : vector<16xi32>
      %parallel_loop3A_266 = arith.andi %parallel_loop3A_258, %parallel_loop3A_263 : vector<16xi32>
      %parallel_loop3A_267 = arith.addi %parallel_loop3A_248, %parallel_loop3A_266 : vector<16xi32>
      %parallel_loop3A_268 = arith.constant 16 : i32
      %parallel_loop3A_269 = arith.addi %parallel_loop3A_253, %parallel_loop3A_268 : i32
      %parallel_loop3A_270 = arith.index_cast %parallel_loop3A_269 : i32 to index
      %parallel_loop3A_271 = tpu.vector_load %arg5[%parallel_loop3A_270] {strides = array<i32>} : memref<16384xi32, #tpu.memory_space<vmem>>, vector<16xi32>,
      %parallel_loop3A_272 = vector.shape_cast %parallel_loop3A_271 : vector<16xi32> to vector<16xi32>
      %parallel_loop3A_273 = arith.constant 16 : i32
      %parallel_loop3A_274 = arith.addi %parallel_loop3A_253, %parallel_loop3A_273 : i32
      %parallel_loop3A_275 = arith.index_cast %parallel_loop3A_274 : i32 to index
      %parallel_loop3A_276 = tpu.vector_load %arg8[%parallel_loop3A_275] {strides = array<i32>} : memref<16384xi32, #tpu.memory_space<vmem>>, vector<16xi32>,
      %parallel_loop3A_277 = vector.shape_cast %parallel_loop3A_276 : vector<16xi32> to vector<16xi32>
      %parallel_loop3A_278 = arith.addi %parallel_loop3A_249, %parallel_loop3A_272 : vector<16xi32>
      %parallel_loop3A_279 = arith.addi %parallel_loop3A_250, %parallel_loop3A_277 : vector<16xi32>
      %parallel_loop3A_280 = arith.andi %parallel_loop3A_272, %parallel_loop3A_277 : vector<16xi32>
      %parallel_loop3A_281 = arith.addi %parallel_loop3A_251, %parallel_loop3A_280 : vector<16xi32>
      %parallel_loop3A_282 = arith.constant 32 : i32
      %parallel_loop3A_283 = arith.addi %parallel_loop3A_253, %parallel_loop3A_282 : i32
      %parallel_loop3A_284 = arith.index_cast %parallel_loop3A_283 : i32 to index
      %parallel_loop3A_285 = tpu.vector_load %arg5[%parallel_loop3A_284] {strides = array<i32>} : memref<16384xi32, #tpu.memory_space<vmem>>, vector<16xi32>,
      %parallel_loop3A_286 = vector.shape_cast %parallel_loop3A_285 : vector<16xi32> to vector<16xi32>
      %parallel_loop3A_287 = arith.constant 32 : i32
      %parallel_loop3A_288 = arith.addi %parallel_loop3A_253, %parallel_loop3A_287 : i32
      %parallel_loop3A_289 = arith.index_cast %parallel_loop3A_288 : i32 to index
      %parallel_loop3A_290 = tpu.vector_load %arg8[%parallel_loop3A_289] {strides = array<i32>} : memref<16384xi32, #tpu.memory_space<vmem>>, vector<16xi32>,
      %parallel_loop3A_291 = vector.shape_cast %parallel_loop3A_290 : vector<16xi32> to vector<16xi32>
      %parallel_loop3A_292 = arith.addi %parallel_loop3A_264, %parallel_loop3A_286 : vector<16xi32>
      %parallel_loop3A_293 = arith.addi %parallel_loop3A_265, %parallel_loop3A_291 : vector<16xi32>
      %parallel_loop3A_294 = arith.andi %parallel_loop3A_286, %parallel_loop3A_291 : vector<16xi32>
      %parallel_loop3A_295 = arith.addi %parallel_loop3A_267, %parallel_loop3A_294 : vector<16xi32>
      %parallel_loop3A_296 = arith.constant 48 : i32
      %parallel_loop3A_297 = arith.addi %parallel_loop3A_253, %parallel_loop3A_296 : i32
      %parallel_loop3A_298 = arith.index_cast %parallel_loop3A_297 : i32 to index
      %parallel_loop3A_299 = tpu.vector_load %arg5[%parallel_loop3A_298] {strides = array<i32>} : memref<16384xi32, #tpu.memory_space<vmem>>, vector<16xi32>,
      %parallel_loop3A_300 = vector.shape_cast %parallel_loop3A_299 : vector<16xi32> to vector<16xi32>
      %parallel_loop3A_301 = arith.constant 48 : i32
      %parallel_loop3A_302 = arith.addi %parallel_loop3A_253, %parallel_loop3A_301 : i32
      %parallel_loop3A_303 = arith.index_cast %parallel_loop3A_302 : i32 to index
      %parallel_loop3A_304 = tpu.vector_load %arg8[%parallel_loop3A_303] {strides = array<i32>} : memref<16384xi32, #tpu.memory_space<vmem>>, vector<16xi32>,
      %parallel_loop3A_305 = vector.shape_cast %parallel_loop3A_304 : vector<16xi32> to vector<16xi32>
      %parallel_loop3A_306 = arith.addi %parallel_loop3A_278, %parallel_loop3A_300 : vector<16xi32>
      %parallel_loop3A_307 = arith.addi %parallel_loop3A_279, %parallel_loop3A_305 : vector<16xi32>
      %parallel_loop3A_308 = arith.andi %parallel_loop3A_300, %parallel_loop3A_305 : vector<16xi32>
      %parallel_loop3A_309 = arith.addi %parallel_loop3A_281, %parallel_loop3A_308 : vector<16xi32>
      scf.yield %parallel_loop3A_292, %parallel_loop3A_293, %parallel_loop3A_295, %parallel_loop3A_306, %parallel_loop3A_307, %parallel_loop3A_309 : vector<16xi32>, vector<16xi32>, vector<16xi32>, vector<16xi32>, vector<16xi32>, vector<16xi32>
    } {sc.loop_unroll_factor = 8 : i64, sc.parallel_access}
    %add3A_153 = arith.constant 196608 : i32
    %add3A_154 = arith.addi %mul3A_2, %add3A_153 : i32
    %dma_start3A_155 = tpu.memref_slice %arg2[%add3A_154] : memref<8388608xi32, #tpu.memory_space<hbm>> -> memref<16384xi32, #tpu.memory_space<hbm>>
    %dma_start3A_156 = tpu.memref_slice %arg2[%add3A_154] : memref<8388608xi32, #tpu.memory_space<hbm>> -> memref<16384xi32, #tpu.memory_space<hbm>>
    tpu.enqueue_dma source(%dma_start3A_156 : memref<16384xi32, #tpu.memory_space<hbm>>) target(%arg5 : memref<16384xi32, #tpu.memory_space<vmem>>) target_semaphore(%arg12 : memref<!tpu.dma_semaphore, #tpu.memory_space<semaphore_mem>>)
    %dma_start3A_157 = tpu.memref_slice %arg3[%add3A_154] : memref<8388608xi32, #tpu.memory_space<hbm>> -> memref<16384xi32, #tpu.memory_space<hbm>>
    %dma_start3A_158 = tpu.memref_slice %arg3[%add3A_154] : memref<8388608xi32, #tpu.memory_space<hbm>> -> memref<16384xi32, #tpu.memory_space<hbm>>
    tpu.enqueue_dma source(%dma_start3A_158 : memref<16384xi32, #tpu.memory_space<hbm>>) target(%arg8 : memref<16384xi32, #tpu.memory_space<vmem>>) target_semaphore(%arg12 : memref<!tpu.dma_semaphore, #tpu.memory_space<semaphore_mem>>)
    %dma_wait3A_159 = tpu.memref_slice %arg2[%add3A_126] : memref<8388608xi32, #tpu.memory_space<hbm>> -> memref<16384xi32, #tpu.memory_space<hbm>>
    %dma_wait3A_160 = tpu.memref_slice %arg2[%add3A_126] : memref<8388608xi32, #tpu.memory_space<hbm>> -> memref<16384xi32, #tpu.memory_space<hbm>>
    tpu.wait_dma2 semaphore(%arg13 : memref<!tpu.dma_semaphore, #tpu.memory_space<semaphore_mem>>) src(%dma_wait3A_160 : memref<16384xi32, #tpu.memory_space<hbm>>) dst(%arg6 : memref<16384xi32, #tpu.memory_space<vmem>>)
    %dma_wait3A_161 = tpu.memref_slice %arg3[%add3A_126] : memref<8388608xi32, #tpu.memory_space<hbm>> -> memref<16384xi32, #tpu.memory_space<hbm>>
    %dma_wait3A_162 = tpu.memref_slice %arg3[%add3A_126] : memref<8388608xi32, #tpu.memory_space<hbm>> -> memref<16384xi32, #tpu.memory_space<hbm>>
    tpu.wait_dma2 semaphore(%arg13 : memref<!tpu.dma_semaphore, #tpu.memory_space<semaphore_mem>>) src(%dma_wait3A_162 : memref<16384xi32, #tpu.memory_space<hbm>>) dst(%arg9 : memref<16384xi32, #tpu.memory_space<vmem>>)
    %parallel_loop3A_163 = arith.constant 0 : i32
    %parallel_loop3A_164 = arith.constant 256 : i32
    %parallel_loop3A_165 = arith.constant 1 : i32
    %parallel_loop3A_166:6 = scf.for %parallel_loop3A_245 = %parallel_loop3A_163 to %parallel_loop3A_164 step %parallel_loop3A_165 iter_args(%parallel_loop3A_246 = %parallel_loop3A_152#0, %parallel_loop3A_247 = %parallel_loop3A_152#1, %parallel_loop3A_248 = %parallel_loop3A_152#2, %parallel_loop3A_249 = %parallel_loop3A_152#3, %parallel_loop3A_250 = %parallel_loop3A_152#4, %parallel_loop3A_251 = %parallel_loop3A_152#5) -> (vector<16xi32>, vector<16xi32>, vector<16xi32>, vector<16xi32>, vector<16xi32>, vector<16xi32>)  : i32 {
      %parallel_loop3A_252 = arith.constant 64 : i32
      %parallel_loop3A_253 = arith.muli %parallel_loop3A_245, %parallel_loop3A_252 : i32
      %parallel_loop3A_254 = arith.constant 0 : i32
      %parallel_loop3A_255 = arith.addi %parallel_loop3A_253, %parallel_loop3A_254 : i32
      %parallel_loop3A_256 = arith.index_cast %parallel_loop3A_255 : i32 to index
      %parallel_loop3A_257 = tpu.vector_load %arg6[%parallel_loop3A_256] {strides = array<i32>} : memref<16384xi32, #tpu.memory_space<vmem>>, vector<16xi32>,
      %parallel_loop3A_258 = vector.shape_cast %parallel_loop3A_257 : vector<16xi32> to vector<16xi32>
      %parallel_loop3A_259 = arith.constant 0 : i32
      %parallel_loop3A_260 = arith.addi %parallel_loop3A_253, %parallel_loop3A_259 : i32
      %parallel_loop3A_261 = arith.index_cast %parallel_loop3A_260 : i32 to index
      %parallel_loop3A_262 = tpu.vector_load %arg9[%parallel_loop3A_261] {strides = array<i32>} : memref<16384xi32, #tpu.memory_space<vmem>>, vector<16xi32>,
      %parallel_loop3A_263 = vector.shape_cast %parallel_loop3A_262 : vector<16xi32> to vector<16xi32>
      %parallel_loop3A_264 = arith.addi %parallel_loop3A_246, %parallel_loop3A_258 : vector<16xi32>
      %parallel_loop3A_265 = arith.addi %parallel_loop3A_247, %parallel_loop3A_263 : vector<16xi32>
      %parallel_loop3A_266 = arith.andi %parallel_loop3A_258, %parallel_loop3A_263 : vector<16xi32>
      %parallel_loop3A_267 = arith.addi %parallel_loop3A_248, %parallel_loop3A_266 : vector<16xi32>
      %parallel_loop3A_268 = arith.constant 16 : i32
      %parallel_loop3A_269 = arith.addi %parallel_loop3A_253, %parallel_loop3A_268 : i32
      %parallel_loop3A_270 = arith.index_cast %parallel_loop3A_269 : i32 to index
      %parallel_loop3A_271 = tpu.vector_load %arg6[%parallel_loop3A_270] {strides = array<i32>} : memref<16384xi32, #tpu.memory_space<vmem>>, vector<16xi32>,
      %parallel_loop3A_272 = vector.shape_cast %parallel_loop3A_271 : vector<16xi32> to vector<16xi32>
      %parallel_loop3A_273 = arith.constant 16 : i32
      %parallel_loop3A_274 = arith.addi %parallel_loop3A_253, %parallel_loop3A_273 : i32
      %parallel_loop3A_275 = arith.index_cast %parallel_loop3A_274 : i32 to index
      %parallel_loop3A_276 = tpu.vector_load %arg9[%parallel_loop3A_275] {strides = array<i32>} : memref<16384xi32, #tpu.memory_space<vmem>>, vector<16xi32>,
      %parallel_loop3A_277 = vector.shape_cast %parallel_loop3A_276 : vector<16xi32> to vector<16xi32>
      %parallel_loop3A_278 = arith.addi %parallel_loop3A_249, %parallel_loop3A_272 : vector<16xi32>
      %parallel_loop3A_279 = arith.addi %parallel_loop3A_250, %parallel_loop3A_277 : vector<16xi32>
      %parallel_loop3A_280 = arith.andi %parallel_loop3A_272, %parallel_loop3A_277 : vector<16xi32>
      %parallel_loop3A_281 = arith.addi %parallel_loop3A_251, %parallel_loop3A_280 : vector<16xi32>
      %parallel_loop3A_282 = arith.constant 32 : i32
      %parallel_loop3A_283 = arith.addi %parallel_loop3A_253, %parallel_loop3A_282 : i32
      %parallel_loop3A_284 = arith.index_cast %parallel_loop3A_283 : i32 to index
      %parallel_loop3A_285 = tpu.vector_load %arg6[%parallel_loop3A_284] {strides = array<i32>} : memref<16384xi32, #tpu.memory_space<vmem>>, vector<16xi32>,
      %parallel_loop3A_286 = vector.shape_cast %parallel_loop3A_285 : vector<16xi32> to vector<16xi32>
      %parallel_loop3A_287 = arith.constant 32 : i32
      %parallel_loop3A_288 = arith.addi %parallel_loop3A_253, %parallel_loop3A_287 : i32
      %parallel_loop3A_289 = arith.index_cast %parallel_loop3A_288 : i32 to index
      %parallel_loop3A_290 = tpu.vector_load %arg9[%parallel_loop3A_289] {strides = array<i32>} : memref<16384xi32, #tpu.memory_space<vmem>>, vector<16xi32>,
      %parallel_loop3A_291 = vector.shape_cast %parallel_loop3A_290 : vector<16xi32> to vector<16xi32>
      %parallel_loop3A_292 = arith.addi %parallel_loop3A_264, %parallel_loop3A_286 : vector<16xi32>
      %parallel_loop3A_293 = arith.addi %parallel_loop3A_265, %parallel_loop3A_291 : vector<16xi32>
      %parallel_loop3A_294 = arith.andi %parallel_loop3A_286, %parallel_loop3A_291 : vector<16xi32>
      %parallel_loop3A_295 = arith.addi %parallel_loop3A_267, %parallel_loop3A_294 : vector<16xi32>
      %parallel_loop3A_296 = arith.constant 48 : i32
      %parallel_loop3A_297 = arith.addi %parallel_loop3A_253, %parallel_loop3A_296 : i32
      %parallel_loop3A_298 = arith.index_cast %parallel_loop3A_297 : i32 to index
      %parallel_loop3A_299 = tpu.vector_load %arg6[%parallel_loop3A_298] {strides = array<i32>} : memref<16384xi32, #tpu.memory_space<vmem>>, vector<16xi32>,
      %parallel_loop3A_300 = vector.shape_cast %parallel_loop3A_299 : vector<16xi32> to vector<16xi32>
      %parallel_loop3A_301 = arith.constant 48 : i32
      %parallel_loop3A_302 = arith.addi %parallel_loop3A_253, %parallel_loop3A_301 : i32
      %parallel_loop3A_303 = arith.index_cast %parallel_loop3A_302 : i32 to index
      %parallel_loop3A_304 = tpu.vector_load %arg9[%parallel_loop3A_303] {strides = array<i32>} : memref<16384xi32, #tpu.memory_space<vmem>>, vector<16xi32>,
      %parallel_loop3A_305 = vector.shape_cast %parallel_loop3A_304 : vector<16xi32> to vector<16xi32>
      %parallel_loop3A_306 = arith.addi %parallel_loop3A_278, %parallel_loop3A_300 : vector<16xi32>
      %parallel_loop3A_307 = arith.addi %parallel_loop3A_279, %parallel_loop3A_305 : vector<16xi32>
      %parallel_loop3A_308 = arith.andi %parallel_loop3A_300, %parallel_loop3A_305 : vector<16xi32>
      %parallel_loop3A_309 = arith.addi %parallel_loop3A_281, %parallel_loop3A_308 : vector<16xi32>
      scf.yield %parallel_loop3A_292, %parallel_loop3A_293, %parallel_loop3A_295, %parallel_loop3A_306, %parallel_loop3A_307, %parallel_loop3A_309 : vector<16xi32>, vector<16xi32>, vector<16xi32>, vector<16xi32>, vector<16xi32>, vector<16xi32>
    } {sc.loop_unroll_factor = 8 : i64, sc.parallel_access}
    %add3A_167 = arith.constant 212992 : i32
    %add3A_168 = arith.addi %mul3A_2, %add3A_167 : i32
    %dma_start3A_169 = tpu.memref_slice %arg2[%add3A_168] : memref<8388608xi32, #tpu.memory_space<hbm>> -> memref<16384xi32, #tpu.memory_space<hbm>>
    %dma_start3A_170 = tpu.memref_slice %arg2[%add3A_168] : memref<8388608xi32, #tpu.memory_space<hbm>> -> memref<16384xi32, #tpu.memory_space<hbm>>
    tpu.enqueue_dma source(%dma_start3A_170 : memref<16384xi32, #tpu.memory_space<hbm>>) target(%arg6 : memref<16384xi32, #tpu.memory_space<vmem>>) target_semaphore(%arg13 : memref<!tpu.dma_semaphore, #tpu.memory_space<semaphore_mem>>)
    %dma_start3A_171 = tpu.memref_slice %arg3[%add3A_168] : memref<8388608xi32, #tpu.memory_space<hbm>> -> memref<16384xi32, #tpu.memory_space<hbm>>
    %dma_start3A_172 = tpu.memref_slice %arg3[%add3A_168] : memref<8388608xi32, #tpu.memory_space<hbm>> -> memref<16384xi32, #tpu.memory_space<hbm>>
    tpu.enqueue_dma source(%dma_start3A_172 : memref<16384xi32, #tpu.memory_space<hbm>>) target(%arg9 : memref<16384xi32, #tpu.memory_space<vmem>>) target_semaphore(%arg13 : memref<!tpu.dma_semaphore, #tpu.memory_space<semaphore_mem>>)
    %dma_wait3A_173 = tpu.memref_slice %arg2[%add3A_140] : memref<8388608xi32, #tpu.memory_space<hbm>> -> memref<16384xi32, #tpu.memory_space<hbm>>
    %dma_wait3A_174 = tpu.memref_slice %arg2[%add3A_140] : memref<8388608xi32, #tpu.memory_space<hbm>> -> memref<16384xi32, #tpu.memory_space<hbm>>
    tpu.wait_dma2 semaphore(%arg14 : memref<!tpu.dma_semaphore, #tpu.memory_space<semaphore_mem>>) src(%dma_wait3A_174 : memref<16384xi32, #tpu.memory_space<hbm>>) dst(%arg7 : memref<16384xi32, #tpu.memory_space<vmem>>)
    %dma_wait3A_175 = tpu.memref_slice %arg3[%add3A_140] : memref<8388608xi32, #tpu.memory_space<hbm>> -> memref<16384xi32, #tpu.memory_space<hbm>>
    %dma_wait3A_176 = tpu.memref_slice %arg3[%add3A_140] : memref<8388608xi32, #tpu.memory_space<hbm>> -> memref<16384xi32, #tpu.memory_space<hbm>>
    tpu.wait_dma2 semaphore(%arg14 : memref<!tpu.dma_semaphore, #tpu.memory_space<semaphore_mem>>) src(%dma_wait3A_176 : memref<16384xi32, #tpu.memory_space<hbm>>) dst(%arg10 : memref<16384xi32, #tpu.memory_space<vmem>>)
    %parallel_loop3A_177 = arith.constant 0 : i32
    %parallel_loop3A_178 = arith.constant 256 : i32
    %parallel_loop3A_179 = arith.constant 1 : i32
    %parallel_loop3A_180:6 = scf.for %parallel_loop3A_245 = %parallel_loop3A_177 to %parallel_loop3A_178 step %parallel_loop3A_179 iter_args(%parallel_loop3A_246 = %parallel_loop3A_166#0, %parallel_loop3A_247 = %parallel_loop3A_166#1, %parallel_loop3A_248 = %parallel_loop3A_166#2, %parallel_loop3A_249 = %parallel_loop3A_166#3, %parallel_loop3A_250 = %parallel_loop3A_166#4, %parallel_loop3A_251 = %parallel_loop3A_166#5) -> (vector<16xi32>, vector<16xi32>, vector<16xi32>, vector<16xi32>, vector<16xi32>, vector<16xi32>)  : i32 {
      %parallel_loop3A_252 = arith.constant 64 : i32
      %parallel_loop3A_253 = arith.muli %parallel_loop3A_245, %parallel_loop3A_252 : i32
      %parallel_loop3A_254 = arith.constant 0 : i32
      %parallel_loop3A_255 = arith.addi %parallel_loop3A_253, %parallel_loop3A_254 : i32
      %parallel_loop3A_256 = arith.index_cast %parallel_loop3A_255 : i32 to index
      %parallel_loop3A_257 = tpu.vector_load %arg7[%parallel_loop3A_256] {strides = array<i32>} : memref<16384xi32, #tpu.memory_space<vmem>>, vector<16xi32>,
      %parallel_loop3A_258 = vector.shape_cast %parallel_loop3A_257 : vector<16xi32> to vector<16xi32>
      %parallel_loop3A_259 = arith.constant 0 : i32
      %parallel_loop3A_260 = arith.addi %parallel_loop3A_253, %parallel_loop3A_259 : i32
      %parallel_loop3A_261 = arith.index_cast %parallel_loop3A_260 : i32 to index
      %parallel_loop3A_262 = tpu.vector_load %arg10[%parallel_loop3A_261] {strides = array<i32>} : memref<16384xi32, #tpu.memory_space<vmem>>, vector<16xi32>,
      %parallel_loop3A_263 = vector.shape_cast %parallel_loop3A_262 : vector<16xi32> to vector<16xi32>
      %parallel_loop3A_264 = arith.addi %parallel_loop3A_246, %parallel_loop3A_258 : vector<16xi32>
      %parallel_loop3A_265 = arith.addi %parallel_loop3A_247, %parallel_loop3A_263 : vector<16xi32>
      %parallel_loop3A_266 = arith.andi %parallel_loop3A_258, %parallel_loop3A_263 : vector<16xi32>
      %parallel_loop3A_267 = arith.addi %parallel_loop3A_248, %parallel_loop3A_266 : vector<16xi32>
      %parallel_loop3A_268 = arith.constant 16 : i32
      %parallel_loop3A_269 = arith.addi %parallel_loop3A_253, %parallel_loop3A_268 : i32
      %parallel_loop3A_270 = arith.index_cast %parallel_loop3A_269 : i32 to index
      %parallel_loop3A_271 = tpu.vector_load %arg7[%parallel_loop3A_270] {strides = array<i32>} : memref<16384xi32, #tpu.memory_space<vmem>>, vector<16xi32>,
      %parallel_loop3A_272 = vector.shape_cast %parallel_loop3A_271 : vector<16xi32> to vector<16xi32>
      %parallel_loop3A_273 = arith.constant 16 : i32
      %parallel_loop3A_274 = arith.addi %parallel_loop3A_253, %parallel_loop3A_273 : i32
      %parallel_loop3A_275 = arith.index_cast %parallel_loop3A_274 : i32 to index
      %parallel_loop3A_276 = tpu.vector_load %arg10[%parallel_loop3A_275] {strides = array<i32>} : memref<16384xi32, #tpu.memory_space<vmem>>, vector<16xi32>,
      %parallel_loop3A_277 = vector.shape_cast %parallel_loop3A_276 : vector<16xi32> to vector<16xi32>
      %parallel_loop3A_278 = arith.addi %parallel_loop3A_249, %parallel_loop3A_272 : vector<16xi32>
      %parallel_loop3A_279 = arith.addi %parallel_loop3A_250, %parallel_loop3A_277 : vector<16xi32>
      %parallel_loop3A_280 = arith.andi %parallel_loop3A_272, %parallel_loop3A_277 : vector<16xi32>
      %parallel_loop3A_281 = arith.addi %parallel_loop3A_251, %parallel_loop3A_280 : vector<16xi32>
      %parallel_loop3A_282 = arith.constant 32 : i32
      %parallel_loop3A_283 = arith.addi %parallel_loop3A_253, %parallel_loop3A_282 : i32
      %parallel_loop3A_284 = arith.index_cast %parallel_loop3A_283 : i32 to index
      %parallel_loop3A_285 = tpu.vector_load %arg7[%parallel_loop3A_284] {strides = array<i32>} : memref<16384xi32, #tpu.memory_space<vmem>>, vector<16xi32>,
      %parallel_loop3A_286 = vector.shape_cast %parallel_loop3A_285 : vector<16xi32> to vector<16xi32>
      %parallel_loop3A_287 = arith.constant 32 : i32
      %parallel_loop3A_288 = arith.addi %parallel_loop3A_253, %parallel_loop3A_287 : i32
      %parallel_loop3A_289 = arith.index_cast %parallel_loop3A_288 : i32 to index
      %parallel_loop3A_290 = tpu.vector_load %arg10[%parallel_loop3A_289] {strides = array<i32>} : memref<16384xi32, #tpu.memory_space<vmem>>, vector<16xi32>,
      %parallel_loop3A_291 = vector.shape_cast %parallel_loop3A_290 : vector<16xi32> to vector<16xi32>
      %parallel_loop3A_292 = arith.addi %parallel_loop3A_264, %parallel_loop3A_286 : vector<16xi32>
      %parallel_loop3A_293 = arith.addi %parallel_loop3A_265, %parallel_loop3A_291 : vector<16xi32>
      %parallel_loop3A_294 = arith.andi %parallel_loop3A_286, %parallel_loop3A_291 : vector<16xi32>
      %parallel_loop3A_295 = arith.addi %parallel_loop3A_267, %parallel_loop3A_294 : vector<16xi32>
      %parallel_loop3A_296 = arith.constant 48 : i32
      %parallel_loop3A_297 = arith.addi %parallel_loop3A_253, %parallel_loop3A_296 : i32
      %parallel_loop3A_298 = arith.index_cast %parallel_loop3A_297 : i32 to index
      %parallel_loop3A_299 = tpu.vector_load %arg7[%parallel_loop3A_298] {strides = array<i32>} : memref<16384xi32, #tpu.memory_space<vmem>>, vector<16xi32>,
      %parallel_loop3A_300 = vector.shape_cast %parallel_loop3A_299 : vector<16xi32> to vector<16xi32>
      %parallel_loop3A_301 = arith.constant 48 : i32
      %parallel_loop3A_302 = arith.addi %parallel_loop3A_253, %parallel_loop3A_301 : i32
      %parallel_loop3A_303 = arith.index_cast %parallel_loop3A_302 : i32 to index
      %parallel_loop3A_304 = tpu.vector_load %arg10[%parallel_loop3A_303] {strides = array<i32>} : memref<16384xi32, #tpu.memory_space<vmem>>, vector<16xi32>,
      %parallel_loop3A_305 = vector.shape_cast %parallel_loop3A_304 : vector<16xi32> to vector<16xi32>
      %parallel_loop3A_306 = arith.addi %parallel_loop3A_278, %parallel_loop3A_300 : vector<16xi32>
      %parallel_loop3A_307 = arith.addi %parallel_loop3A_279, %parallel_loop3A_305 : vector<16xi32>
      %parallel_loop3A_308 = arith.andi %parallel_loop3A_300, %parallel_loop3A_305 : vector<16xi32>
      %parallel_loop3A_309 = arith.addi %parallel_loop3A_281, %parallel_loop3A_308 : vector<16xi32>
      scf.yield %parallel_loop3A_292, %parallel_loop3A_293, %parallel_loop3A_295, %parallel_loop3A_306, %parallel_loop3A_307, %parallel_loop3A_309 : vector<16xi32>, vector<16xi32>, vector<16xi32>, vector<16xi32>, vector<16xi32>, vector<16xi32>
    } {sc.loop_unroll_factor = 8 : i64, sc.parallel_access}
    %add3A_181 = arith.constant 229376 : i32
    %add3A_182 = arith.addi %mul3A_2, %add3A_181 : i32
    %dma_start3A_183 = tpu.memref_slice %arg2[%add3A_182] : memref<8388608xi32, #tpu.memory_space<hbm>> -> memref<16384xi32, #tpu.memory_space<hbm>>
    %dma_start3A_184 = tpu.memref_slice %arg2[%add3A_182] : memref<8388608xi32, #tpu.memory_space<hbm>> -> memref<16384xi32, #tpu.memory_space<hbm>>
    tpu.enqueue_dma source(%dma_start3A_184 : memref<16384xi32, #tpu.memory_space<hbm>>) target(%arg7 : memref<16384xi32, #tpu.memory_space<vmem>>) target_semaphore(%arg14 : memref<!tpu.dma_semaphore, #tpu.memory_space<semaphore_mem>>)
    %dma_start3A_185 = tpu.memref_slice %arg3[%add3A_182] : memref<8388608xi32, #tpu.memory_space<hbm>> -> memref<16384xi32, #tpu.memory_space<hbm>>
    %dma_start3A_186 = tpu.memref_slice %arg3[%add3A_182] : memref<8388608xi32, #tpu.memory_space<hbm>> -> memref<16384xi32, #tpu.memory_space<hbm>>
    tpu.enqueue_dma source(%dma_start3A_186 : memref<16384xi32, #tpu.memory_space<hbm>>) target(%arg10 : memref<16384xi32, #tpu.memory_space<vmem>>) target_semaphore(%arg14 : memref<!tpu.dma_semaphore, #tpu.memory_space<semaphore_mem>>)
    %dma_wait3A_187 = tpu.memref_slice %arg2[%add3A_154] : memref<8388608xi32, #tpu.memory_space<hbm>> -> memref<16384xi32, #tpu.memory_space<hbm>>
    %dma_wait3A_188 = tpu.memref_slice %arg2[%add3A_154] : memref<8388608xi32, #tpu.memory_space<hbm>> -> memref<16384xi32, #tpu.memory_space<hbm>>
    tpu.wait_dma2 semaphore(%arg12 : memref<!tpu.dma_semaphore, #tpu.memory_space<semaphore_mem>>) src(%dma_wait3A_188 : memref<16384xi32, #tpu.memory_space<hbm>>) dst(%arg5 : memref<16384xi32, #tpu.memory_space<vmem>>)
    %dma_wait3A_189 = tpu.memref_slice %arg3[%add3A_154] : memref<8388608xi32, #tpu.memory_space<hbm>> -> memref<16384xi32, #tpu.memory_space<hbm>>
    %dma_wait3A_190 = tpu.memref_slice %arg3[%add3A_154] : memref<8388608xi32, #tpu.memory_space<hbm>> -> memref<16384xi32, #tpu.memory_space<hbm>>
    tpu.wait_dma2 semaphore(%arg12 : memref<!tpu.dma_semaphore, #tpu.memory_space<semaphore_mem>>) src(%dma_wait3A_190 : memref<16384xi32, #tpu.memory_space<hbm>>) dst(%arg8 : memref<16384xi32, #tpu.memory_space<vmem>>)
    %parallel_loop3A_191 = arith.constant 0 : i32
    %parallel_loop3A_192 = arith.constant 256 : i32
    %parallel_loop3A_193 = arith.constant 1 : i32
    %parallel_loop3A_194:6 = scf.for %parallel_loop3A_245 = %parallel_loop3A_191 to %parallel_loop3A_192 step %parallel_loop3A_193 iter_args(%parallel_loop3A_246 = %parallel_loop3A_180#0, %parallel_loop3A_247 = %parallel_loop3A_180#1, %parallel_loop3A_248 = %parallel_loop3A_180#2, %parallel_loop3A_249 = %parallel_loop3A_180#3, %parallel_loop3A_250 = %parallel_loop3A_180#4, %parallel_loop3A_251 = %parallel_loop3A_180#5) -> (vector<16xi32>, vector<16xi32>, vector<16xi32>, vector<16xi32>, vector<16xi32>, vector<16xi32>)  : i32 {
      %parallel_loop3A_252 = arith.constant 64 : i32
      %parallel_loop3A_253 = arith.muli %parallel_loop3A_245, %parallel_loop3A_252 : i32
      %parallel_loop3A_254 = arith.constant 0 : i32
      %parallel_loop3A_255 = arith.addi %parallel_loop3A_253, %parallel_loop3A_254 : i32
      %parallel_loop3A_256 = arith.index_cast %parallel_loop3A_255 : i32 to index
      %parallel_loop3A_257 = tpu.vector_load %arg5[%parallel_loop3A_256] {strides = array<i32>} : memref<16384xi32, #tpu.memory_space<vmem>>, vector<16xi32>,
      %parallel_loop3A_258 = vector.shape_cast %parallel_loop3A_257 : vector<16xi32> to vector<16xi32>
      %parallel_loop3A_259 = arith.constant 0 : i32
      %parallel_loop3A_260 = arith.addi %parallel_loop3A_253, %parallel_loop3A_259 : i32
      %parallel_loop3A_261 = arith.index_cast %parallel_loop3A_260 : i32 to index
      %parallel_loop3A_262 = tpu.vector_load %arg8[%parallel_loop3A_261] {strides = array<i32>} : memref<16384xi32, #tpu.memory_space<vmem>>, vector<16xi32>,
      %parallel_loop3A_263 = vector.shape_cast %parallel_loop3A_262 : vector<16xi32> to vector<16xi32>
      %parallel_loop3A_264 = arith.addi %parallel_loop3A_246, %parallel_loop3A_258 : vector<16xi32>
      %parallel_loop3A_265 = arith.addi %parallel_loop3A_247, %parallel_loop3A_263 : vector<16xi32>
      %parallel_loop3A_266 = arith.andi %parallel_loop3A_258, %parallel_loop3A_263 : vector<16xi32>
      %parallel_loop3A_267 = arith.addi %parallel_loop3A_248, %parallel_loop3A_266 : vector<16xi32>
      %parallel_loop3A_268 = arith.constant 16 : i32
      %parallel_loop3A_269 = arith.addi %parallel_loop3A_253, %parallel_loop3A_268 : i32
      %parallel_loop3A_270 = arith.index_cast %parallel_loop3A_269 : i32 to index
      %parallel_loop3A_271 = tpu.vector_load %arg5[%parallel_loop3A_270] {strides = array<i32>} : memref<16384xi32, #tpu.memory_space<vmem>>, vector<16xi32>,
      %parallel_loop3A_272 = vector.shape_cast %parallel_loop3A_271 : vector<16xi32> to vector<16xi32>
      %parallel_loop3A_273 = arith.constant 16 : i32
      %parallel_loop3A_274 = arith.addi %parallel_loop3A_253, %parallel_loop3A_273 : i32
      %parallel_loop3A_275 = arith.index_cast %parallel_loop3A_274 : i32 to index
      %parallel_loop3A_276 = tpu.vector_load %arg8[%parallel_loop3A_275] {strides = array<i32>} : memref<16384xi32, #tpu.memory_space<vmem>>, vector<16xi32>,
      %parallel_loop3A_277 = vector.shape_cast %parallel_loop3A_276 : vector<16xi32> to vector<16xi32>
      %parallel_loop3A_278 = arith.addi %parallel_loop3A_249, %parallel_loop3A_272 : vector<16xi32>
      %parallel_loop3A_279 = arith.addi %parallel_loop3A_250, %parallel_loop3A_277 : vector<16xi32>
      %parallel_loop3A_280 = arith.andi %parallel_loop3A_272, %parallel_loop3A_277 : vector<16xi32>
      %parallel_loop3A_281 = arith.addi %parallel_loop3A_251, %parallel_loop3A_280 : vector<16xi32>
      %parallel_loop3A_282 = arith.constant 32 : i32
      %parallel_loop3A_283 = arith.addi %parallel_loop3A_253, %parallel_loop3A_282 : i32
      %parallel_loop3A_284 = arith.index_cast %parallel_loop3A_283 : i32 to index
      %parallel_loop3A_285 = tpu.vector_load %arg5[%parallel_loop3A_284] {strides = array<i32>} : memref<16384xi32, #tpu.memory_space<vmem>>, vector<16xi32>,
      %parallel_loop3A_286 = vector.shape_cast %parallel_loop3A_285 : vector<16xi32> to vector<16xi32>
      %parallel_loop3A_287 = arith.constant 32 : i32
      %parallel_loop3A_288 = arith.addi %parallel_loop3A_253, %parallel_loop3A_287 : i32
      %parallel_loop3A_289 = arith.index_cast %parallel_loop3A_288 : i32 to index
      %parallel_loop3A_290 = tpu.vector_load %arg8[%parallel_loop3A_289] {strides = array<i32>} : memref<16384xi32, #tpu.memory_space<vmem>>, vector<16xi32>,
      %parallel_loop3A_291 = vector.shape_cast %parallel_loop3A_290 : vector<16xi32> to vector<16xi32>
      %parallel_loop3A_292 = arith.addi %parallel_loop3A_264, %parallel_loop3A_286 : vector<16xi32>
      %parallel_loop3A_293 = arith.addi %parallel_loop3A_265, %parallel_loop3A_291 : vector<16xi32>
      %parallel_loop3A_294 = arith.andi %parallel_loop3A_286, %parallel_loop3A_291 : vector<16xi32>
      %parallel_loop3A_295 = arith.addi %parallel_loop3A_267, %parallel_loop3A_294 : vector<16xi32>
      %parallel_loop3A_296 = arith.constant 48 : i32
      %parallel_loop3A_297 = arith.addi %parallel_loop3A_253, %parallel_loop3A_296 : i32
      %parallel_loop3A_298 = arith.index_cast %parallel_loop3A_297 : i32 to index
      %parallel_loop3A_299 = tpu.vector_load %arg5[%parallel_loop3A_298] {strides = array<i32>} : memref<16384xi32, #tpu.memory_space<vmem>>, vector<16xi32>,
      %parallel_loop3A_300 = vector.shape_cast %parallel_loop3A_299 : vector<16xi32> to vector<16xi32>
      %parallel_loop3A_301 = arith.constant 48 : i32
      %parallel_loop3A_302 = arith.addi %parallel_loop3A_253, %parallel_loop3A_301 : i32
      %parallel_loop3A_303 = arith.index_cast %parallel_loop3A_302 : i32 to index
      %parallel_loop3A_304 = tpu.vector_load %arg8[%parallel_loop3A_303] {strides = array<i32>} : memref<16384xi32, #tpu.memory_space<vmem>>, vector<16xi32>,
      %parallel_loop3A_305 = vector.shape_cast %parallel_loop3A_304 : vector<16xi32> to vector<16xi32>
      %parallel_loop3A_306 = arith.addi %parallel_loop3A_278, %parallel_loop3A_300 : vector<16xi32>
      %parallel_loop3A_307 = arith.addi %parallel_loop3A_279, %parallel_loop3A_305 : vector<16xi32>
      %parallel_loop3A_308 = arith.andi %parallel_loop3A_300, %parallel_loop3A_305 : vector<16xi32>
      %parallel_loop3A_309 = arith.addi %parallel_loop3A_281, %parallel_loop3A_308 : vector<16xi32>
      scf.yield %parallel_loop3A_292, %parallel_loop3A_293, %parallel_loop3A_295, %parallel_loop3A_306, %parallel_loop3A_307, %parallel_loop3A_309 : vector<16xi32>, vector<16xi32>, vector<16xi32>, vector<16xi32>, vector<16xi32>, vector<16xi32>
    } {sc.loop_unroll_factor = 8 : i64, sc.parallel_access}
    %add3A_195 = arith.constant 245760 : i32
    %add3A_196 = arith.addi %mul3A_2, %add3A_195 : i32
    %dma_start3A_197 = tpu.memref_slice %arg2[%add3A_196] : memref<8388608xi32, #tpu.memory_space<hbm>> -> memref<16384xi32, #tpu.memory_space<hbm>>
    %dma_start3A_198 = tpu.memref_slice %arg2[%add3A_196] : memref<8388608xi32, #tpu.memory_space<hbm>> -> memref<16384xi32, #tpu.memory_space<hbm>>
    tpu.enqueue_dma source(%dma_start3A_198 : memref<16384xi32, #tpu.memory_space<hbm>>) target(%arg5 : memref<16384xi32, #tpu.memory_space<vmem>>) target_semaphore(%arg12 : memref<!tpu.dma_semaphore, #tpu.memory_space<semaphore_mem>>)
    %dma_start3A_199 = tpu.memref_slice %arg3[%add3A_196] : memref<8388608xi32, #tpu.memory_space<hbm>> -> memref<16384xi32, #tpu.memory_space<hbm>>
    %dma_start3A_200 = tpu.memref_slice %arg3[%add3A_196] : memref<8388608xi32, #tpu.memory_space<hbm>> -> memref<16384xi32, #tpu.memory_space<hbm>>
    tpu.enqueue_dma source(%dma_start3A_200 : memref<16384xi32, #tpu.memory_space<hbm>>) target(%arg8 : memref<16384xi32, #tpu.memory_space<vmem>>) target_semaphore(%arg12 : memref<!tpu.dma_semaphore, #tpu.memory_space<semaphore_mem>>)
    %dma_wait3A_201 = tpu.memref_slice %arg2[%add3A_168] : memref<8388608xi32, #tpu.memory_space<hbm>> -> memref<16384xi32, #tpu.memory_space<hbm>>
    %dma_wait3A_202 = tpu.memref_slice %arg2[%add3A_168] : memref<8388608xi32, #tpu.memory_space<hbm>> -> memref<16384xi32, #tpu.memory_space<hbm>>
    tpu.wait_dma2 semaphore(%arg13 : memref<!tpu.dma_semaphore, #tpu.memory_space<semaphore_mem>>) src(%dma_wait3A_202 : memref<16384xi32, #tpu.memory_space<hbm>>) dst(%arg6 : memref<16384xi32, #tpu.memory_space<vmem>>)
    %dma_wait3A_203 = tpu.memref_slice %arg3[%add3A_168] : memref<8388608xi32, #tpu.memory_space<hbm>> -> memref<16384xi32, #tpu.memory_space<hbm>>
    %dma_wait3A_204 = tpu.memref_slice %arg3[%add3A_168] : memref<8388608xi32, #tpu.memory_space<hbm>> -> memref<16384xi32, #tpu.memory_space<hbm>>
    tpu.wait_dma2 semaphore(%arg13 : memref<!tpu.dma_semaphore, #tpu.memory_space<semaphore_mem>>) src(%dma_wait3A_204 : memref<16384xi32, #tpu.memory_space<hbm>>) dst(%arg9 : memref<16384xi32, #tpu.memory_space<vmem>>)
    %parallel_loop3A_205 = arith.constant 0 : i32
    %parallel_loop3A_206 = arith.constant 256 : i32
    %parallel_loop3A_207 = arith.constant 1 : i32
    %parallel_loop3A_208:6 = scf.for %parallel_loop3A_245 = %parallel_loop3A_205 to %parallel_loop3A_206 step %parallel_loop3A_207 iter_args(%parallel_loop3A_246 = %parallel_loop3A_194#0, %parallel_loop3A_247 = %parallel_loop3A_194#1, %parallel_loop3A_248 = %parallel_loop3A_194#2, %parallel_loop3A_249 = %parallel_loop3A_194#3, %parallel_loop3A_250 = %parallel_loop3A_194#4, %parallel_loop3A_251 = %parallel_loop3A_194#5) -> (vector<16xi32>, vector<16xi32>, vector<16xi32>, vector<16xi32>, vector<16xi32>, vector<16xi32>)  : i32 {
      %parallel_loop3A_252 = arith.constant 64 : i32
      %parallel_loop3A_253 = arith.muli %parallel_loop3A_245, %parallel_loop3A_252 : i32
      %parallel_loop3A_254 = arith.constant 0 : i32
      %parallel_loop3A_255 = arith.addi %parallel_loop3A_253, %parallel_loop3A_254 : i32
      %parallel_loop3A_256 = arith.index_cast %parallel_loop3A_255 : i32 to index
      %parallel_loop3A_257 = tpu.vector_load %arg6[%parallel_loop3A_256] {strides = array<i32>} : memref<16384xi32, #tpu.memory_space<vmem>>, vector<16xi32>,
      %parallel_loop3A_258 = vector.shape_cast %parallel_loop3A_257 : vector<16xi32> to vector<16xi32>
      %parallel_loop3A_259 = arith.constant 0 : i32
      %parallel_loop3A_260 = arith.addi %parallel_loop3A_253, %parallel_loop3A_259 : i32
      %parallel_loop3A_261 = arith.index_cast %parallel_loop3A_260 : i32 to index
      %parallel_loop3A_262 = tpu.vector_load %arg9[%parallel_loop3A_261] {strides = array<i32>} : memref<16384xi32, #tpu.memory_space<vmem>>, vector<16xi32>,
      %parallel_loop3A_263 = vector.shape_cast %parallel_loop3A_262 : vector<16xi32> to vector<16xi32>
      %parallel_loop3A_264 = arith.addi %parallel_loop3A_246, %parallel_loop3A_258 : vector<16xi32>
      %parallel_loop3A_265 = arith.addi %parallel_loop3A_247, %parallel_loop3A_263 : vector<16xi32>
      %parallel_loop3A_266 = arith.andi %parallel_loop3A_258, %parallel_loop3A_263 : vector<16xi32>
      %parallel_loop3A_267 = arith.addi %parallel_loop3A_248, %parallel_loop3A_266 : vector<16xi32>
      %parallel_loop3A_268 = arith.constant 16 : i32
      %parallel_loop3A_269 = arith.addi %parallel_loop3A_253, %parallel_loop3A_268 : i32
      %parallel_loop3A_270 = arith.index_cast %parallel_loop3A_269 : i32 to index
      %parallel_loop3A_271 = tpu.vector_load %arg6[%parallel_loop3A_270] {strides = array<i32>} : memref<16384xi32, #tpu.memory_space<vmem>>, vector<16xi32>,
      %parallel_loop3A_272 = vector.shape_cast %parallel_loop3A_271 : vector<16xi32> to vector<16xi32>
      %parallel_loop3A_273 = arith.constant 16 : i32
      %parallel_loop3A_274 = arith.addi %parallel_loop3A_253, %parallel_loop3A_273 : i32
      %parallel_loop3A_275 = arith.index_cast %parallel_loop3A_274 : i32 to index
      %parallel_loop3A_276 = tpu.vector_load %arg9[%parallel_loop3A_275] {strides = array<i32>} : memref<16384xi32, #tpu.memory_space<vmem>>, vector<16xi32>,
      %parallel_loop3A_277 = vector.shape_cast %parallel_loop3A_276 : vector<16xi32> to vector<16xi32>
      %parallel_loop3A_278 = arith.addi %parallel_loop3A_249, %parallel_loop3A_272 : vector<16xi32>
      %parallel_loop3A_279 = arith.addi %parallel_loop3A_250, %parallel_loop3A_277 : vector<16xi32>
      %parallel_loop3A_280 = arith.andi %parallel_loop3A_272, %parallel_loop3A_277 : vector<16xi32>
      %parallel_loop3A_281 = arith.addi %parallel_loop3A_251, %parallel_loop3A_280 : vector<16xi32>
      %parallel_loop3A_282 = arith.constant 32 : i32
      %parallel_loop3A_283 = arith.addi %parallel_loop3A_253, %parallel_loop3A_282 : i32
      %parallel_loop3A_284 = arith.index_cast %parallel_loop3A_283 : i32 to index
      %parallel_loop3A_285 = tpu.vector_load %arg6[%parallel_loop3A_284] {strides = array<i32>} : memref<16384xi32, #tpu.memory_space<vmem>>, vector<16xi32>,
      %parallel_loop3A_286 = vector.shape_cast %parallel_loop3A_285 : vector<16xi32> to vector<16xi32>
      %parallel_loop3A_287 = arith.constant 32 : i32
      %parallel_loop3A_288 = arith.addi %parallel_loop3A_253, %parallel_loop3A_287 : i32
      %parallel_loop3A_289 = arith.index_cast %parallel_loop3A_288 : i32 to index
      %parallel_loop3A_290 = tpu.vector_load %arg9[%parallel_loop3A_289] {strides = array<i32>} : memref<16384xi32, #tpu.memory_space<vmem>>, vector<16xi32>,
      %parallel_loop3A_291 = vector.shape_cast %parallel_loop3A_290 : vector<16xi32> to vector<16xi32>
      %parallel_loop3A_292 = arith.addi %parallel_loop3A_264, %parallel_loop3A_286 : vector<16xi32>
      %parallel_loop3A_293 = arith.addi %parallel_loop3A_265, %parallel_loop3A_291 : vector<16xi32>
      %parallel_loop3A_294 = arith.andi %parallel_loop3A_286, %parallel_loop3A_291 : vector<16xi32>
      %parallel_loop3A_295 = arith.addi %parallel_loop3A_267, %parallel_loop3A_294 : vector<16xi32>
      %parallel_loop3A_296 = arith.constant 48 : i32
      %parallel_loop3A_297 = arith.addi %parallel_loop3A_253, %parallel_loop3A_296 : i32
      %parallel_loop3A_298 = arith.index_cast %parallel_loop3A_297 : i32 to index
      %parallel_loop3A_299 = tpu.vector_load %arg6[%parallel_loop3A_298] {strides = array<i32>} : memref<16384xi32, #tpu.memory_space<vmem>>, vector<16xi32>,
      %parallel_loop3A_300 = vector.shape_cast %parallel_loop3A_299 : vector<16xi32> to vector<16xi32>
      %parallel_loop3A_301 = arith.constant 48 : i32
      %parallel_loop3A_302 = arith.addi %parallel_loop3A_253, %parallel_loop3A_301 : i32
      %parallel_loop3A_303 = arith.index_cast %parallel_loop3A_302 : i32 to index
      %parallel_loop3A_304 = tpu.vector_load %arg9[%parallel_loop3A_303] {strides = array<i32>} : memref<16384xi32, #tpu.memory_space<vmem>>, vector<16xi32>,
      %parallel_loop3A_305 = vector.shape_cast %parallel_loop3A_304 : vector<16xi32> to vector<16xi32>
      %parallel_loop3A_306 = arith.addi %parallel_loop3A_278, %parallel_loop3A_300 : vector<16xi32>
      %parallel_loop3A_307 = arith.addi %parallel_loop3A_279, %parallel_loop3A_305 : vector<16xi32>
      %parallel_loop3A_308 = arith.andi %parallel_loop3A_300, %parallel_loop3A_305 : vector<16xi32>
      %parallel_loop3A_309 = arith.addi %parallel_loop3A_281, %parallel_loop3A_308 : vector<16xi32>
      scf.yield %parallel_loop3A_292, %parallel_loop3A_293, %parallel_loop3A_295, %parallel_loop3A_306, %parallel_loop3A_307, %parallel_loop3A_309 : vector<16xi32>, vector<16xi32>, vector<16xi32>, vector<16xi32>, vector<16xi32>, vector<16xi32>
    } {sc.loop_unroll_factor = 8 : i64, sc.parallel_access}
    %dma_wait3A_209 = tpu.memref_slice %arg2[%add3A_182] : memref<8388608xi32, #tpu.memory_space<hbm>> -> memref<16384xi32, #tpu.memory_space<hbm>>
    %dma_wait3A_210 = tpu.memref_slice %arg2[%add3A_182] : memref<8388608xi32, #tpu.memory_space<hbm>> -> memref<16384xi32, #tpu.memory_space<hbm>>
    tpu.wait_dma2 semaphore(%arg14 : memref<!tpu.dma_semaphore, #tpu.memory_space<semaphore_mem>>) src(%dma_wait3A_210 : memref<16384xi32, #tpu.memory_space<hbm>>) dst(%arg7 : memref<16384xi32, #tpu.memory_space<vmem>>)
    %dma_wait3A_211 = tpu.memref_slice %arg3[%add3A_182] : memref<8388608xi32, #tpu.memory_space<hbm>> -> memref<16384xi32, #tpu.memory_space<hbm>>
    %dma_wait3A_212 = tpu.memref_slice %arg3[%add3A_182] : memref<8388608xi32, #tpu.memory_space<hbm>> -> memref<16384xi32, #tpu.memory_space<hbm>>
    tpu.wait_dma2 semaphore(%arg14 : memref<!tpu.dma_semaphore, #tpu.memory_space<semaphore_mem>>) src(%dma_wait3A_212 : memref<16384xi32, #tpu.memory_space<hbm>>) dst(%arg10 : memref<16384xi32, #tpu.memory_space<vmem>>)
    %parallel_loop3A_213 = arith.constant 0 : i32
    %parallel_loop3A_214 = arith.constant 256 : i32
    %parallel_loop3A_215 = arith.constant 1 : i32
    %parallel_loop3A_216:6 = scf.for %parallel_loop3A_245 = %parallel_loop3A_213 to %parallel_loop3A_214 step %parallel_loop3A_215 iter_args(%parallel_loop3A_246 = %parallel_loop3A_208#0, %parallel_loop3A_247 = %parallel_loop3A_208#1, %parallel_loop3A_248 = %parallel_loop3A_208#2, %parallel_loop3A_249 = %parallel_loop3A_208#3, %parallel_loop3A_250 = %parallel_loop3A_208#4, %parallel_loop3A_251 = %parallel_loop3A_208#5) -> (vector<16xi32>, vector<16xi32>, vector<16xi32>, vector<16xi32>, vector<16xi32>, vector<16xi32>)  : i32 {
      %parallel_loop3A_252 = arith.constant 64 : i32
      %parallel_loop3A_253 = arith.muli %parallel_loop3A_245, %parallel_loop3A_252 : i32
      %parallel_loop3A_254 = arith.constant 0 : i32
      %parallel_loop3A_255 = arith.addi %parallel_loop3A_253, %parallel_loop3A_254 : i32
      %parallel_loop3A_256 = arith.index_cast %parallel_loop3A_255 : i32 to index
      %parallel_loop3A_257 = tpu.vector_load %arg7[%parallel_loop3A_256] {strides = array<i32>} : memref<16384xi32, #tpu.memory_space<vmem>>, vector<16xi32>,
      %parallel_loop3A_258 = vector.shape_cast %parallel_loop3A_257 : vector<16xi32> to vector<16xi32>
      %parallel_loop3A_259 = arith.constant 0 : i32
      %parallel_loop3A_260 = arith.addi %parallel_loop3A_253, %parallel_loop3A_259 : i32
      %parallel_loop3A_261 = arith.index_cast %parallel_loop3A_260 : i32 to index
      %parallel_loop3A_262 = tpu.vector_load %arg10[%parallel_loop3A_261] {strides = array<i32>} : memref<16384xi32, #tpu.memory_space<vmem>>, vector<16xi32>,
      %parallel_loop3A_263 = vector.shape_cast %parallel_loop3A_262 : vector<16xi32> to vector<16xi32>
      %parallel_loop3A_264 = arith.addi %parallel_loop3A_246, %parallel_loop3A_258 : vector<16xi32>
      %parallel_loop3A_265 = arith.addi %parallel_loop3A_247, %parallel_loop3A_263 : vector<16xi32>
      %parallel_loop3A_266 = arith.andi %parallel_loop3A_258, %parallel_loop3A_263 : vector<16xi32>
      %parallel_loop3A_267 = arith.addi %parallel_loop3A_248, %parallel_loop3A_266 : vector<16xi32>
      %parallel_loop3A_268 = arith.constant 16 : i32
      %parallel_loop3A_269 = arith.addi %parallel_loop3A_253, %parallel_loop3A_268 : i32
      %parallel_loop3A_270 = arith.index_cast %parallel_loop3A_269 : i32 to index
      %parallel_loop3A_271 = tpu.vector_load %arg7[%parallel_loop3A_270] {strides = array<i32>} : memref<16384xi32, #tpu.memory_space<vmem>>, vector<16xi32>,
      %parallel_loop3A_272 = vector.shape_cast %parallel_loop3A_271 : vector<16xi32> to vector<16xi32>
      %parallel_loop3A_273 = arith.constant 16 : i32
      %parallel_loop3A_274 = arith.addi %parallel_loop3A_253, %parallel_loop3A_273 : i32
      %parallel_loop3A_275 = arith.index_cast %parallel_loop3A_274 : i32 to index
      %parallel_loop3A_276 = tpu.vector_load %arg10[%parallel_loop3A_275] {strides = array<i32>} : memref<16384xi32, #tpu.memory_space<vmem>>, vector<16xi32>,
      %parallel_loop3A_277 = vector.shape_cast %parallel_loop3A_276 : vector<16xi32> to vector<16xi32>
      %parallel_loop3A_278 = arith.addi %parallel_loop3A_249, %parallel_loop3A_272 : vector<16xi32>
      %parallel_loop3A_279 = arith.addi %parallel_loop3A_250, %parallel_loop3A_277 : vector<16xi32>
      %parallel_loop3A_280 = arith.andi %parallel_loop3A_272, %parallel_loop3A_277 : vector<16xi32>
      %parallel_loop3A_281 = arith.addi %parallel_loop3A_251, %parallel_loop3A_280 : vector<16xi32>
      %parallel_loop3A_282 = arith.constant 32 : i32
      %parallel_loop3A_283 = arith.addi %parallel_loop3A_253, %parallel_loop3A_282 : i32
      %parallel_loop3A_284 = arith.index_cast %parallel_loop3A_283 : i32 to index
      %parallel_loop3A_285 = tpu.vector_load %arg7[%parallel_loop3A_284] {strides = array<i32>} : memref<16384xi32, #tpu.memory_space<vmem>>, vector<16xi32>,
      %parallel_loop3A_286 = vector.shape_cast %parallel_loop3A_285 : vector<16xi32> to vector<16xi32>
      %parallel_loop3A_287 = arith.constant 32 : i32
      %parallel_loop3A_288 = arith.addi %parallel_loop3A_253, %parallel_loop3A_287 : i32
      %parallel_loop3A_289 = arith.index_cast %parallel_loop3A_288 : i32 to index
      %parallel_loop3A_290 = tpu.vector_load %arg10[%parallel_loop3A_289] {strides = array<i32>} : memref<16384xi32, #tpu.memory_space<vmem>>, vector<16xi32>,
      %parallel_loop3A_291 = vector.shape_cast %parallel_loop3A_290 : vector<16xi32> to vector<16xi32>
      %parallel_loop3A_292 = arith.addi %parallel_loop3A_264, %parallel_loop3A_286 : vector<16xi32>
      %parallel_loop3A_293 = arith.addi %parallel_loop3A_265, %parallel_loop3A_291 : vector<16xi32>
      %parallel_loop3A_294 = arith.andi %parallel_loop3A_286, %parallel_loop3A_291 : vector<16xi32>
      %parallel_loop3A_295 = arith.addi %parallel_loop3A_267, %parallel_loop3A_294 : vector<16xi32>
      %parallel_loop3A_296 = arith.constant 48 : i32
      %parallel_loop3A_297 = arith.addi %parallel_loop3A_253, %parallel_loop3A_296 : i32
      %parallel_loop3A_298 = arith.index_cast %parallel_loop3A_297 : i32 to index
      %parallel_loop3A_299 = tpu.vector_load %arg7[%parallel_loop3A_298] {strides = array<i32>} : memref<16384xi32, #tpu.memory_space<vmem>>, vector<16xi32>,
      %parallel_loop3A_300 = vector.shape_cast %parallel_loop3A_299 : vector<16xi32> to vector<16xi32>
      %parallel_loop3A_301 = arith.constant 48 : i32
      %parallel_loop3A_302 = arith.addi %parallel_loop3A_253, %parallel_loop3A_301 : i32
      %parallel_loop3A_303 = arith.index_cast %parallel_loop3A_302 : i32 to index
      %parallel_loop3A_304 = tpu.vector_load %arg10[%parallel_loop3A_303] {strides = array<i32>} : memref<16384xi32, #tpu.memory_space<vmem>>, vector<16xi32>,
      %parallel_loop3A_305 = vector.shape_cast %parallel_loop3A_304 : vector<16xi32> to vector<16xi32>
      %parallel_loop3A_306 = arith.addi %parallel_loop3A_278, %parallel_loop3A_300 : vector<16xi32>
      %parallel_loop3A_307 = arith.addi %parallel_loop3A_279, %parallel_loop3A_305 : vector<16xi32>
      %parallel_loop3A_308 = arith.andi %parallel_loop3A_300, %parallel_loop3A_305 : vector<16xi32>
      %parallel_loop3A_309 = arith.addi %parallel_loop3A_281, %parallel_loop3A_308 : vector<16xi32>
      scf.yield %parallel_loop3A_292, %parallel_loop3A_293, %parallel_loop3A_295, %parallel_loop3A_306, %parallel_loop3A_307, %parallel_loop3A_309 : vector<16xi32>, vector<16xi32>, vector<16xi32>, vector<16xi32>, vector<16xi32>, vector<16xi32>
    } {sc.loop_unroll_factor = 8 : i64, sc.parallel_access}
    %dma_wait3A_217 = tpu.memref_slice %arg2[%add3A_196] : memref<8388608xi32, #tpu.memory_space<hbm>> -> memref<16384xi32, #tpu.memory_space<hbm>>
    %dma_wait3A_218 = tpu.memref_slice %arg2[%add3A_196] : memref<8388608xi32, #tpu.memory_space<hbm>> -> memref<16384xi32, #tpu.memory_space<hbm>>
    tpu.wait_dma2 semaphore(%arg12 : memref<!tpu.dma_semaphore, #tpu.memory_space<semaphore_mem>>) src(%dma_wait3A_218 : memref<16384xi32, #tpu.memory_space<hbm>>) dst(%arg5 : memref<16384xi32, #tpu.memory_space<vmem>>)
    %dma_wait3A_219 = tpu.memref_slice %arg3[%add3A_196] : memref<8388608xi32, #tpu.memory_space<hbm>> -> memref<16384xi32, #tpu.memory_space<hbm>>
    %dma_wait3A_220 = tpu.memref_slice %arg3[%add3A_196] : memref<8388608xi32, #tpu.memory_space<hbm>> -> memref<16384xi32, #tpu.memory_space<hbm>>
    tpu.wait_dma2 semaphore(%arg12 : memref<!tpu.dma_semaphore, #tpu.memory_space<semaphore_mem>>) src(%dma_wait3A_220 : memref<16384xi32, #tpu.memory_space<hbm>>) dst(%arg8 : memref<16384xi32, #tpu.memory_space<vmem>>)
    %parallel_loop3A_221 = arith.constant 0 : i32
    %parallel_loop3A_222 = arith.constant 256 : i32
    %parallel_loop3A_223 = arith.constant 1 : i32
    %parallel_loop3A_224:6 = scf.for %parallel_loop3A_245 = %parallel_loop3A_221 to %parallel_loop3A_222 step %parallel_loop3A_223 iter_args(%parallel_loop3A_246 = %parallel_loop3A_216#0, %parallel_loop3A_247 = %parallel_loop3A_216#1, %parallel_loop3A_248 = %parallel_loop3A_216#2, %parallel_loop3A_249 = %parallel_loop3A_216#3, %parallel_loop3A_250 = %parallel_loop3A_216#4, %parallel_loop3A_251 = %parallel_loop3A_216#5) -> (vector<16xi32>, vector<16xi32>, vector<16xi32>, vector<16xi32>, vector<16xi32>, vector<16xi32>)  : i32 {
      %parallel_loop3A_252 = arith.constant 64 : i32
      %parallel_loop3A_253 = arith.muli %parallel_loop3A_245, %parallel_loop3A_252 : i32
      %parallel_loop3A_254 = arith.constant 0 : i32
      %parallel_loop3A_255 = arith.addi %parallel_loop3A_253, %parallel_loop3A_254 : i32
      %parallel_loop3A_256 = arith.index_cast %parallel_loop3A_255 : i32 to index
      %parallel_loop3A_257 = tpu.vector_load %arg5[%parallel_loop3A_256] {strides = array<i32>} : memref<16384xi32, #tpu.memory_space<vmem>>, vector<16xi32>,
      %parallel_loop3A_258 = vector.shape_cast %parallel_loop3A_257 : vector<16xi32> to vector<16xi32>
      %parallel_loop3A_259 = arith.constant 0 : i32
      %parallel_loop3A_260 = arith.addi %parallel_loop3A_253, %parallel_loop3A_259 : i32
      %parallel_loop3A_261 = arith.index_cast %parallel_loop3A_260 : i32 to index
      %parallel_loop3A_262 = tpu.vector_load %arg8[%parallel_loop3A_261] {strides = array<i32>} : memref<16384xi32, #tpu.memory_space<vmem>>, vector<16xi32>,
      %parallel_loop3A_263 = vector.shape_cast %parallel_loop3A_262 : vector<16xi32> to vector<16xi32>
      %parallel_loop3A_264 = arith.addi %parallel_loop3A_246, %parallel_loop3A_258 : vector<16xi32>
      %parallel_loop3A_265 = arith.addi %parallel_loop3A_247, %parallel_loop3A_263 : vector<16xi32>
      %parallel_loop3A_266 = arith.andi %parallel_loop3A_258, %parallel_loop3A_263 : vector<16xi32>
      %parallel_loop3A_267 = arith.addi %parallel_loop3A_248, %parallel_loop3A_266 : vector<16xi32>
      %parallel_loop3A_268 = arith.constant 16 : i32
      %parallel_loop3A_269 = arith.addi %parallel_loop3A_253, %parallel_loop3A_268 : i32
      %parallel_loop3A_270 = arith.index_cast %parallel_loop3A_269 : i32 to index
      %parallel_loop3A_271 = tpu.vector_load %arg5[%parallel_loop3A_270] {strides = array<i32>} : memref<16384xi32, #tpu.memory_space<vmem>>, vector<16xi32>,
      %parallel_loop3A_272 = vector.shape_cast %parallel_loop3A_271 : vector<16xi32> to vector<16xi32>
      %parallel_loop3A_273 = arith.constant 16 : i32
      %parallel_loop3A_274 = arith.addi %parallel_loop3A_253, %parallel_loop3A_273 : i32
      %parallel_loop3A_275 = arith.index_cast %parallel_loop3A_274 : i32 to index
      %parallel_loop3A_276 = tpu.vector_load %arg8[%parallel_loop3A_275] {strides = array<i32>} : memref<16384xi32, #tpu.memory_space<vmem>>, vector<16xi32>,
      %parallel_loop3A_277 = vector.shape_cast %parallel_loop3A_276 : vector<16xi32> to vector<16xi32>
      %parallel_loop3A_278 = arith.addi %parallel_loop3A_249, %parallel_loop3A_272 : vector<16xi32>
      %parallel_loop3A_279 = arith.addi %parallel_loop3A_250, %parallel_loop3A_277 : vector<16xi32>
      %parallel_loop3A_280 = arith.andi %parallel_loop3A_272, %parallel_loop3A_277 : vector<16xi32>
      %parallel_loop3A_281 = arith.addi %parallel_loop3A_251, %parallel_loop3A_280 : vector<16xi32>
      %parallel_loop3A_282 = arith.constant 32 : i32
      %parallel_loop3A_283 = arith.addi %parallel_loop3A_253, %parallel_loop3A_282 : i32
      %parallel_loop3A_284 = arith.index_cast %parallel_loop3A_283 : i32 to index
      %parallel_loop3A_285 = tpu.vector_load %arg5[%parallel_loop3A_284] {strides = array<i32>} : memref<16384xi32, #tpu.memory_space<vmem>>, vector<16xi32>,
      %parallel_loop3A_286 = vector.shape_cast %parallel_loop3A_285 : vector<16xi32> to vector<16xi32>
      %parallel_loop3A_287 = arith.constant 32 : i32
      %parallel_loop3A_288 = arith.addi %parallel_loop3A_253, %parallel_loop3A_287 : i32
      %parallel_loop3A_289 = arith.index_cast %parallel_loop3A_288 : i32 to index
      %parallel_loop3A_290 = tpu.vector_load %arg8[%parallel_loop3A_289] {strides = array<i32>} : memref<16384xi32, #tpu.memory_space<vmem>>, vector<16xi32>,
      %parallel_loop3A_291 = vector.shape_cast %parallel_loop3A_290 : vector<16xi32> to vector<16xi32>
      %parallel_loop3A_292 = arith.addi %parallel_loop3A_264, %parallel_loop3A_286 : vector<16xi32>
      %parallel_loop3A_293 = arith.addi %parallel_loop3A_265, %parallel_loop3A_291 : vector<16xi32>
      %parallel_loop3A_294 = arith.andi %parallel_loop3A_286, %parallel_loop3A_291 : vector<16xi32>
      %parallel_loop3A_295 = arith.addi %parallel_loop3A_267, %parallel_loop3A_294 : vector<16xi32>
      %parallel_loop3A_296 = arith.constant 48 : i32
      %parallel_loop3A_297 = arith.addi %parallel_loop3A_253, %parallel_loop3A_296 : i32
      %parallel_loop3A_298 = arith.index_cast %parallel_loop3A_297 : i32 to index
      %parallel_loop3A_299 = tpu.vector_load %arg5[%parallel_loop3A_298] {strides = array<i32>} : memref<16384xi32, #tpu.memory_space<vmem>>, vector<16xi32>,
      %parallel_loop3A_300 = vector.shape_cast %parallel_loop3A_299 : vector<16xi32> to vector<16xi32>
      %parallel_loop3A_301 = arith.constant 48 : i32
      %parallel_loop3A_302 = arith.addi %parallel_loop3A_253, %parallel_loop3A_301 : i32
      %parallel_loop3A_303 = arith.index_cast %parallel_loop3A_302 : i32 to index
      %parallel_loop3A_304 = tpu.vector_load %arg8[%parallel_loop3A_303] {strides = array<i32>} : memref<16384xi32, #tpu.memory_space<vmem>>, vector<16xi32>,
      %parallel_loop3A_305 = vector.shape_cast %parallel_loop3A_304 : vector<16xi32> to vector<16xi32>
      %parallel_loop3A_306 = arith.addi %parallel_loop3A_278, %parallel_loop3A_300 : vector<16xi32>
      %parallel_loop3A_307 = arith.addi %parallel_loop3A_279, %parallel_loop3A_305 : vector<16xi32>
      %parallel_loop3A_308 = arith.andi %parallel_loop3A_300, %parallel_loop3A_305 : vector<16xi32>
      %parallel_loop3A_309 = arith.addi %parallel_loop3A_281, %parallel_loop3A_308 : vector<16xi32>
      scf.yield %parallel_loop3A_292, %parallel_loop3A_293, %parallel_loop3A_295, %parallel_loop3A_306, %parallel_loop3A_307, %parallel_loop3A_309 : vector<16xi32>, vector<16xi32>, vector<16xi32>, vector<16xi32>, vector<16xi32>, vector<16xi32>
    } {sc.loop_unroll_factor = 8 : i64, sc.parallel_access}
    %add3A_225 = arith.addi %parallel_loop3A_224#0, %parallel_loop3A_224#3 : vector<16xi32>
    %swap3A = arith.constant 0 : i32
    %swap3A_226 = arith.index_cast %swap3A : i32 to index
    %swap3A_227 = arith.constant 0 : index
    %swap3A_228 = tpu.vector_load %arg11[%swap3A_226, %swap3A_227] {strides = array<i32>} : memref<3x16xi32, #tpu.memory_space<vmem>>, vector<1x16xi32>,
    %swap3A_229 = vector.shape_cast %swap3A_228 : vector<1x16xi32> to vector<16xi32>
    %swap3A_230 = vector.shape_cast %add3A_225 : vector<16xi32> to vector<1x16xi32>
    tpu.vector_store %arg11[%swap3A_226, %swap3A_227], %swap3A_230 {strides = array<i32>} : memref<3x16xi32, #tpu.memory_space<vmem>>, vector<1x16xi32>,
    %add3A_231 = arith.addi %parallel_loop3A_224#1, %parallel_loop3A_224#4 : vector<16xi32>
    %swap3A_232 = arith.constant 1 : i32
    %swap3A_233 = arith.index_cast %swap3A_232 : i32 to index
    %swap3A_234 = arith.constant 0 : index
    %swap3A_235 = tpu.vector_load %arg11[%swap3A_233, %swap3A_234] {strides = array<i32>} : memref<3x16xi32, #tpu.memory_space<vmem>>, vector<1x16xi32>,
    %swap3A_236 = vector.shape_cast %swap3A_235 : vector<1x16xi32> to vector<16xi32>
    %swap3A_237 = vector.shape_cast %add3A_231 : vector<16xi32> to vector<1x16xi32>
    tpu.vector_store %arg11[%swap3A_233, %swap3A_234], %swap3A_237 {strides = array<i32>} : memref<3x16xi32, #tpu.memory_space<vmem>>, vector<1x16xi32>,
    %add3A_238 = arith.addi %parallel_loop3A_224#2, %parallel_loop3A_224#5 : vector<16xi32>
    %swap3A_239 = arith.constant 2 : i32
    %swap3A_240 = arith.index_cast %swap3A_239 : i32 to index
    %swap3A_241 = arith.constant 0 : index
    %swap3A_242 = tpu.vector_load %arg11[%swap3A_240, %swap3A_241] {strides = array<i32>} : memref<3x16xi32, #tpu.memory_space<vmem>>, vector<1x16xi32>,
    %swap3A_243 = vector.shape_cast %swap3A_242 : vector<1x16xi32> to vector<16xi32>
    %swap3A_244 = vector.shape_cast %add3A_238 : vector<16xi32> to vector<1x16xi32>
    tpu.vector_store %arg11[%swap3A_240, %swap3A_241], %swap3A_244 {strides = array<i32>} : memref<3x16xi32, #tpu.memory_space<vmem>>, vector<1x16xi32>,
    "tpu.region"() ({
      %run_scoped3A = tpu.sem_alloc : memref<!tpu.dma_semaphore, #tpu.memory_space<semaphore_mem>>
      %dma_start3A_245 = arith.constant 0 : i32
      %dma_start3A_246 = arith.constant 0 : i32
      %dma_start3A_247 = tpu.memref_slice %arg4[%add3A, %dma_start3A_245, %dma_start3A_246] : memref<32x3x16xi32, #tpu.memory_space<hbm>> -> memref<1x3x16xi32, #tpu.memory_space<hbm>>
      %dma_start3A_248 = tpu.memref_squeeze %dma_start3A_247 : memref<1x3x16xi32, #tpu.memory_space<hbm>> -> memref<3x16xi32, #tpu.memory_space<hbm>>
      %dma_start3A_249 = arith.constant 0 : i32
      %dma_start3A_250 = arith.constant 0 : i32
      %dma_start3A_251 = tpu.memref_slice %arg4[%add3A, %dma_start3A_249, %dma_start3A_250] : memref<32x3x16xi32, #tpu.memory_space<hbm>> -> memref<1x3x16xi32, #tpu.memory_space<hbm>>
      %dma_start3A_252 = tpu.memref_squeeze %dma_start3A_251 : memref<1x3x16xi32, #tpu.memory_space<hbm>> -> memref<3x16xi32, #tpu.memory_space<hbm>>
      tpu.enqueue_dma source(%arg11 : memref<3x16xi32, #tpu.memory_space<vmem>>) target(%dma_start3A_252 : memref<3x16xi32, #tpu.memory_space<hbm>>) target_semaphore(%run_scoped3A : memref<!tpu.dma_semaphore, #tpu.memory_space<semaphore_mem>>)
      %dma_wait3A_253 = arith.constant 0 : i32
      %dma_wait3A_254 = arith.constant 0 : i32
      %dma_wait3A_255 = tpu.memref_slice %arg4[%add3A, %dma_wait3A_253, %dma_wait3A_254] : memref<32x3x16xi32, #tpu.memory_space<hbm>> -> memref<1x3x16xi32, #tpu.memory_space<hbm>>
      %dma_wait3A_256 = tpu.memref_squeeze %dma_wait3A_255 : memref<1x3x16xi32, #tpu.memory_space<hbm>> -> memref<3x16xi32, #tpu.memory_space<hbm>>
      %dma_wait3A_257 = arith.constant 0 : i32
      %dma_wait3A_258 = arith.constant 0 : i32
      %dma_wait3A_259 = tpu.memref_slice %arg4[%add3A, %dma_wait3A_257, %dma_wait3A_258] : memref<32x3x16xi32, #tpu.memory_space<hbm>> -> memref<1x3x16xi32, #tpu.memory_space<hbm>>
      %dma_wait3A_260 = tpu.memref_squeeze %dma_wait3A_259 : memref<1x3x16xi32, #tpu.memory_space<hbm>> -> memref<3x16xi32, #tpu.memory_space<hbm>>
      tpu.wait_dma2 semaphore(%run_scoped3A : memref<!tpu.dma_semaphore, #tpu.memory_space<semaphore_mem>>) src(%arg11 : memref<3x16xi32, #tpu.memory_space<vmem>>) dst(%dma_wait3A_260 : memref<3x16xi32, #tpu.memory_space<hbm>>)
      tpu.yield
    }) : () -> ()
    return
  }
}

module attributes {stable_mosaic.version = 14 : i64} {
  func.func @_combine_body(%arg0: memref<32x3x16xi32, #tpu.memory_space<vmem>>, %arg1: memref<2x2xf32, #tpu.memory_space<vmem>>, %arg2: memref<2x2xf32, #tpu.memory_space<vmem>>) attributes {dimension_semantics = [], scalar_prefetch = 0 : i64, scratch_operands = 0 : i64, tpu.core_type = #tpu.core_type<tc>} {
    %get3A = arith.constant 0 : index
    %get3A_0 = arith.constant 0 : index
    %get3A_1 = arith.constant 0 : index
    %get3A_2 = vector.load %arg0[%get3A, %get3A_0, %get3A_1] : memref<32x3x16xi32, #tpu.memory_space<vmem>>, vector<32x3x16xi32>
    %reduce_sum3A = arith.constant dense<0> : vector<3x16xi32>
    %reduce_sum3A_3 = vector.multi_reduction <add>, %get3A_2, %reduce_sum3A [0] : vector<32x3x16xi32> to vector<3x16xi32>
    %reduce_sum3A_4 = arith.constant dense<0> : vector<3xi32>
    %reduce_sum3A_5 = vector.multi_reduction <add>, %reduce_sum3A_3, %reduce_sum3A_4 [1] : vector<3x16xi32> to vector<3xi32>
    %slice3A = vector.extract_strided_slice %reduce_sum3A_5 {offsets = [0], sizes = [1], strides = [1]} : vector<3xi32> to vector<1xi32>
    %squeeze3A = vector.extract %slice3A[0] : i32 from vector<1xi32>
    %convert_element_type3A = arith.sitofp %squeeze3A : i32 to f32
    %slice3A_6 = vector.extract_strided_slice %reduce_sum3A_5 {offsets = [1], sizes = [1], strides = [1]} : vector<3xi32> to vector<1xi32>
    %squeeze3A_7 = vector.extract %slice3A_6[0] : i32 from vector<1xi32>
    %convert_element_type3A_8 = arith.sitofp %squeeze3A_7 : i32 to f32
    %slice3A_9 = vector.extract_strided_slice %reduce_sum3A_5 {offsets = [2], sizes = [1], strides = [1]} : vector<3xi32> to vector<1xi32>
    %squeeze3A_10 = vector.extract %slice3A_9[0] : i32 from vector<1xi32>
    %convert_element_type3A_11 = arith.sitofp %squeeze3A_10 : i32 to f32
    %sub3A = arith.constant 0x4B000000 : f32
    %sub3A_12 = arith.subf %sub3A, %convert_element_type3A : f32
    %sub3A_13 = arith.subf %sub3A_12, %convert_element_type3A_8 : f32
    %add3A = arith.addf %sub3A_13, %convert_element_type3A_11 : f32
    %sub3A_14 = arith.subf %convert_element_type3A_8, %convert_element_type3A_11 : f32
    %sub3A_15 = arith.subf %convert_element_type3A, %convert_element_type3A_11 : f32
    %iota3A = tpu.iota {dimensions = array<i32: 0>} : vector<2x2xi32>
    %iota3A_16 = tpu.iota {dimensions = array<i32: 1>} : vector<2x2xi32>
    %eq3A = arith.constant 0 : i32
    %eq3A_17 = vector.broadcast %eq3A : i32 to vector<2x2xi32>
    %eq3A_18 = arith.cmpi eq, %iota3A, %eq3A_17 : vector<2x2xi32>
    %eq3A_19 = arith.constant 0 : i32
    %eq3A_20 = vector.broadcast %eq3A_19 : i32 to vector<2x2xi32>
    %eq3A_21 = arith.cmpi eq, %iota3A_16, %eq3A_20 : vector<2x2xi32>
    %and3A = arith.andi %eq3A_18, %eq3A_21 : vector<2x2xi1>
    %eq3A_22 = arith.constant 0 : i32
    %eq3A_23 = vector.broadcast %eq3A_22 : i32 to vector<2x2xi32>
    %eq3A_24 = arith.cmpi eq, %iota3A, %eq3A_23 : vector<2x2xi32>
    %eq3A_25 = arith.constant 1 : i32
    %eq3A_26 = vector.broadcast %eq3A_25 : i32 to vector<2x2xi32>
    %eq3A_27 = arith.cmpi eq, %iota3A_16, %eq3A_26 : vector<2x2xi32>
    %and3A_28 = arith.andi %eq3A_24, %eq3A_27 : vector<2x2xi1>
    %eq3A_29 = arith.constant 0 : i32
    %eq3A_30 = vector.broadcast %eq3A_29 : i32 to vector<2x2xi32>
    %eq3A_31 = arith.cmpi eq, %iota3A_16, %eq3A_30 : vector<2x2xi32>
    %broadcast_in_dim3A = vector.broadcast %sub3A_15 : f32 to vector<2x2xf32>
    %broadcast_in_dim3A_32 = vector.broadcast %convert_element_type3A_11 : f32 to vector<2x2xf32>
    %select_n3A = arith.select %eq3A_31, %broadcast_in_dim3A, %broadcast_in_dim3A_32 : vector<2x2xi1>, vector<2x2xf32>
    %broadcast_in_dim3A_33 = vector.broadcast %sub3A_14 : f32 to vector<2x2xf32>
    %select_n3A_34 = arith.select %and3A_28, %broadcast_in_dim3A_33, %select_n3A : vector<2x2xi1>, vector<2x2xf32>
    %broadcast_in_dim3A_35 = vector.broadcast %add3A : f32 to vector<2x2xf32>
    %select_n3A_36 = arith.select %and3A, %broadcast_in_dim3A_35, %select_n3A_34 : vector<2x2xi1>, vector<2x2xf32>
    %get3A_37 = arith.constant 0 : index
    %get3A_38 = arith.constant 0 : index
    %get3A_39 = vector.load %arg1[%get3A_37, %get3A_38] : memref<2x2xf32, #tpu.memory_space<vmem>>, vector<2x2xf32>
    %add3A_40 = arith.addf %get3A_39, %select_n3A_36 : vector<2x2xf32>
    %swap3A = arith.constant 0 : index
    %swap3A_41 = arith.constant 0 : index
    %swap3A_42 = vector.load %arg2[%swap3A, %swap3A_41] : memref<2x2xf32, #tpu.memory_space<vmem>>, vector<2x2xf32>
    tpu.vector_store %arg2[%swap3A, %swap3A_41], %add3A_40 {strides = array<i32>} : memref<2x2xf32, #tpu.memory_space<vmem>>, vector<2x2xf32>,
    return
  }
}

</mosaic_0001>

<sc_bundles>
// kernel: kernel.4.cloned.1.call-start
scs
__scs_entry_jumppad:
0x0: {  	(pc) =	sbr.rel $0x88, $3  }
0x1: {  	(tag) =	ssettag $0x0;
	lr =	simm.s32 $0x1  }
0x2: {  	[smem:$0x3F9E] =	sst lr;
	_ =	strace $0xD0000000  }
0x3: {  	_ = 	snop  }
0x4: {  	_ = 	snop  }
0x5: {  	_ = 	snop  }
0x6: {  	_ = 	snop  }
0x7: {  	_ = 	snop  }
__scs_overlays_trampoline_lowered:
0x8: {  	[smem:$0x3FAD] =	sst s0  }
0x9: {  	[smem:$0x3FAE] =	sst s1  }
0xa: {  	[smem:$0x3FAF] =	sst s2  }
0xb: {  	[smem:$0x3FB0] =	sst s3  }
0xc: {  	[smem:$0x3FB1] =	sst s4  }
0xd: {  	[smem:$0x3FB2] =	sst s5  }
0xe: {  	[smem:$0x3FB3] =	sst s6  }
0xf: {  	[smem:$0x3FB4] =	sst s7  }
0x10: {  	[smem:$0x3FB5] =	sst s8  }
0x11: {  	[smem:$0x3FB6] =	sst s9;
	s0 =	simm.s32 @!p0 $0x0  }
0x12: {  	s1 =	sld [smem:$0x3F9C];
	s0 =	simm.s32 @p0 $0x1  }
0x13: {  	[smem:$0x3FB7] =	sst s0;
	s0 =	simm.s32 @!p1 $0x0  }
0x14: {  	s2 =	sld [smem:$0x3F9B];
	s0 =	simm.s32 @p1 $0x1  }
0x15: {  	[smem:$0x3FB8] =	sst s0;
	s0 =	simm.s32 @!p2 $0x0  }
0x16: {  	s3 =	sld [smem:$0x3FDB];
	s0 =	simm.s32 @p2 $0x1  }
0x17: {  	s4 =	simm.s32 $0x1BF5;
	[smem:$0x3FBA] =	sst s0  }
0x18: {  	s0 =	sld [smem:$0x3F9D];
	_ =	swait.ge [sflag:s4], $0x0  }
0x19: {  	s7 =	sld [smem:$0x3F9E]  }
0x1a: {  	s8 =	sadd.s32 $0xFFFFE003, lr  }
0x1b: {  	s9 =	sadd.s32 $0xFFFFFEF7, lr;
	s5 =	simm.s32 $0xFFFFFFFF;
	p2 =	slt.u32 s8, $0xFFFFF086  }
0x1c: {  	p1 =	slt.u32 s9, $0xF7A;
	s5 =	simm.s32 @!p2 $0x0  }
0x1d: {  	s5 =	simm.s32 @p1 $0x1;
	p0 =	seq.s32 s7, s2  }
0x1e: {  	s7 =	smul.u32 @!p0 $0xF7A, s2;
	p2 =	seq.s32 @!p0 s5, $0x0  }
0x1f: {  	s9 =	smul.u32 $0xF7A, s1;
	s8 =	simm.s32 @!p0 $0x1BF5;
	p2 =	por !p2, p0  }
0x20: {  	[sflag:s8] =	ssyncset.s32 @!p0 $0xFFFFF086;
	s6 =	sadd.s32 @!p0 s3, s7;
	s7 =	simm.s32 @!p0 $0x108  }
0x21: {  	s3 =	sadd.s32 s3, s9;
	s6 =	sadd.s32 @!p0 $0x88, s6;
	s7 =	simm.s32 @p2 $0x1082  }
0x22: {  	[simem:s7], [sflag:s8] =	dma.local @!p0 [hbm:s6], $0xF7A  }
0x23: {  	s9 =	sor.u32 $0xD0000000, s2;
	s6 =	simm.s32 $0x108;
	_ =	swait.ge @!p0 [sflag:s8], $0x0  }
0x24: {  	s3 =	sadd.s32 $0x88, s3;
	s6 =	simm.s32 @!p1 $0x1082;
	[sflag:s4] =	ssyncset.s32 $0xFFFFF086  }
0x25: {  	[simem:s6], [sflag:s4] =	dma.local [hbm:s3], $0xF7A  }
0x26: {  	[smem:$0x3F9E] =	sst s1;
	(tag) =	ssettag s2;
	_ =	strace s9  }
0x27: {  	s1 =	sld [smem:$0x3FAE]  }
0x28: {  	s2 =	sld [smem:$0x3FAF]  }
0x29: {  	s4 =	sld [smem:$0x3FB1]  }
0x2a: {  	p0 =	seq.s32 s5, $0x0;
	s5 =	sld [smem:$0x3FB2]  }
0x2b: {  	s6 =	sld [smem:$0x3FB3]  }
0x2c: {  	s7 =	sld [smem:$0x3FB4]  }
0x2d: {  	s3 =	simm.s32 $0x108;
	s8 =	sld [smem:$0x3FB5]  }
0x2e: {  	s3 =	simm.s32 @!p0 $0x1082;
	s9 =	sld [smem:$0x3FB6]  }
0x2f: {  	lr =	sadd.s32 s0, s3;
	s0 =	sld [smem:$0x3FAD]  }
0x30: {  	s3 =	sld [smem:$0x3FB0]  }
0x31: {  	[smem:$0x3FB9] =	sst s10  }
0x32: {  	s10 =	sld [smem:$0x3FB7];
	_ =	sdelay $0x3  }
0x33: {  	p0 =	seq.s32 s10, $0x1;
	s10 =	sld [smem:$0x3FB9];
	_ =	sdelay $0x3  }
0x34: {  	[smem:$0x3FB9] =	sst s10  }
0x35: {  	s10 =	sld [smem:$0x3FB8];
	_ =	sdelay $0x3  }
0x36: {  	p1 =	seq.s32 s10, $0x1;
	s10 =	sld [smem:$0x3FB9];
	_ =	sdelay $0x3  }
0x37: {  	[smem:$0x3FB9] =	sst s10  }
0x38: {  	s10 =	sld [smem:$0x3FBA]  }
0x39: {  	_ = 	snop;
	(pc) =	sbr.ind lr, $3  }
0x3a: {  	_ = 	snop  }
0x3b: {  	_ = 	snop  }
0x3c: {  	p2 =	seq.s32 s10, $0x1;
	s10 =	sld [smem:$0x3FB9]  }
0x3d: {  	_ =	shalt  }
0x3e: {  	_ =	shalt  }
0x3f: {  	_ =	shalt  }
0x40: {  	_ =	shalt  }
0x41: {  	_ =	shalt  }
0x42: {  	_ =	shalt  }
0x43: {  	_ =	shalt  }
0x44: {  	_ =	shalt  }
0x45: {  	_ =	shalt  }
0x46: {  	_ =	shalt  }
0x47: {  	_ =	shalt  }
0x48: {  	_ =	shalt  }
0x49: {  	_ =	shalt  }
0x4a: {  	_ =	shalt  }
0x4b: {  	_ =	shalt  }
0x4c: {  	_ =	shalt  }
0x4d: {  	_ =	shalt  }
0x4e: {  	_ =	shalt  }
0x4f: {  	_ =	shalt  }
0x50: {  	_ =	shalt  }
0x51: {  	_ =	shalt  }
0x52: {  	_ =	shalt  }
0x53: {  	_ =	shalt  }
0x54: {  	_ =	shalt  }
0x55: {  	_ =	shalt  }
0x56: {  	_ =	shalt  }
0x57: {  	_ =	shalt  }
0x58: {  	_ =	shalt  }
0x59: {  	_ =	shalt  }
0x5a: {  	_ =	shalt  }
0x5b: {  	_ =	shalt  }
0x5c: {  	_ =	shalt  }
0x5d: {  	_ =	shalt  }
0x5e: {  	_ =	shalt  }
0x5f: {  	_ =	shalt  }
0x60: {  	_ =	shalt  }
0x61: {  	_ =	shalt  }
0x62: {  	_ =	shalt  }
0x63: {  	_ =	shalt  }
0x64: {  	_ =	shalt  }
0x65: {  	_ =	shalt  }
0x66: {  	_ =	shalt  }
0x67: {  	_ =	shalt  }
0x68: {  	_ =	shalt  }
0x69: {  	_ =	shalt  }
0x6a: {  	_ =	shalt  }
0x6b: {  	_ =	shalt  }
0x6c: {  	_ =	shalt  }
0x6d: {  	_ =	shalt  }
0x6e: {  	_ =	shalt  }
0x6f: {  	_ =	shalt  }
0x70: {  	_ =	shalt  }
0x71: {  	_ =	shalt  }
0x72: {  	_ =	shalt  }
0x73: {  	_ =	shalt  }
0x74: {  	_ =	shalt  }
0x75: {  	_ =	shalt  }
0x76: {  	_ =	shalt  }
0x77: {  	_ =	shalt  }
0x78: {  	_ =	shalt  }
0x79: {  	_ =	shalt  }
0x7a: {  	_ =	shalt  }
0x7b: {  	_ =	shalt  }
0x7c: {  	_ =	shalt  }
0x7d: {  	_ =	shalt  }
0x7e: {  	_ =	shalt  }
0x7f: {  	_ =	shalt  }
0x80: {  	_ =	shalt  }
0x81: {  	_ =	shalt  }
0x82: {  	_ =	shalt  }
0x83: {  	_ =	shalt  }
0x84: {  	_ =	shalt  }
0x85: {  	_ =	shalt  }
0x86: {  	_ =	shalt  }
0x87: {  	_ =	shalt  }
.Lfunc_end0:
.L_simem_size_0:
called_computation_lowered:
.L_overlay_start_0:
0x88: {  	s2 =	sld [smem:$0x3FD9]  }
0x89: {  	s3 =	sld [smem:$0x3FFE];
	_ =	sdelay $0x1  }
0x8a: {  	s1 =	srdreg.scid  }
0x8b: {  	s0 =	sand.u32 $0x1, s1  }
0x8c: {  	s17 =	sshll.u32 s0, $0xA;
	s2 =	sadd.s32 s3, s2  }
0x8d: {  	s2 =	sadd.s32 s2, s17  }
0x8e: {  	[smem:$0x3FC5] =	sst s2  }
0x8f: {  	_ = 	snop  }
0x90: {  	s2 =	sld [smem:$0x3FC9]  }
0x91: {  	s18 =	sld [smem:$0x3FC8];
	(tm) =	ssettm $0x1  }
0x92: {  	s4 =	sld [smem:$0x3FFB];
	_ =	sdelay $0x3  }
0x93: {  	_ =	strace s4  }
0x94: {  	s4 =	sld [smem:$0x3FFC];
	_ =	sdelay $0x3  }
0x95: {  	_ =	strace s4  }
0x96: {  	s4 =	sld [smem:$0x3FFD];
	_ =	sdelay $0x3  }
0x97: {  	_ =	strace s4  }
0x98: {  	_ =	strace $0x8FFFFFFF  }
0x99: {  	s19 =	sld [smem:$0x3FDB];
	_ =	sdelay $0x1  }
0x9a: {  	s5 =	simm.s32 $_scs_section_size  }
0x9b: {  	s6 =	simm.s32 $_size__tile_overlayer_lowered;
	s7 =	simm.s32 $_tile_overlayer_lowered  }
0x9c: {  	s22 =	simm.s32 $0x1BFF;
	s21 =	sshll.u32 s7, $0x1;
	s4 =	sadd.s32 s5, s19  }
0x9d: {  	s8 =	simm.s32 $0x0;
	s20 =	sshll.u32 s6, $0x1;
	s6 =	sadd.s32 s21, s4  }
0x9e: {  	[timem:s8], [sflag:s22] =	dma.local [hbm:s6], s20  }
0x9f: {  	_ =	swait.ge [sflag:s22], s20  }
0xa0: {  	s5 =	ssub.s32 $0x0, s20;
	[sflag:s22] =	ssyncset.done $0x0  }
0xa1: {  	[sflag:s22] =	ssyncadd.s32 s5;
	_ =	sdelay $0x1  }
0xa2: {  	s23 =	simm.s32 $0x1B8B  }
0xa3: {  	_ =	swait.ge [sflag:s23], $0x1  }
0xa4: {  	[sflag:s23] =	ssyncset.done $0x0  }
0xa5: {  	s25 =	simm.s32 $0x1B8E;
	s24 =	sld [smem:$0x3FFE];
	[sflag:s23] =	ssyncadd.s32 $0xFFFFFFFF  }
0xa6: {  	s26 =	simm.s32 $execute0_lowered;
	[smem:$0x3FD2] =	sst s25  }
0xa7: {  	s6 =	sshll.u32 s26, $0x1;
	_ =	strace $0x80000046;
	[dreg:$0x1] =	wrdreg $0xFFFFFFFF  }
0xa8: {  	s28 =	simm.s32 $_size_execute0_lowered;
	s4 =	sadd.s32 s4, s6;
	[dreg:$0x0] =	wrdreg $0x0  }
0xa9: {  	s6 =	sshll.u32 s28, $0x1;
	[dreg:$0x2] =	wrdreg s4  }
0xaa: {  	[dreg:$0x3] =	wrdreg s6  }
0xab: {  	[dreg:$0x4] =	wrdreg $0xC0  }
0xac: {  	_ =	task [dreg:s8], $0x5FFFF  }
0xad: {  	[dreg:$0x1] =	wrdreg $0xFFFFFFFF  }
0xae: {  	[dreg:$0x0] =	wrdreg $0x60  }
0xaf: {  	[dreg:$0x2] =	wrdreg s2  }
0xb0: {  	[dreg:$0x3] =	wrdreg s18  }
0xb1: {  	[dreg:$0x4] =	wrdreg s24  }
0xb2: {  	[dreg:$0x5] =	wrdreg $0x9  }
0xb3: {  	_ =	task.clear_ibuf [dreg:s8], $0x6FFFF;
	_ =	strace $0x90000046  }
0xb4: {  	s29 =	simm.s32 $0x9;
	_ =	strace $0x80000048  }
0xb5: {  	_ =	swait.ge [sflag:s29], $0x1  }
0xb6: {  	[sflag:s29] =	ssyncadd.s32 $0xFFFFFFFF  }
0xb7: {  	_ =	strace $0x90000048  }
0xb8: {  	_ =	sfence  }
0xb9: {  	s30 =	sld [smem:$0x0];
	_ =	sdelay $0x2  }
0xba: {  	s31 =	sshll.u32 s1, $0xD;
	s1 =	sshrl.u32 s1, $0x2  }
0xbb: {  	s3 =	sand.u32 $0x4000, s31;
	s1 =	sadd.s32 s1, s30  }
0xbc: {  	s0 =	sor.u32 s3, s0;
	s1 =	sshll.u32 s1, $0x11  }
0xbd: {  	s0 =	sor.u32 s1, s0  }
0xbe: {  	s0 =	sadd.s32 $0x8F2B, s0  }
0xbf: {  	[sflag:s0] =	ssyncadd.remote.s32 $0x1  }
0xc0: {  	_ =	sfence.sel $0xFFFF  }
0xc1: {  	[dreg:$0x0] =	wrdreg $0xFFFFFFFF;
	(pc) =	sbr.abs _section_cstart, $3  }
0xc2: {  	[dreg:$0x1] =	wrdreg $0xFFFFFFFF  }
0xc3: {  	_ =	task.clear_ibuf [dreg:s8], $0x2FFFF;
	_ =	strace $0x9FFFFFFF  }
0xc4: {  	(tm) =	ssettm $0x7FFFFFFF  }
0xc5: {  	_ =	shalt  }
tec
execute0_lowered:
.L_overlay_start_1:
0x0: {  	(tag) =	ssettag $0x1  }
0x1: {  	s2 =	rddreg [dreg:$0x0]  }
0x2: {  	s0 =	srdreg.scid;
	s3 =	rddreg [dreg:$0x1]  }
0x3: {  	s1 =	stileid.u32;
	s5 =	rddreg [dreg:$0x2]  }
0x4: {  	s0 =	sand.u32 $0x1, s0;
	s4 =	sshll.u32 s1, $0x1;
	s1 =	simm.s32 $0x0  }
0x5: {  	s4 =	sor.u32 s0, s4;
	[smem:$0x7FF] =	sst s1;
	s0 =	ssub.s32 $0x2, s0  }
0x6: {  	s6 =	sshll.u32 s4, $0xF;
	s4 =	sshll.u32 s4, $0x6;
	s7 =	sshrl.u32 s0, $0x1  }
0x7: {  	s8 =	sor.u32 $0x800, s6;
	s4 =	sadd.s32 s4, s5;
	s5 =	ssub.s32 s0, s7  }
0x8: {  	s14 =	sor.u32 $0x1000, s6;
	s15 =	sor.u32 $0x1800, s6;
	s19 =	sor.u32 $0x2000, s6  }
0x9: {  	s20 =	sor.u32 $0x2800, s6;
	s24 =	sor.u32 $0x3000, s6;
	s12 =	sadd.s32 s2, s8  }
0xa: {  	s25 =	sor.u32 $0x3800, s6;
	s13 =	sadd.s32 s3, s8;
	[dreg:$0x4] =	wrdreg s12  }
0xb: {  	s10 =	sor.u32 $0x4000, s6;
	s16 =	sadd.s32 s2, s14;
	[dreg:$0x5] =	wrdreg s13  }
0xc: {  	s11 =	sor.u32 $0x4800, s6;
	s0 =	sadd.s32 s3, s14;
	[dreg:$0x6] =	wrdreg s16  }
0xd: {  	s29 =	sadd.s32 s2, s6;
	s17 =	sadd.s32 s2, s15;
	[dreg:$0x7] =	wrdreg s0  }
0xe: {  	s31 =	sadd.s32 s3, s6;
	s18 =	sadd.s32 s3, s15;
	[dreg:$0x8] =	wrdreg s17  }
0xf: {  	s7 =	simm.s32 $0x4000;
	s21 =	sadd.s32 s2, s19;
	[dreg:$0x9] =	wrdreg s18  }
0x10: {  	s22 =	sadd.s32 s2, s20;
	s23 =	sadd.s32 s3, s20;
	[dreg:$0xa] =	wrdreg s21  }
0x11: {  	s26 =	sadd.s32 s2, s24;
	s8 =	sadd.s32 s2, s25;
	[dreg:$0xc] =	wrdreg s22  }
0x12: {  	s9 =	sadd.s32 s3, s25;
	s14 =	sor.u32 $0x5800, s6;
	[dreg:$0xd] =	wrdreg s23  }
0x13: {  	s15 =	sor.u32 $0x6000, s6;
	s4 =	sadd.s32 $0x800, s4;
	[dreg:$0xe] =	wrdreg s26  }
0x14: {  	s5 =	smax.u32 s5, $0x1;
	s0 =	sadd.s32 s3, s19;
	[dreg:$0x10] =	wrdreg s8  }
0x15: {  	[dreg:$0x11] =	wrdreg s9;
	s12 =	sadd.s32 s2, s10;
	s18 =	sadd.s32 s2, s11  }
0x16: {  	s19 =	sadd.s32 s3, s11;
	s13 =	sor.u32 $0x5000, s6;
	s22 =	sadd.s32 s2, s14  }
0x17: {  	s23 =	sadd.s32 s3, s14;
	s16 =	sor.u32 $0x6800, s6;
	s25 =	sadd.s32 s3, s15  }
0x18: {  	s17 =	sor.u32 $0x7000, s6;
	s6 =	sor.u32 $0x7800, s6;
	s8 =	simm.s32 $0x10000  }
0x19: {  	s9 =	simm.s32 $0x8000;
	s11 =	simm.s32 $0x1;
	[dreg:$0xb] =	wrdreg s0  }
0x1a: {  	s14 =	simm.s32 $0x4;
	s0 =	sadd.s32 s3, s24;
	[dreg:$0x12] =	wrdreg s12  }
0x1b: {  	s20 =	sadd.s32 s2, s13;
	s21 =	sadd.s32 s3, s13;
	s24 =	sadd.s32 s2, s15  }
0x1c: {  	s26 =	sadd.s32 s2, s16;
	s28 =	sadd.s32 s3, s16;
	s30 =	sadd.s32 s2, s17  }
0x1d: {  	s2 =	sadd.s32 s2, s6;
	s12 =	simm.s32 $0x2;
	s13 =	simm.s32 $0x3  }
0x1e: {  	s15 =	simm.s32 $0x0;
	[dreg:$0xf] =	wrdreg s0;
	s0 =	sadd.s32 s3, s10  }
0x1f: {  	s10 =	simm.s32 $0x14000;
	[dreg:$0x13] =	wrdreg s0;
	s0 =	sadd.s32 s3, s17  }
0x20: {  	s3 =	sadd.s32 s3, s6;
	s6 =	simm.s32 $0xC000;
	_ =	strace $0x80000047  }
.LBB2_1:
0x21: {  	[tilespmem:s1], [sflag:$0x1] =	stream.linear.gather [hbm4b:s29+s1], $0x4000, $0x38;
	[tilespmem:$0x18200] =	vst v63  }
0x22: {  	_ = 	snop  }
0x23: {  	[tilespmem:s6], [sflag:$0x1] =	stream.linear.gather [hbm4b:s31+s1], $0x4000, $0x38;
	[tilespmem:$0x18200] =	vst v63  }
0x24: {  	s16 =	rddreg [dreg:$0x4]  }
0x25: {  	[tilespmem:s7], [sflag:$0x2] =	stream.linear.gather [hbm4b:s16+s1], $0x4000, $0x38;
	[tilespmem:$0x18200] =	vst v63  }
0x26: {  	s17 =	rddreg [dreg:$0x5]  }
0x27: {  	[tilespmem:s8], [sflag:$0x2] =	stream.linear.gather [hbm4b:s17+s1], $0x4000, $0x38;
	[tilespmem:$0x18200] =	vst v63  }
0x28: {  	s17 =	rddreg [dreg:$0x6]  }
0x29: {  	[tilespmem:s9], [sflag:$0x3] =	stream.linear.gather [hbm4b:s17+s1], $0x4000, $0x38;
	[tilespmem:$0x18200] =	vst v63  }
0x2a: {  	s17 =	rddreg [dreg:$0x7]  }
0x2b: {  	[tilespmem:s10], [sflag:$0x3] =	stream.linear.gather [hbm4b:s17+s1], $0x4000, $0x38;
	[tilespmem:$0x18200] =	vst v63  }
0x2c: {  	_ =	swait.ge [sflag:s11], $0x4000  }
0x2d: {  	[sflag:s11] =	ssyncset.done $0x0  }
0x2e: {  	[sflag:s11] =	ssyncadd.s32 $0xFFFFC000  }
0x2f: {  	_ =	swait.ge [sflag:s11], $0x4000  }
0x30: {  	[sflag:s11] =	ssyncset.done $0x0  }
0x31: {  	s16 =	simm.s32 $0x0;
	[sflag:s11] =	ssyncadd.s32 $0xFFFFC000  }
0x32: {  	v5 =	vld [tilespmem:s16+$0xC030]  }
0x33: {  	v3 =	vld [tilespmem:s16+$0xC000]  }
0x34: {  	v4 =	vld [tilespmem:s16+$0x10]  }
0x35: {  	v12 =	vld [tilespmem:s16+$0xC010]  }
0x36: {  	v1 =	vld [tilespmem:s16+$0x20]  }
0x37: {  	v6 =	vimm.s32 $0x0;
	v9 =	vimm.s32 $0x0;
	v8 =	vimm.s32 $0x0;
	v10 =	vld [tilespmem:s16+$0xC020]  }
0x38: {  	v13 =	vimm.s32 $0x0;
	v11 =	vimm.s32 $0x0;
	v7 =	vimm.s32 $0x0;
	s17 =	simm.s32 $0x100;
	v14 =	vld [tilespmem:s16+$0x30]  }
.LBB2_2:
0x39: {  	p0 =	sne.s32 s17, $0xFF00;
	v0 =	vld [tilespmem:s16+$0x0];
	s16 =	sshra.s32 s17, $0x2;
	s17 =	sadd.s32 $0x100, s17  }
0x3a: {  	v2 =	vld [tilespmem:s16+$0xC030];
	v6 =	vadd.s32 v6, v12;
	v15 =	vand.u32 v4, v12  }
0x3b: {  	v9 =	vadd.s32 v9, v3;
	v16 =	vld [tilespmem:s16+$0xC000];
	v6 =	vadd.s32 v5, v6;
	v17 =	vmov v1  }
.Ltmp0:
0x3c: {  	v1 =	vadd.s32 v8, v4;
	v4 =	vld [tilespmem:s16+$0x10];
	v9 =	vadd.s32 v10, v9;
	v18 =	vand.u32 v17, v10;
	(pc) =	sbr.rel @p0 .LBB2_2-.Ltmp0, $4  }
0x3d: {  	v10 =	vadd.s32 v13, v15;
	v12 =	vld [tilespmem:s16+$0xC010];
	v8 =	vadd.s32 v14, v1;
	v14 =	vand.u32 v14, v5  }
0x3e: {  	v1 =	vld [tilespmem:s16+$0x20];
	v11 =	vadd.s32 v11, v0;
	v0 =	vand.u32 v0, v3;
	v13 =	vadd.s32 v14, v10  }
0x3f: {  	v10 =	vld [tilespmem:s16+$0xC020];
	v0 =	vadd.s32 v7, v0;
	v11 =	vadd.s32 v17, v11;
	v5 =	vmov v2  }
0x40: {  	v14 =	vld [tilespmem:s16+$0x30];
	v7 =	vadd.s32 v18, v0;
	v3 =	vmov v16  }
0x41: {  	v15 =	vld [tilespmem:s16+$0x0];
	s16 =	simm.s32 $0x0;
	s17 =	rddreg [dreg:$0x8]  }
0x42: {  	[tilespmem:s16], [sflag:$0x1] =	stream.linear.gather [hbm4b:s17+s16], $0x4000, $0x38;
	[tilespmem:$0x18200] =	vst v63  }
0x43: {  	s17 =	rddreg [dreg:$0x9]  }
0x44: {  	[tilespmem:s6], [sflag:$0x1] =	stream.linear.gather [hbm4b:s17+s16], $0x4000, $0x38;
	[tilespmem:$0x18200] =	vst v63  }
0x45: {  	_ =	swait.ge [sflag:s12], $0x4000  }
0x46: {  	[sflag:s12] =	ssyncset.done $0x0  }
0x47: {  	[sflag:s12] =	ssyncadd.s32 $0xFFFFC000  }
0x48: {  	_ =	swait.ge [sflag:s12], $0x4000  }
0x49: {  	[sflag:s12] =	ssyncset.done $0x0  }
0x4a: {  	s16 =	simm.s32 $0x0;
	[sflag:s12] =	ssyncadd.s32 $0xFFFFC000  }
0x4b: {  	v2 =	vld [tilespmem:s16+$0x10030]  }
0x4c: {  	v8 =	vadd.s32 v8, v4;
	v0 =	vld [tilespmem:s16+$0x10000]  }
0x4d: {  	v9 =	vadd.s32 v9, v3;
	v16 =	vand.u32 v4, v12;
	v6 =	vadd.s32 v6, v12;
	v4 =	vld [tilespmem:s16+$0x4010]  }
0x4e: {  	v12 =	vadd.s32 v13, v16;
	v6 =	vadd.s32 v5, v6;
	v9 =	vadd.s32 v10, v9;
	v13 =	vld [tilespmem:s16+$0x10010]  }
0x4f: {  	v8 =	vadd.s32 v14, v8;
	v14 =	vand.u32 v14, v5;
	v3 =	vand.u32 v15, v3;
	v5 =	vld [tilespmem:s16+$0x4020]  }
0x50: {  	v63 =	vadd.s32 v11, v15;
	v15 =	vand.u32 v1, v10;
	v3 =	vadd.s32 v7, v3;
	v11 =	vld [tilespmem:s16+$0x10020]  }
0x51: {  	s17 =	simm.s32 $0x100;
	v10 =	vadd.s32 v14, v12;
	v12 =	vadd.s32 v1, v63;
	v7 =	vadd.s32 v15, v3;
	v14 =	vld [tilespmem:s16+$0x4030]  }
.LBB2_4:
0x52: {  	p0 =	sne.s32 s17, $0xFF00;
	v1 =	vld [tilespmem:s16+$0x4000];
	s16 =	sshra.s32 s17, $0x2;
	s17 =	sadd.s32 $0x100, s17  }
0x53: {  	v3 =	vld [tilespmem:s16+$0x10030];
	v6 =	vadd.s32 v6, v13;
	v15 =	vand.u32 v4, v13  }
0x54: {  	v9 =	vadd.s32 v9, v0;
	v16 =	vld [tilespmem:s16+$0x10000];
	v6 =	vadd.s32 v2, v6;
	v17 =	vmov v5  }
.Ltmp1:
0x55: {  	v5 =	vadd.s32 v8, v4;
	v4 =	vld [tilespmem:s16+$0x4010];
	v9 =	vadd.s32 v11, v9;
	v18 =	vand.u32 v17, v11;
	(pc) =	sbr.rel @p0 .LBB2_4-.Ltmp1, $4  }
0x56: {  	v10 =	vadd.s32 v10, v15;
	v13 =	vld [tilespmem:s16+$0x10010];
	v8 =	vadd.s32 v14, v5;
	v14 =	vand.u32 v14, v2  }
0x57: {  	v5 =	vld [tilespmem:s16+$0x4020];
	v12 =	vadd.s32 v12, v1;
	v15 =	vand.u32 v1, v0;
	v10 =	vadd.s32 v14, v10  }
0x58: {  	v11 =	vld [tilespmem:s16+$0x10020];
	v1 =	vadd.s32 v7, v15;
	v12 =	vadd.s32 v17, v12;
	v2 =	vmov v3  }
0x59: {  	v14 =	vld [tilespmem:s16+$0x4030];
	v7 =	vadd.s32 v18, v1;
	v0 =	vmov v16  }
0x5a: {  	v15 =	vld [tilespmem:s16+$0x4000];
	s16 =	simm.s32 $0x0;
	s17 =	rddreg [dreg:$0xa]  }
0x5b: {  	[tilespmem:s7], [sflag:$0x2] =	stream.linear.gather [hbm4b:s17+s16], $0x4000, $0x38;
	[tilespmem:$0x18200] =	vst v63  }
0x5c: {  	s17 =	rddreg [dreg:$0xb]  }
0x5d: {  	[tilespmem:s8], [sflag:$0x2] =	stream.linear.gather [hbm4b:s17+s16], $0x4000, $0x38;
	[tilespmem:$0x18200] =	vst v63  }
0x5e: {  	_ =	swait.ge [sflag:s13], $0x4000  }
0x5f: {  	[sflag:s13] =	ssyncset.done $0x0  }
0x60: {  	[sflag:s13] =	ssyncadd.s32 $0xFFFFC000  }
0x61: {  	_ =	swait.ge [sflag:s13], $0x4000  }
0x62: {  	[sflag:s13] =	ssyncset.done $0x0  }
0x63: {  	s16 =	simm.s32 $0x0;
	[sflag:s13] =	ssyncadd.s32 $0xFFFFC000  }
0x64: {  	v3 =	vld [tilespmem:s16+$0x14030]  }
0x65: {  	v9 =	vadd.s32 v9, v0;
	v1 =	vld [tilespmem:s16+$0x14000]  }
0x66: {  	v16 =	vand.u32 v4, v13;
	v6 =	vadd.s32 v6, v13;
	v13 =	vadd.s32 v8, v4;
	v4 =	vld [tilespmem:s16+$0x8010]  }
0x67: {  	v16 =	vadd.s32 v10, v16;
	v8 =	vadd.s32 v2, v6;
	v10 =	vadd.s32 v14, v13;
	v13 =	vld [tilespmem:s16+$0x14010]  }
0x68: {  	v9 =	vadd.s32 v11, v9;
	v2 =	vand.u32 v14, v2;
	v0 =	vand.u32 v15, v0;
	v6 =	vld [tilespmem:s16+$0x8020]  }
0x69: {  	v14 =	vadd.s32 v12, v15;
	v15 =	vand.u32 v5, v11;
	v0 =	vadd.s32 v7, v0;
	v11 =	vld [tilespmem:s16+$0x14020]  }
0x6a: {  	s17 =	simm.s32 $0x100;
	v12 =	vadd.s32 v2, v16;
	v5 =	vadd.s32 v5, v14;
	v7 =	vadd.s32 v15, v0;
	v14 =	vld [tilespmem:s16+$0x8030]  }
.LBB2_6:
0x6b: {  	p0 =	sne.s32 s17, $0xFF00;
	v0 =	vld [tilespmem:s16+$0x8000];
	s16 =	sshra.s32 s17, $0x2;
	s17 =	sadd.s32 $0x100, s17  }
0x6c: {  	v2 =	vld [tilespmem:s16+$0x14030];
	v8 =	vadd.s32 v8, v13;
	v15 =	vand.u32 v4, v13  }
0x6d: {  	v9 =	vadd.s32 v9, v1;
	v16 =	vld [tilespmem:s16+$0x14000];
	v8 =	vadd.s32 v3, v8;
	v17 =	vmov v6  }
.Ltmp2:
0x6e: {  	v6 =	vadd.s32 v10, v4;
	v4 =	vld [tilespmem:s16+$0x8010];
	v9 =	vadd.s32 v11, v9;
	v18 =	vand.u32 v17, v11;
	(pc) =	sbr.rel @p0 .LBB2_6-.Ltmp2, $4  }
0x6f: {  	v11 =	vadd.s32 v12, v15;
	v13 =	vld [tilespmem:s16+$0x14010];
	v10 =	vadd.s32 v14, v6;
	v14 =	vand.u32 v14, v3  }
0x70: {  	v6 =	vld [tilespmem:s16+$0x8020];
	v5 =	vadd.s32 v5, v0;
	v0 =	vand.u32 v0, v1;
	v12 =	vadd.s32 v14, v11  }
0x71: {  	v11 =	vld [tilespmem:s16+$0x14020];
	v0 =	vadd.s32 v7, v0;
	v5 =	vadd.s32 v17, v5;
	v3 =	vmov v2  }
0x72: {  	v14 =	vld [tilespmem:s16+$0x8030];
	v7 =	vadd.s32 v18, v0;
	v1 =	vmov v16  }
0x73: {  	v15 =	vld [tilespmem:s16+$0x8000];
	s16 =	simm.s32 $0x0;
	s17 =	rddreg [dreg:$0xc]  }
0x74: {  	[tilespmem:s9], [sflag:$0x3] =	stream.linear.gather [hbm4b:s17+s16], $0x4000, $0x38;
	[tilespmem:$0x18200] =	vst v63  }
0x75: {  	s17 =	rddreg [dreg:$0xd]  }
0x76: {  	[tilespmem:s10], [sflag:$0x3] =	stream.linear.gather [hbm4b:s17+s16], $0x4000, $0x38;
	[tilespmem:$0x18200] =	vst v63  }
0x77: {  	_ =	swait.ge [sflag:s11], $0x4000  }
0x78: {  	[sflag:s11] =	ssyncset.done $0x0  }
0x79: {  	[sflag:s11] =	ssyncadd.s32 $0xFFFFC000  }
0x7a: {  	_ =	swait.ge [sflag:s11], $0x4000  }
0x7b: {  	[sflag:s11] =	ssyncset.done $0x0  }
0x7c: {  	s16 =	simm.s32 $0x0;
	[sflag:s11] =	ssyncadd.s32 $0xFFFFC000  }
0x7d: {  	v2 =	vld [tilespmem:s16+$0xC030]  }
0x7e: {  	v10 =	vadd.s32 v10, v4;
	v0 =	vld [tilespmem:s16+$0xC000]  }
0x7f: {  	v9 =	vadd.s32 v9, v1;
	v16 =	vand.u32 v4, v13;
	v8 =	vadd.s32 v8, v13;
	v4 =	vld [tilespmem:s16+$0x10]  }
0x80: {  	v13 =	vadd.s32 v12, v16;
	v8 =	vadd.s32 v3, v8;
	v10 =	vadd.s32 v14, v10;
	v12 =	vld [tilespmem:s16+$0xC010]  }
0x81: {  	v3 =	vand.u32 v14, v3;
	v14 =	vadd.s32 v5, v15;
	v1 =	vand.u32 v15, v1;
	v5 =	vld [tilespmem:s16+$0x20]  }
0x82: {  	v9 =	vadd.s32 v11, v9;
	v15 =	vand.u32 v6, v11;
	v1 =	vadd.s32 v7, v1;
	v11 =	vld [tilespmem:s16+$0xC020]  }
0x83: {  	s17 =	simm.s32 $0x100;
	v13 =	vadd.s32 v3, v13;
	v6 =	vadd.s32 v6, v14;
	v7 =	vadd.s32 v15, v1;
	v14 =	vld [tilespmem:s16+$0x30]  }
.LBB2_8:
0x84: {  	p0 =	sne.s32 s17, $0xFF00;
	v1 =	vld [tilespmem:s16+$0x0];
	s16 =	sshra.s32 s17, $0x2;
	s17 =	sadd.s32 $0x100, s17  }
0x85: {  	v3 =	vld [tilespmem:s16+$0xC030];
	v8 =	vadd.s32 v8, v12;
	v15 =	vand.u32 v4, v12  }
0x86: {  	v9 =	vadd.s32 v9, v0;
	v16 =	vld [tilespmem:s16+$0xC000];
	v8 =	vadd.s32 v2, v8;
	v17 =	vmov v5  }
.Ltmp3:
0x87: {  	v5 =	vadd.s32 v10, v4;
	v4 =	vld [tilespmem:s16+$0x10];
	v9 =	vadd.s32 v11, v9;
	v18 =	vand.u32 v17, v11;
	(pc) =	sbr.rel @p0 .LBB2_8-.Ltmp3, $4  }
0x88: {  	v11 =	vadd.s32 v13, v15;
	v12 =	vld [tilespmem:s16+$0xC010];
	v10 =	vadd.s32 v14, v5;
	v14 =	vand.u32 v14, v2  }
0x89: {  	v5 =	vld [tilespmem:s16+$0x20];
	v6 =	vadd.s32 v6, v1;
	v15 =	vand.u32 v1, v0;
	v13 =	vadd.s32 v14, v11  }
0x8a: {  	v11 =	vld [tilespmem:s16+$0xC020];
	v1 =	vadd.s32 v7, v15;
	v6 =	vadd.s32 v17, v6;
	v2 =	vmov v3  }
0x8b: {  	v14 =	vld [tilespmem:s16+$0x30];
	v7 =	vadd.s32 v18, v1;
	v0 =	vmov v16  }
0x8c: {  	v15 =	vld [tilespmem:s16+$0x0];
	s16 =	simm.s32 $0x0;
	s17 =	rddreg [dreg:$0xe]  }
0x8d: {  	[tilespmem:s16], [sflag:$0x1] =	stream.linear.gather [hbm4b:s17+s16], $0x4000, $0x38;
	[tilespmem:$0x18200] =	vst v63  }
0x8e: {  	s17 =	rddreg [dreg:$0xf]  }
0x8f: {  	[tilespmem:s6], [sflag:$0x1] =	stream.linear.gather [hbm4b:s17+s16], $0x4000, $0x38;
	[tilespmem:$0x18200] =	vst v63  }
0x90: {  	_ =	swait.ge [sflag:s12], $0x4000  }
0x91: {  	[sflag:s12] =	ssyncset.done $0x0  }
0x92: {  	[sflag:s12] =	ssyncadd.s32 $0xFFFFC000  }
0x93: {  	_ =	swait.ge [sflag:s12], $0x4000  }
0x94: {  	[sflag:s12] =	ssyncset.done $0x0  }
0x95: {  	s16 =	simm.s32 $0x0;
	[sflag:s12] =	ssyncadd.s32 $0xFFFFC000  }
0x96: {  	v3 =	vld [tilespmem:s16+$0x10030]  }
0x97: {  	v10 =	vadd.s32 v10, v4;
	v1 =	vld [tilespmem:s16+$0x10000]  }
0x98: {  	v9 =	vadd.s32 v9, v0;
	v16 =	vand.u32 v4, v12;
	v8 =	vadd.s32 v8, v12;
	v4 =	vld [tilespmem:s16+$0x4010]  }
0x99: {  	v13 =	vadd.s32 v13, v16;
	v8 =	vadd.s32 v2, v8;
	v10 =	vadd.s32 v14, v10;
	v12 =	vld [tilespmem:s16+$0x10010]  }
0x9a: {  	v2 =	vand.u32 v14, v2;
	v14 =	vadd.s32 v6, v15;
	v0 =	vand.u32 v15, v0;
	v6 =	vld [tilespmem:s16+$0x4020]  }
0x9b: {  	v9 =	vadd.s32 v11, v9;
	v15 =	vand.u32 v5, v11;
	v0 =	vadd.s32 v7, v0;
	v11 =	vld [tilespmem:s16+$0x10020]  }
0x9c: {  	s17 =	simm.s32 $0x100;
	v13 =	vadd.s32 v2, v13;
	v5 =	vadd.s32 v5, v14;
	v7 =	vadd.s32 v15, v0;
	v14 =	vld [tilespmem:s16+$0x4030]  }
.LBB2_10:
0x9d: {  	p0 =	sne.s32 s17, $0xFF00;
	v0 =	vld [tilespmem:s16+$0x4000];
	s16 =	sshra.s32 s17, $0x2;
	s17 =	sadd.s32 $0x100, s17  }
0x9e: {  	v2 =	vld [tilespmem:s16+$0x10030];
	v8 =	vadd.s32 v8, v12;
	v15 =	vand.u32 v4, v12  }
0x9f: {  	v9 =	vadd.s32 v9, v1;
	v16 =	vld [tilespmem:s16+$0x10000];
	v8 =	vadd.s32 v3, v8;
	v17 =	vmov v6  }
.Ltmp4:
0xa0: {  	v6 =	vadd.s32 v10, v4;
	v4 =	vld [tilespmem:s16+$0x4010];
	v9 =	vadd.s32 v11, v9;
	v18 =	vand.u32 v17, v11;
	(pc) =	sbr.rel @p0 .LBB2_10-.Ltmp4, $4  }
0xa1: {  	v11 =	vadd.s32 v13, v15;
	v12 =	vld [tilespmem:s16+$0x10010];
	v10 =	vadd.s32 v14, v6;
	v14 =	vand.u32 v14, v3  }
0xa2: {  	v6 =	vld [tilespmem:s16+$0x4020];
	v5 =	vadd.s32 v5, v0;
	v0 =	vand.u32 v0, v1;
	v13 =	vadd.s32 v14, v11  }
0xa3: {  	v11 =	vld [tilespmem:s16+$0x10020];
	v0 =	vadd.s32 v7, v0;
	v5 =	vadd.s32 v17, v5;
	v3 =	vmov v2  }
0xa4: {  	v14 =	vld [tilespmem:s16+$0x4030];
	v7 =	vadd.s32 v18, v0;
	v1 =	vmov v16  }
0xa5: {  	v15 =	vld [tilespmem:s16+$0x4000];
	s16 =	simm.s32 $0x0;
	s17 =	rddreg [dreg:$0x10]  }
0xa6: {  	[tilespmem:s7], [sflag:$0x2] =	stream.linear.gather [hbm4b:s17+s16], $0x4000, $0x38;
	[tilespmem:$0x18200] =	vst v63  }
0xa7: {  	s17 =	rddreg [dreg:$0x11]  }
0xa8: {  	[tilespmem:s8], [sflag:$0x2] =	stream.linear.gather [hbm4b:s17+s16], $0x4000, $0x38;
	[tilespmem:$0x18200] =	vst v63  }
0xa9: {  	_ =	swait.ge [sflag:s13], $0x4000  }
0xaa: {  	[sflag:s13] =	ssyncset.done $0x0  }
0xab: {  	[sflag:s13] =	ssyncadd.s32 $0xFFFFC000  }
0xac: {  	_ =	swait.ge [sflag:s13], $0x4000  }
0xad: {  	[sflag:s13] =	ssyncset.done $0x0  }
0xae: {  	s16 =	simm.s32 $0x0;
	[sflag:s13] =	ssyncadd.s32 $0xFFFFC000  }
0xaf: {  	v2 =	vld [tilespmem:s16+$0x14030]  }
0xb0: {  	v10 =	vadd.s32 v10, v4;
	v0 =	vld [tilespmem:s16+$0x14000]  }
0xb1: {  	v9 =	vadd.s32 v9, v1;
	v16 =	vand.u32 v4, v12;
	v8 =	vadd.s32 v8, v12;
	v4 =	vld [tilespmem:s16+$0x8010]  }
0xb2: {  	v13 =	vadd.s32 v13, v16;
	v8 =	vadd.s32 v3, v8;
	v10 =	vadd.s32 v14, v10;
	v12 =	vld [tilespmem:s16+$0x14010]  }
0xb3: {  	v3 =	vand.u32 v14, v3;
	v14 =	vadd.s32 v5, v15;
	v1 =	vand.u32 v15, v1;
	v5 =	vld [tilespmem:s16+$0x8020]  }
0xb4: {  	v9 =	vadd.s32 v11, v9;
	v15 =	vand.u32 v6, v11;
	v1 =	vadd.s32 v7, v1;
	v11 =	vld [tilespmem:s16+$0x14020]  }
0xb5: {  	s17 =	simm.s32 $0x100;
	v13 =	vadd.s32 v3, v13;
	v6 =	vadd.s32 v6, v14;
	v7 =	vadd.s32 v15, v1;
	v14 =	vld [tilespmem:s16+$0x8030]  }
.LBB2_12:
0xb6: {  	p0 =	sne.s32 s17, $0xFF00;
	v1 =	vld [tilespmem:s16+$0x8000];
	s16 =	sshra.s32 s17, $0x2;
	s17 =	sadd.s32 $0x100, s17  }
0xb7: {  	v3 =	vld [tilespmem:s16+$0x14030];
	v8 =	vadd.s32 v8, v12;
	v15 =	vand.u32 v4, v12  }
0xb8: {  	v9 =	vadd.s32 v9, v0;
	v16 =	vld [tilespmem:s16+$0x14000];
	v8 =	vadd.s32 v2, v8;
	v17 =	vmov v5  }
.Ltmp5:
0xb9: {  	v5 =	vadd.s32 v10, v4;
	v4 =	vld [tilespmem:s16+$0x8010];
	v9 =	vadd.s32 v11, v9;
	v18 =	vand.u32 v17, v11;
	(pc) =	sbr.rel @p0 .LBB2_12-.Ltmp5, $4  }
0xba: {  	v11 =	vadd.s32 v13, v15;
	v12 =	vld [tilespmem:s16+$0x14010];
	v10 =	vadd.s32 v14, v5;
	v14 =	vand.u32 v14, v2  }
0xbb: {  	v5 =	vld [tilespmem:s16+$0x8020];
	v6 =	vadd.s32 v6, v1;
	v15 =	vand.u32 v1, v0;
	v13 =	vadd.s32 v14, v11  }
0xbc: {  	v11 =	vld [tilespmem:s16+$0x14020];
	v1 =	vadd.s32 v7, v15;
	v6 =	vadd.s32 v17, v6;
	v2 =	vmov v3  }
0xbd: {  	v14 =	vld [tilespmem:s16+$0x8030];
	v7 =	vadd.s32 v18, v1;
	v0 =	vmov v16  }
0xbe: {  	v15 =	vld [tilespmem:s16+$0x8000];
	s16 =	simm.s32 $0x0;
	s17 =	rddreg [dreg:$0x12]  }
0xbf: {  	[tilespmem:s9], [sflag:$0x3] =	stream.linear.gather [hbm4b:s17+s16], $0x4000, $0x38;
	[tilespmem:$0x18200] =	vst v63  }
0xc0: {  	s17 =	rddreg [dreg:$0x13]  }
0xc1: {  	[tilespmem:s10], [sflag:$0x3] =	stream.linear.gather [hbm4b:s17+s16], $0x4000, $0x38;
	[tilespmem:$0x18200] =	vst v63  }
0xc2: {  	_ =	swait.ge [sflag:s11], $0x4000  }
0xc3: {  	[sflag:s11] =	ssyncset.done $0x0  }
0xc4: {  	[sflag:s11] =	ssyncadd.s32 $0xFFFFC000  }
0xc5: {  	_ =	swait.ge [sflag:s11], $0x4000  }
0xc6: {  	[sflag:s11] =	ssyncset.done $0x0  }
0xc7: {  	s16 =	simm.s32 $0x0;
	[sflag:s11] =	ssyncadd.s32 $0xFFFFC000  }
0xc8: {  	v3 =	vld [tilespmem:s16+$0xC030]  }
0xc9: {  	v10 =	vadd.s32 v10, v4;
	v1 =	vld [tilespmem:s16+$0xC000]  }
0xca: {  	v9 =	vadd.s32 v9, v0;
	v16 =	vand.u32 v4, v12;
	v8 =	vadd.s32 v8, v12;
	v4 =	vld [tilespmem:s16+$0x10]  }
0xcb: {  	v13 =	vadd.s32 v13, v16;
	v8 =	vadd.s32 v2, v8;
	v10 =	vadd.s32 v14, v10;
	v12 =	vld [tilespmem:s16+$0xC010]  }
0xcc: {  	v2 =	vand.u32 v14, v2;
	v14 =	vadd.s32 v6, v15;
	v0 =	vand.u32 v15, v0;
	v6 =	vld [tilespmem:s16+$0x20]  }
0xcd: {  	v9 =	vadd.s32 v11, v9;
	v15 =	vand.u32 v5, v11;
	v0 =	vadd.s32 v7, v0;
	v11 =	vld [tilespmem:s16+$0xC020]  }
0xce: {  	s17 =	simm.s32 $0x100;
	v13 =	vadd.s32 v2, v13;
	v5 =	vadd.s32 v5, v14;
	v7 =	vadd.s32 v15, v0;
	v14 =	vld [tilespmem:s16+$0x30]  }
.LBB2_14:
0xcf: {  	p0 =	sne.s32 s17, $0xFF00;
	v0 =	vld [tilespmem:s16+$0x0];
	s16 =	sshra.s32 s17, $0x2;
	s17 =	sadd.s32 $0x100, s17  }
0xd0: {  	v2 =	vld [tilespmem:s16+$0xC030];
	v8 =	vadd.s32 v8, v12;
	v15 =	vand.u32 v4, v12  }
0xd1: {  	v9 =	vadd.s32 v9, v1;
	v16 =	vld [tilespmem:s16+$0xC000];
	v8 =	vadd.s32 v3, v8;
	v17 =	vmov v6  }
.Ltmp6:
0xd2: {  	v6 =	vadd.s32 v10, v4;
	v4 =	vld [tilespmem:s16+$0x10];
	v9 =	vadd.s32 v11, v9;
	v18 =	vand.u32 v17, v11;
	(pc) =	sbr.rel @p0 .LBB2_14-.Ltmp6, $4  }
0xd3: {  	v11 =	vadd.s32 v13, v15;
	v12 =	vld [tilespmem:s16+$0xC010];
	v10 =	vadd.s32 v14, v6;
	v14 =	vand.u32 v14, v3  }
0xd4: {  	v6 =	vld [tilespmem:s16+$0x20];
	v5 =	vadd.s32 v5, v0;
	v0 =	vand.u32 v0, v1;
	v13 =	vadd.s32 v14, v11  }
0xd5: {  	v11 =	vld [tilespmem:s16+$0xC020];
	v0 =	vadd.s32 v7, v0;
	v5 =	vadd.s32 v17, v5;
	v3 =	vmov v2  }
0xd6: {  	v14 =	vld [tilespmem:s16+$0x30];
	v7 =	vadd.s32 v18, v0;
	v1 =	vmov v16  }
0xd7: {  	s17 =	simm.s32 $0x0  }
0xd8: {  	v15 =	vld [tilespmem:s16+$0x0];
	[tilespmem:s17], [sflag:$0x1] =	stream.linear.gather [hbm4b:s18+s17], $0x4000, $0x38  }
0xd9: {  	_ = 	snop  }
0xda: {  	[tilespmem:s6], [sflag:$0x1] =	stream.linear.gather [hbm4b:s19+s17], $0x4000, $0x38;
	[tilespmem:$0x18200] =	vst v63  }
0xdb: {  	_ =	swait.ge [sflag:s12], $0x4000  }
0xdc: {  	[sflag:s12] =	ssyncset.done $0x0  }
0xdd: {  	[sflag:s12] =	ssyncadd.s32 $0xFFFFC000  }
0xde: {  	_ =	swait.ge [sflag:s12], $0x4000  }
0xdf: {  	[sflag:s12] =	ssyncset.done $0x0  }
0xe0: {  	s16 =	simm.s32 $0x0;
	[sflag:s12] =	ssyncadd.s32 $0xFFFFC000  }
0xe1: {  	v2 =	vld [tilespmem:s16+$0x10030]  }
0xe2: {  	v10 =	vadd.s32 v10, v4;
	v0 =	vld [tilespmem:s16+$0x10000]  }
0xe3: {  	v9 =	vadd.s32 v9, v1;
	v16 =	vand.u32 v4, v12;
	v8 =	vadd.s32 v8, v12;
	v4 =	vld [tilespmem:s16+$0x4010]  }
0xe4: {  	v13 =	vadd.s32 v13, v16;
	v8 =	vadd.s32 v3, v8;
	v10 =	vadd.s32 v14, v10;
	v12 =	vld [tilespmem:s16+$0x10010]  }
0xe5: {  	v3 =	vand.u32 v14, v3;
	v14 =	vadd.s32 v5, v15;
	v1 =	vand.u32 v15, v1;
	v5 =	vld [tilespmem:s16+$0x4020]  }
0xe6: {  	v9 =	vadd.s32 v11, v9;
	v15 =	vand.u32 v6, v11;
	v1 =	vadd.s32 v7, v1;
	v11 =	vld [tilespmem:s16+$0x10020]  }
0xe7: {  	s17 =	simm.s32 $0x100;
	v13 =	vadd.s32 v3, v13;
	v6 =	vadd.s32 v6, v14;
	v7 =	vadd.s32 v15, v1;
	v14 =	vld [tilespmem:s16+$0x4030]  }
.LBB2_16:
0xe8: {  	p0 =	sne.s32 s17, $0xFF00;
	v1 =	vld [tilespmem:s16+$0x4000];
	s16 =	sshra.s32 s17, $0x2;
	s17 =	sadd.s32 $0x100, s17  }
0xe9: {  	v3 =	vld [tilespmem:s16+$0x10030];
	v8 =	vadd.s32 v8, v12;
	v15 =	vand.u32 v4, v12  }
0xea: {  	v9 =	vadd.s32 v9, v0;
	v16 =	vld [tilespmem:s16+$0x10000];
	v8 =	vadd.s32 v2, v8;
	v17 =	vmov v5  }
.Ltmp7:
0xeb: {  	v5 =	vadd.s32 v10, v4;
	v4 =	vld [tilespmem:s16+$0x4010];
	v9 =	vadd.s32 v11, v9;
	v18 =	vand.u32 v17, v11;
	(pc) =	sbr.rel @p0 .LBB2_16-.Ltmp7, $4  }
0xec: {  	v11 =	vadd.s32 v13, v15;
	v12 =	vld [tilespmem:s16+$0x10010];
	v10 =	vadd.s32 v14, v5;
	v14 =	vand.u32 v14, v2  }
0xed: {  	v5 =	vld [tilespmem:s16+$0x4020];
	v6 =	vadd.s32 v6, v1;
	v15 =	vand.u32 v1, v0;
	v13 =	vadd.s32 v14, v11  }
0xee: {  	v11 =	vld [tilespmem:s16+$0x10020];
	v1 =	vadd.s32 v7, v15;
	v6 =	vadd.s32 v17, v6;
	v2 =	vmov v3  }
0xef: {  	v14 =	vld [tilespmem:s16+$0x4030];
	v7 =	vadd.s32 v18, v1;
	v0 =	vmov v16  }
0xf0: {  	s17 =	simm.s32 $0x0  }
0xf1: {  	v15 =	vld [tilespmem:s16+$0x4000];
	[tilespmem:s7], [sflag:$0x2] =	stream.linear.gather [hbm4b:s20+s17], $0x4000, $0x38  }
0xf2: {  	_ = 	snop  }
0xf3: {  	[tilespmem:s8], [sflag:$0x2] =	stream.linear.gather [hbm4b:s21+s17], $0x4000, $0x38;
	[tilespmem:$0x18200] =	vst v63  }
0xf4: {  	_ =	swait.ge [sflag:s13], $0x4000  }
0xf5: {  	[sflag:s13] =	ssyncset.done $0x0  }
0xf6: {  	[sflag:s13] =	ssyncadd.s32 $0xFFFFC000  }
0xf7: {  	_ =	swait.ge [sflag:s13], $0x4000  }
0xf8: {  	[sflag:s13] =	ssyncset.done $0x0  }
0xf9: {  	s16 =	simm.s32 $0x0;
	[sflag:s13] =	ssyncadd.s32 $0xFFFFC000  }
0xfa: {  	v3 =	vld [tilespmem:s16+$0x14030]  }
0xfb: {  	v10 =	vadd.s32 v10, v4;
	v1 =	vld [tilespmem:s16+$0x14000]  }
0xfc: {  	v9 =	vadd.s32 v9, v0;
	v16 =	vand.u32 v4, v12;
	v8 =	vadd.s32 v8, v12;
	v4 =	vld [tilespmem:s16+$0x8010]  }
0xfd: {  	v13 =	vadd.s32 v13, v16;
	v8 =	vadd.s32 v2, v8;
	v10 =	vadd.s32 v14, v10;
	v12 =	vld [tilespmem:s16+$0x14010]  }
0xfe: {  	v2 =	vand.u32 v14, v2;
	v14 =	vadd.s32 v6, v15;
	v0 =	vand.u32 v15, v0;
	v6 =	vld [tilespmem:s16+$0x8020]  }
0xff: {  	v9 =	vadd.s32 v11, v9;
	v15 =	vand.u32 v5, v11;
	v0 =	vadd.s32 v7, v0;
	v11 =	vld [tilespmem:s16+$0x14020]  }
0x100: {  	s17 =	simm.s32 $0x100;
	v13 =	vadd.s32 v2, v13;
	v5 =	vadd.s32 v5, v14;
	v7 =	vadd.s32 v15, v0;
	v14 =	vld [tilespmem:s16+$0x8030]  }
.LBB2_18:
0x101: {  	p0 =	sne.s32 s17, $0xFF00;
	v0 =	vld [tilespmem:s16+$0x8000];
	s16 =	sshra.s32 s17, $0x2;
	s17 =	sadd.s32 $0x100, s17  }
0x102: {  	v2 =	vld [tilespmem:s16+$0x14030];
	v8 =	vadd.s32 v8, v12;
	v15 =	vand.u32 v4, v12  }
0x103: {  	v9 =	vadd.s32 v9, v1;
	v16 =	vld [tilespmem:s16+$0x14000];
	v8 =	vadd.s32 v3, v8;
	v17 =	vmov v6  }
.Ltmp8:
0x104: {  	v6 =	vadd.s32 v10, v4;
	v4 =	vld [tilespmem:s16+$0x8010];
	v9 =	vadd.s32 v11, v9;
	v18 =	vand.u32 v17, v11;
	(pc) =	sbr.rel @p0 .LBB2_18-.Ltmp8, $4  }
0x105: {  	v11 =	vadd.s32 v13, v15;
	v12 =	vld [tilespmem:s16+$0x14010];
	v10 =	vadd.s32 v14, v6;
	v14 =	vand.u32 v14, v3  }
0x106: {  	v6 =	vld [tilespmem:s16+$0x8020];
	v5 =	vadd.s32 v5, v0;
	v0 =	vand.u32 v0, v1;
	v13 =	vadd.s32 v14, v11  }
0x107: {  	v11 =	vld [tilespmem:s16+$0x14020];
	v0 =	vadd.s32 v7, v0;
	v5 =	vadd.s32 v17, v5;
	v3 =	vmov v2  }
0x108: {  	v14 =	vld [tilespmem:s16+$0x8030];
	v7 =	vadd.s32 v18, v0;
	v1 =	vmov v16  }
0x109: {  	s17 =	simm.s32 $0x0  }
0x10a: {  	v15 =	vld [tilespmem:s16+$0x8000];
	[tilespmem:s9], [sflag:$0x3] =	stream.linear.gather [hbm4b:s22+s17], $0x4000, $0x38  }
0x10b: {  	_ = 	snop  }
0x10c: {  	[tilespmem:s10], [sflag:$0x3] =	stream.linear.gather [hbm4b:s23+s17], $0x4000, $0x38;
	[tilespmem:$0x18200] =	vst v63  }
0x10d: {  	_ =	swait.ge [sflag:s11], $0x4000  }
0x10e: {  	[sflag:s11] =	ssyncset.done $0x0  }
0x10f: {  	[sflag:s11] =	ssyncadd.s32 $0xFFFFC000  }
0x110: {  	_ =	swait.ge [sflag:s11], $0x4000  }
0x111: {  	[sflag:s11] =	ssyncset.done $0x0  }
0x112: {  	s16 =	simm.s32 $0x0;
	[sflag:s11] =	ssyncadd.s32 $0xFFFFC000  }
0x113: {  	v2 =	vld [tilespmem:s16+$0xC030]  }
0x114: {  	v10 =	vadd.s32 v10, v4;
	v0 =	vld [tilespmem:s16+$0xC000]  }
0x115: {  	v9 =	vadd.s32 v9, v1;
	v16 =	vand.u32 v4, v12;
	v8 =	vadd.s32 v8, v12;
	v4 =	vld [tilespmem:s16+$0x10]  }
0x116: {  	v13 =	vadd.s32 v13, v16;
	v8 =	vadd.s32 v3, v8;
	v10 =	vadd.s32 v14, v10;
	v12 =	vld [tilespmem:s16+$0xC010]  }
0x117: {  	v3 =	vand.u32 v14, v3;
	v14 =	vadd.s32 v5, v15;
	v1 =	vand.u32 v15, v1;
	v5 =	vld [tilespmem:s16+$0x20]  }
0x118: {  	v9 =	vadd.s32 v11, v9;
	v15 =	vand.u32 v6, v11;
	v1 =	vadd.s32 v7, v1;
	v11 =	vld [tilespmem:s16+$0xC020]  }
0x119: {  	s17 =	simm.s32 $0x100;
	v13 =	vadd.s32 v3, v13;
	v6 =	vadd.s32 v6, v14;
	v7 =	vadd.s32 v15, v1;
	v14 =	vld [tilespmem:s16+$0x30]  }
.LBB2_20:
0x11a: {  	p0 =	sne.s32 s17, $0xFF00;
	v1 =	vld [tilespmem:s16+$0x0];
	s16 =	sshra.s32 s17, $0x2;
	s17 =	sadd.s32 $0x100, s17  }
0x11b: {  	v3 =	vld [tilespmem:s16+$0xC030];
	v8 =	vadd.s32 v8, v12;
	v15 =	vand.u32 v4, v12  }
0x11c: {  	v9 =	vadd.s32 v9, v0;
	v16 =	vld [tilespmem:s16+$0xC000];
	v8 =	vadd.s32 v2, v8;
	v17 =	vmov v5  }
.Ltmp9:
0x11d: {  	v5 =	vadd.s32 v10, v4;
	v4 =	vld [tilespmem:s16+$0x10];
	v9 =	vadd.s32 v11, v9;
	v18 =	vand.u32 v17, v11;
	(pc) =	sbr.rel @p0 .LBB2_20-.Ltmp9, $4  }
0x11e: {  	v11 =	vadd.s32 v13, v15;
	v12 =	vld [tilespmem:s16+$0xC010];
	v10 =	vadd.s32 v14, v5;
	v14 =	vand.u32 v14, v2  }
0x11f: {  	v5 =	vld [tilespmem:s16+$0x20];
	v6 =	vadd.s32 v6, v1;
	v15 =	vand.u32 v1, v0;
	v13 =	vadd.s32 v14, v11  }
0x120: {  	v11 =	vld [tilespmem:s16+$0xC020];
	v1 =	vadd.s32 v7, v15;
	v6 =	vadd.s32 v17, v6;
	v2 =	vmov v3  }
0x121: {  	v14 =	vld [tilespmem:s16+$0x30];
	v7 =	vadd.s32 v18, v1;
	v0 =	vmov v16  }
0x122: {  	s17 =	simm.s32 $0x0  }
0x123: {  	v15 =	vld [tilespmem:s16+$0x0];
	[tilespmem:s17], [sflag:$0x1] =	stream.linear.gather [hbm4b:s24+s17], $0x4000, $0x38  }
0x124: {  	_ = 	snop  }
0x125: {  	[tilespmem:s6], [sflag:$0x1] =	stream.linear.gather [hbm4b:s25+s17], $0x4000, $0x38;
	[tilespmem:$0x18200] =	vst v63  }
0x126: {  	_ =	swait.ge [sflag:s12], $0x4000  }
0x127: {  	[sflag:s12] =	ssyncset.done $0x0  }
0x128: {  	[sflag:s12] =	ssyncadd.s32 $0xFFFFC000  }
0x129: {  	_ =	swait.ge [sflag:s12], $0x4000  }
0x12a: {  	[sflag:s12] =	ssyncset.done $0x0  }
0x12b: {  	s16 =	simm.s32 $0x0;
	[sflag:s12] =	ssyncadd.s32 $0xFFFFC000  }
0x12c: {  	v3 =	vld [tilespmem:s16+$0x10030]  }
0x12d: {  	v10 =	vadd.s32 v10, v4;
	v1 =	vld [tilespmem:s16+$0x10000]  }
0x12e: {  	v9 =	vadd.s32 v9, v0;
	v16 =	vand.u32 v4, v12;
	v8 =	vadd.s32 v8, v12;
	v4 =	vld [tilespmem:s16+$0x4010]  }
0x12f: {  	v13 =	vadd.s32 v13, v16;
	v8 =	vadd.s32 v2, v8;
	v10 =	vadd.s32 v14, v10;
	v12 =	vld [tilespmem:s16+$0x10010]  }
0x130: {  	v2 =	vand.u32 v14, v2;
	v14 =	vadd.s32 v6, v15;
	v0 =	vand.u32 v15, v0;
	v6 =	vld [tilespmem:s16+$0x4020]  }
0x131: {  	v9 =	vadd.s32 v11, v9;
	v15 =	vand.u32 v5, v11;
	v0 =	vadd.s32 v7, v0;
	v11 =	vld [tilespmem:s16+$0x10020]  }
0x132: {  	s17 =	simm.s32 $0x100;
	v13 =	vadd.s32 v2, v13;
	v5 =	vadd.s32 v5, v14;
	v7 =	vadd.s32 v15, v0;
	v14 =	vld [tilespmem:s16+$0x4030]  }
.LBB2_22:
0x133: {  	p0 =	sne.s32 s17, $0xFF00;
	v0 =	vld [tilespmem:s16+$0x4000];
	s16 =	sshra.s32 s17, $0x2;
	s17 =	sadd.s32 $0x100, s17  }
0x134: {  	v2 =	vld [tilespmem:s16+$0x10030];
	v8 =	vadd.s32 v8, v12;
	v15 =	vand.u32 v4, v12  }
0x135: {  	v9 =	vadd.s32 v9, v1;
	v16 =	vld [tilespmem:s16+$0x10000];
	v8 =	vadd.s32 v3, v8;
	v17 =	vmov v6  }
.Ltmp10:
0x136: {  	v6 =	vadd.s32 v10, v4;
	v4 =	vld [tilespmem:s16+$0x4010];
	v9 =	vadd.s32 v11, v9;
	v18 =	vand.u32 v17, v11;
	(pc) =	sbr.rel @p0 .LBB2_22-.Ltmp10, $4  }
0x137: {  	v11 =	vadd.s32 v13, v15;
	v12 =	vld [tilespmem:s16+$0x10010];
	v10 =	vadd.s32 v14, v6;
	v14 =	vand.u32 v14, v3  }
0x138: {  	v6 =	vld [tilespmem:s16+$0x4020];
	v5 =	vadd.s32 v5, v0;
	v0 =	vand.u32 v0, v1;
	v13 =	vadd.s32 v14, v11  }
0x139: {  	v11 =	vld [tilespmem:s16+$0x10020];
	v0 =	vadd.s32 v7, v0;
	v5 =	vadd.s32 v17, v5;
	v3 =	vmov v2  }
0x13a: {  	v14 =	vld [tilespmem:s16+$0x4030];
	v7 =	vadd.s32 v18, v0;
	v1 =	vmov v16  }
0x13b: {  	s17 =	simm.s32 $0x0  }
0x13c: {  	v15 =	vld [tilespmem:s16+$0x4000];
	[tilespmem:s7], [sflag:$0x2] =	stream.linear.gather [hbm4b:s26+s17], $0x4000, $0x38  }
0x13d: {  	_ = 	snop  }
0x13e: {  	[tilespmem:s8], [sflag:$0x2] =	stream.linear.gather [hbm4b:s28+s17], $0x4000, $0x38;
	[tilespmem:$0x18200] =	vst v63  }
0x13f: {  	_ =	swait.ge [sflag:s13], $0x4000  }
0x140: {  	[sflag:s13] =	ssyncset.done $0x0  }
0x141: {  	[sflag:s13] =	ssyncadd.s32 $0xFFFFC000  }
0x142: {  	_ =	swait.ge [sflag:s13], $0x4000  }
0x143: {  	[sflag:s13] =	ssyncset.done $0x0  }
0x144: {  	s16 =	simm.s32 $0x0;
	[sflag:s13] =	ssyncadd.s32 $0xFFFFC000  }
0x145: {  	v2 =	vld [tilespmem:s16+$0x14030]  }
0x146: {  	v10 =	vadd.s32 v10, v4;
	v0 =	vld [tilespmem:s16+$0x14000]  }
0x147: {  	v9 =	vadd.s32 v9, v1;
	v16 =	vand.u32 v4, v12;
	v8 =	vadd.s32 v8, v12;
	v4 =	vld [tilespmem:s16+$0x8010]  }
0x148: {  	v13 =	vadd.s32 v13, v16;
	v8 =	vadd.s32 v3, v8;
	v10 =	vadd.s32 v14, v10;
	v12 =	vld [tilespmem:s16+$0x14010]  }
0x149: {  	v3 =	vand.u32 v14, v3;
	v14 =	vadd.s32 v5, v15;
	v1 =	vand.u32 v15, v1;
	v5 =	vld [tilespmem:s16+$0x8020]  }
0x14a: {  	v9 =	vadd.s32 v11, v9;
	v15 =	vand.u32 v6, v11;
	v1 =	vadd.s32 v7, v1;
	v11 =	vld [tilespmem:s16+$0x14020]  }
0x14b: {  	s17 =	simm.s32 $0x100;
	v13 =	vadd.s32 v3, v13;
	v6 =	vadd.s32 v6, v14;
	v7 =	vadd.s32 v15, v1;
	v14 =	vld [tilespmem:s16+$0x8030]  }
.LBB2_24:
0x14c: {  	p0 =	sne.s32 s17, $0xFF00;
	v1 =	vld [tilespmem:s16+$0x8000];
	s16 =	sshra.s32 s17, $0x2;
	s17 =	sadd.s32 $0x100, s17  }
0x14d: {  	v3 =	vld [tilespmem:s16+$0x14030];
	v8 =	vadd.s32 v8, v12;
	v15 =	vand.u32 v4, v12  }
0x14e: {  	v9 =	vadd.s32 v9, v0;
	v16 =	vld [tilespmem:s16+$0x14000];
	v8 =	vadd.s32 v2, v8;
	v17 =	vmov v5  }
.Ltmp11:
0x14f: {  	v5 =	vadd.s32 v10, v4;
	v4 =	vld [tilespmem:s16+$0x8010];
	v9 =	vadd.s32 v11, v9;
	v18 =	vand.u32 v17, v11;
	(pc) =	sbr.rel @p0 .LBB2_24-.Ltmp11, $4  }
0x150: {  	v11 =	vadd.s32 v13, v15;
	v12 =	vld [tilespmem:s16+$0x14010];
	v10 =	vadd.s32 v14, v5;
	v14 =	vand.u32 v14, v2  }
0x151: {  	v5 =	vld [tilespmem:s16+$0x8020];
	v6 =	vadd.s32 v6, v1;
	v15 =	vand.u32 v1, v0;
	v13 =	vadd.s32 v14, v11  }
0x152: {  	v11 =	vld [tilespmem:s16+$0x14020];
	v1 =	vadd.s32 v7, v15;
	v6 =	vadd.s32 v17, v6;
	v2 =	vmov v3  }
0x153: {  	v14 =	vld [tilespmem:s16+$0x8030];
	v7 =	vadd.s32 v18, v1;
	v0 =	vmov v16  }
0x154: {  	s17 =	simm.s32 $0x0  }
0x155: {  	v15 =	vld [tilespmem:s16+$0x8000];
	[tilespmem:s9], [sflag:$0x3] =	stream.linear.gather [hbm4b:s30+s17], $0x4000, $0x38  }
0x156: {  	_ = 	snop  }
0x157: {  	[tilespmem:s10], [sflag:$0x3] =	stream.linear.gather [hbm4b:s0+s17], $0x4000, $0x38;
	[tilespmem:$0x18200] =	vst v63  }
0x158: {  	_ =	swait.ge [sflag:s11], $0x4000  }
0x159: {  	[sflag:s11] =	ssyncset.done $0x0  }
0x15a: {  	[sflag:s11] =	ssyncadd.s32 $0xFFFFC000  }
0x15b: {  	_ =	swait.ge [sflag:s11], $0x4000  }
0x15c: {  	[sflag:s11] =	ssyncset.done $0x0  }
0x15d: {  	s16 =	simm.s32 $0x0;
	[sflag:s11] =	ssyncadd.s32 $0xFFFFC000  }
0x15e: {  	v3 =	vld [tilespmem:s16+$0xC030]  }
0x15f: {  	v10 =	vadd.s32 v10, v4;
	v1 =	vld [tilespmem:s16+$0xC000]  }
0x160: {  	v9 =	vadd.s32 v9, v0;
	v16 =	vand.u32 v4, v12;
	v8 =	vadd.s32 v8, v12;
	v4 =	vld [tilespmem:s16+$0x10]  }
0x161: {  	v13 =	vadd.s32 v13, v16;
	v8 =	vadd.s32 v2, v8;
	v10 =	vadd.s32 v14, v10;
	v12 =	vld [tilespmem:s16+$0xC010]  }
0x162: {  	v2 =	vand.u32 v14, v2;
	v14 =	vadd.s32 v6, v15;
	v0 =	vand.u32 v15, v0;
	v6 =	vld [tilespmem:s16+$0x20]  }
0x163: {  	v9 =	vadd.s32 v11, v9;
	v15 =	vand.u32 v5, v11;
	v0 =	vadd.s32 v7, v0;
	v11 =	vld [tilespmem:s16+$0xC020]  }
0x164: {  	s17 =	simm.s32 $0x100;
	v13 =	vadd.s32 v2, v13;
	v7 =	vadd.s32 v5, v14;
	v5 =	vadd.s32 v15, v0;
	v14 =	vld [tilespmem:s16+$0x30]  }
.LBB2_26:
0x165: {  	p0 =	sne.s32 s17, $0xFF00;
	v0 =	vld [tilespmem:s16+$0x0];
	s16 =	sshra.s32 s17, $0x2;
	s17 =	sadd.s32 $0x100, s17  }
0x166: {  	v2 =	vld [tilespmem:s16+$0xC030];
	v8 =	vadd.s32 v8, v12;
	v15 =	vand.u32 v4, v12  }
0x167: {  	v9 =	vadd.s32 v9, v1;
	v16 =	vld [tilespmem:s16+$0xC000];
	v8 =	vadd.s32 v3, v8;
	v17 =	vmov v6  }
.Ltmp12:
0x168: {  	v6 =	vadd.s32 v10, v4;
	v4 =	vld [tilespmem:s16+$0x10];
	v9 =	vadd.s32 v11, v9;
	v18 =	vand.u32 v17, v11;
	(pc) =	sbr.rel @p0 .LBB2_26-.Ltmp12, $4  }
0x169: {  	v11 =	vadd.s32 v13, v15;
	v12 =	vld [tilespmem:s16+$0xC010];
	v10 =	vadd.s32 v14, v6;
	v14 =	vand.u32 v14, v3  }
0x16a: {  	v6 =	vld [tilespmem:s16+$0x20];
	v7 =	vadd.s32 v7, v0;
	v0 =	vand.u32 v0, v1;
	v13 =	vadd.s32 v14, v11  }
0x16b: {  	v11 =	vld [tilespmem:s16+$0xC020];
	v0 =	vadd.s32 v5, v0;
	v7 =	vadd.s32 v17, v7;
	v3 =	vmov v2  }
0x16c: {  	v14 =	vld [tilespmem:s16+$0x30];
	v5 =	vadd.s32 v18, v0;
	v1 =	vmov v16  }
0x16d: {  	s17 =	simm.s32 $0x0  }
0x16e: {  	v15 =	vld [tilespmem:s16+$0x0];
	[tilespmem:s17], [sflag:$0x1] =	stream.linear.gather [hbm4b:s2+s17], $0x4000, $0x38  }
0x16f: {  	_ = 	snop  }
0x170: {  	[tilespmem:s6], [sflag:$0x1] =	stream.linear.gather [hbm4b:s3+s17], $0x4000, $0x38;
	[tilespmem:$0x18200] =	vst v63  }
0x171: {  	_ =	swait.ge [sflag:s12], $0x4000  }
0x172: {  	[sflag:s12] =	ssyncset.done $0x0  }
0x173: {  	[sflag:s12] =	ssyncadd.s32 $0xFFFFC000  }
0x174: {  	_ =	swait.ge [sflag:s12], $0x4000  }
0x175: {  	[sflag:s12] =	ssyncset.done $0x0  }
0x176: {  	s16 =	simm.s32 $0x0;
	[sflag:s12] =	ssyncadd.s32 $0xFFFFC000  }
0x177: {  	v2 =	vld [tilespmem:s16+$0x10030]  }
0x178: {  	v10 =	vadd.s32 v10, v4;
	v0 =	vld [tilespmem:s16+$0x10000]  }
0x179: {  	v9 =	vadd.s32 v9, v1;
	v16 =	vand.u32 v4, v12;
	v8 =	vadd.s32 v8, v12;
	v4 =	vld [tilespmem:s16+$0x4010]  }
0x17a: {  	v12 =	vadd.s32 v13, v16;
	v8 =	vadd.s32 v3, v8;
	v9 =	vadd.s32 v11, v9;
	v13 =	vld [tilespmem:s16+$0x10010]  }
0x17b: {  	v10 =	vadd.s32 v14, v10;
	v16 =	vadd.s32 v7, v15;
	v1 =	vand.u32 v15, v1;
	v7 =	vld [tilespmem:s16+$0x4020]  }
0x17c: {  	v3 =	vand.u32 v14, v3;
	v15 =	vand.u32 v6, v11;
	v1 =	vadd.s32 v5, v1;
	v11 =	vld [tilespmem:s16+$0x10020]  }
0x17d: {  	s17 =	simm.s32 $0x100;
	v14 =	vadd.s32 v3, v12;
	v12 =	vadd.s32 v6, v16;
	v5 =	vadd.s32 v15, v1;
	v15 =	vld [tilespmem:s16+$0x4030]  }
.LBB2_28:
0x17e: {  	p0 =	sne.s32 s17, $0xFF00;
	v1 =	vld [tilespmem:s16+$0x4000];
	s16 =	sshra.s32 s17, $0x2;
	s17 =	sadd.s32 $0x100, s17  }
0x17f: {  	v3 =	vld [tilespmem:s16+$0x10030];
	v18 =	vadd.s32 v8, v13;
	v16 =	vand.u32 v4, v13  }
0x180: {  	v9 =	vadd.s32 v9, v0;
	v17 =	vld [tilespmem:s16+$0x10000];
	v8 =	vadd.s32 v2, v18;
	v6 =	vmov v7  }
.Ltmp13:
0x181: {  	v7 =	vadd.s32 v10, v4;
	v4 =	vld [tilespmem:s16+$0x4010];
	v9 =	vadd.s32 v11, v9;
	v18 =	vand.u32 v6, v11;
	(pc) =	sbr.rel @p0 .LBB2_28-.Ltmp13, $4  }
0x182: {  	v11 =	vadd.s32 v14, v16;
	v13 =	vld [tilespmem:s16+$0x10010];
	v10 =	vadd.s32 v15, v7;
	v15 =	vand.u32 v15, v2  }
0x183: {  	v7 =	vld [tilespmem:s16+$0x4020];
	v12 =	vadd.s32 v12, v1;
	v16 =	vand.u32 v1, v0;
	v14 =	vadd.s32 v15, v11  }
0x184: {  	v11 =	vld [tilespmem:s16+$0x10020];
	v1 =	vadd.s32 v5, v16;
	v12 =	vadd.s32 v6, v12;
	v2 =	vmov v3  }
0x185: {  	v15 =	vld [tilespmem:s16+$0x4030];
	v5 =	vadd.s32 v18, v1;
	v0 =	vmov v17  }
0x186: {  	v16 =	vld [tilespmem:s16+$0x4000];
	_ =	swait.ge [sflag:s13], $0x4000  }
0x187: {  	[sflag:s13] =	ssyncset.done $0x0  }
0x188: {  	[sflag:s13] =	ssyncadd.s32 $0xFFFFC000  }
0x189: {  	_ =	swait.ge [sflag:s13], $0x4000  }
0x18a: {  	[sflag:s13] =	ssyncset.done $0x0  }
0x18b: {  	s16 =	simm.s32 $0x0;
	[sflag:s13] =	ssyncadd.s32 $0xFFFFC000  }
0x18c: {  	v3 =	vld [tilespmem:s16+$0x14030]  }
0x18d: {  	v10 =	vadd.s32 v10, v4;
	v6 =	vand.u32 v4, v13;
	v8 =	vadd.s32 v8, v13;
	v1 =	vld [tilespmem:s16+$0x14000]  }
0x18e: {  	v14 =	vadd.s32 v14, v6;
	v6 =	vadd.s32 v2, v8;
	v8 =	vadd.s32 v9, v0;
	v4 =	vld [tilespmem:s16+$0x8010]  }
0x18f: {  	v8 =	vadd.s32 v11, v8;
	v13 =	vld [tilespmem:s16+$0x14010]  }
0x190: {  	v10 =	vadd.s32 v15, v10;
	v15 =	vand.u32 v15, v2;
	v0 =	vand.u32 v16, v0;
	v2 =	vld [tilespmem:s16+$0x8020]  }
0x191: {  	v63 =	vand.u32 v7, v11;
	v17 =	vadd.s32 v12, v16;
	v0 =	vadd.s32 v5, v0;
	v9 =	vld [tilespmem:s16+$0x14020]  }
0x192: {  	s17 =	simm.s32 $0x100;
	v12 =	vadd.s32 v15, v14;
	v11 =	vadd.s32 v7, v17;
	v14 =	vld [tilespmem:s16+$0x8030];
	v7 =	vadd.s32 v63, v0  }
.LBB2_30:
0x193: {  	p0 =	sne.s32 s17, $0xFF00;
	v0 =	vld [tilespmem:s16+$0x8000];
	s16 =	sshra.s32 s17, $0x2;
	s17 =	sadd.s32 $0x100, s17  }
0x194: {  	v5 =	vld [tilespmem:s16+$0x14030];
	v6 =	vadd.s32 v6, v13;
	v15 =	vand.u32 v4, v13  }
0x195: {  	v8 =	vadd.s32 v8, v1;
	v16 =	vld [tilespmem:s16+$0x14000];
	v6 =	vadd.s32 v3, v6;
	v17 =	vmov v2  }
.Ltmp14:
0x196: {  	v2 =	vadd.s32 v10, v4;
	v4 =	vld [tilespmem:s16+$0x8010];
	v8 =	vadd.s32 v9, v8;
	v18 =	vand.u32 v17, v9;
	(pc) =	sbr.rel @p0 .LBB2_30-.Ltmp14, $4  }
0x197: {  	v9 =	vadd.s32 v12, v15;
	v13 =	vld [tilespmem:s16+$0x14010];
	v10 =	vadd.s32 v14, v2;
	v14 =	vand.u32 v14, v3  }
0x198: {  	v2 =	vld [tilespmem:s16+$0x8020];
	v11 =	vadd.s32 v11, v0;
	v0 =	vand.u32 v0, v1;
	v12 =	vadd.s32 v14, v9  }
0x199: {  	v9 =	vld [tilespmem:s16+$0x14020];
	v0 =	vadd.s32 v7, v0;
	v11 =	vadd.s32 v17, v11;
	v3 =	vmov v5  }
0x19a: {  	v14 =	vld [tilespmem:s16+$0x8030];
	v7 =	vadd.s32 v18, v0;
	v1 =	vmov v16  }
0x19b: {  	v15 =	vld [tilespmem:s16+$0x8000];
	_ =	swait.ge [sflag:s11], $0x4000  }
0x19c: {  	[sflag:s11] =	ssyncset.done $0x0  }
0x19d: {  	[sflag:s11] =	ssyncadd.s32 $0xFFFFC000  }
0x19e: {  	_ =	swait.ge [sflag:s11], $0x4000  }
0x19f: {  	[sflag:s11] =	ssyncset.done $0x0  }
0x1a0: {  	s16 =	simm.s32 $0x0;
	[sflag:s11] =	ssyncadd.s32 $0xFFFFC000  }
0x1a1: {  	v0 =	vld [tilespmem:s16+$0xC030]  }
0x1a2: {  	v8 =	vadd.s32 v8, v1;
	v5 =	vld [tilespmem:s16+$0xC000]  }
0x1a3: {  	v16 =	vand.u32 v4, v13;
	v6 =	vadd.s32 v6, v13;
	v13 =	vadd.s32 v10, v4;
	v4 =	vld [tilespmem:s16+$0x10]  }
0x1a4: {  	v16 =	vadd.s32 v12, v16;
	v10 =	vadd.s32 v3, v6;
	v8 =	vadd.s32 v9, v8;
	v12 =	vld [tilespmem:s16+$0xC010]  }
0x1a5: {  	v6 =	vadd.s32 v14, v13;
	v13 =	vand.u32 v14, v3;
	v1 =	vand.u32 v15, v1;
	v3 =	vld [tilespmem:s16+$0x20]  }
0x1a6: {  	v9 =	vand.u32 v2, v9;
	v14 =	vadd.s32 v11, v15;
	v1 =	vadd.s32 v7, v1;
	v11 =	vld [tilespmem:s16+$0xC020]  }
0x1a7: {  	s17 =	simm.s32 $0x100;
	v7 =	vadd.s32 v13, v16;
	v2 =	vadd.s32 v2, v14;
	v1 =	vadd.s32 v9, v1;
	v9 =	vld [tilespmem:s16+$0x30]  }
.LBB2_32:
0x1a8: {  	p0 =	sne.s32 s17, $0xFF00;
	v13 =	vld [tilespmem:s16+$0x0];
	s16 =	sshra.s32 s17, $0x2;
	s17 =	sadd.s32 $0x100, s17  }
0x1a9: {  	v14 =	vld [tilespmem:s16+$0xC030];
	v10 =	vadd.s32 v10, v12;
	v15 =	vand.u32 v4, v12  }
0x1aa: {  	v8 =	vadd.s32 v8, v5;
	v16 =	vld [tilespmem:s16+$0xC000];
	v10 =	vadd.s32 v0, v10;
	v17 =	vmov v3  }
.Ltmp15:
0x1ab: {  	v3 =	vadd.s32 v6, v4;
	v4 =	vld [tilespmem:s16+$0x10];
	v8 =	vadd.s32 v11, v8;
	v18 =	vand.u32 v17, v11;
	(pc) =	sbr.rel @p0 .LBB2_32-.Ltmp15, $4  }
0x1ac: {  	v7 =	vadd.s32 v7, v15;
	v12 =	vld [tilespmem:s16+$0xC010];
	v6 =	vadd.s32 v9, v3;
	v9 =	vand.u32 v9, v0  }
0x1ad: {  	v3 =	vld [tilespmem:s16+$0x20];
	v2 =	vadd.s32 v2, v13;
	v13 =	vand.u32 v13, v5;
	v7 =	vadd.s32 v9, v7  }
0x1ae: {  	v11 =	vld [tilespmem:s16+$0xC020];
	v1 =	vadd.s32 v1, v13;
	v2 =	vadd.s32 v17, v2;
	v0 =	vmov v14  }
0x1af: {  	v9 =	vld [tilespmem:s16+$0x30];
	v1 =	vadd.s32 v18, v1;
	v5 =	vmov v16  }
0x1b0: {  	v13 =	vld [tilespmem:s16+$0x0];
	_ =	sdelay $0x1  }
0x1b1: {  	v8 =	vadd.s32 v8, v5;
	v10 =	vadd.s32 v10, v12;
	v57 =	vand.u32 v4, v12  }
0x1b2: {  	v58 =	vadd.s32 v6, v4;
	v10 =	vadd.s32 v0, v10;
	v7 =	vadd.s32 v7, v57  }
0x1b3: {  	v59 =	vadd.s32 v11, v8;
	v60 =	vand.u32 v3, v11;
	v4 =	vadd.s32 v9, v58  }
0x1b4: {  	v62 =	vand.u32 v9, v0;
	v2 =	vadd.s32 v2, v13;
	v61 =	vand.u32 v13, v5  }
0x1b5: {  	v63 =	vadd.s32 v59, v10;
	v2 =	vadd.s32 v3, v2;
	v1 =	vadd.s32 v1, v61  }
0x1b6: {  	s15 =	sadd.s32 $0x1, s15;
	v0 =	vadd.s32 v62, v7;
	[tilespmem:$0x18080] =	vst v63;
	v2 =	vadd.s32 v2, v4;
	v1 =	vadd.s32 v60, v1  }
0x1b7: {  	p0 =	sne.s32 s15, s5;
	[tilespmem:$0x18000] =	vst v2;
	v0 =	vadd.s32 v1, v0  }
.Ltmp16:
0x1b8: {  	s17 =	simm.s32 $0x18000;
	[tilespmem:$0x18100] =	vst v0;
	(pc) =	sbr.rel @p0 .LBB2_1-.Ltmp16, $4  }
0x1b9: {  	[hbm4b:s4+s1] =	stream.linear.scatter [tilespmem:s17], [sflag:$0x4], $0x180, $0x38;
	[tilespmem:$0x18200] =	vst v63  }
0x1ba: {  	_ =	swait.ge [sflag:s14], $0x180  }
0x1bb: {  	[sflag:s14] =	ssyncset.done $0x0  }
0x1bc: {  	[sflag:s14] =	ssyncadd.s32 $0xFFFFFE80  }
0x1bd: {  	_ =	sfence.sel $0x180000  }
0x1be: {  	[bflag:$0x0] =	sbarrier.arrive $0xFFFF  }
0x1bf: {  	_ =	strace $0x90000047  }
0x1c0: {  	s0 =	stileid.u32;
	[bflag:$0x2] =	sbarrier.arrive $0xFFFF  }
0x1c1: {  	p0 =	sne.s32 s0, $0x0;
	s0 =	rddreg [dreg:$0x3]  }
0x1c2: {  	s0 =	sadd.s32 @!p0 $0x100000, s0  }
0x1c3: {  	[sflag:s0] =	ssyncadd.tile.s32 @!p0 $0x1;
	_ =	shalt  }
.Lfunc_end2:
_tile_overlayer_lowered:
.L_overlay_start_2:
0x1c4: {  	(tag) =	ssettag $0x2  }
0x1c5: {  	s0 =	rddreg [dreg:$0x0];
	s2 =	stileid.u32  }
0x1c6: {  	s1 =	rddreg [dreg:$0x1];
	p0 =	sne.s32 s2, $0x0  }
0x1c7: {  	s3 =	rddreg [dreg:$0x2];
	[bflag:$0x3] =	sbarrier.arrive $0xFFFF;
	s2 =	simm.s32 @!p0 $0x1C04  }
0x1c8: {  	[timem:s3], [sflag:s2] =	dma.local @!p0 [hbm:s0], s1  }
0x1c9: {  	s0 =	simm.s32 @!p0 $0x4  }
0x1ca: {  	_ =	swait.ge @!p0 [sflag:s0], s1  }
0x1cb: {  	s1 =	ssub.s32 @!p0 $0x0, s1;
	[sflag:s0] =	ssyncset.done @!p0 $0x0  }
0x1cc: {  	[sflag:s0] =	ssyncadd.s32 @!p0 s1  }
0x1cd: {  	[bflag:$0x3] =	sbarrier.arrive $0xFFFF  }
0x1ce: {  	_ =	shalt  }

</sc_bundles>
